<compile_context>
chip_gen: v7x
topology: tpu7x:2x2x1
jax: 0.10.2.dev20260603
libtpu: 0.0.44.dev20260713+nightly
codegen_flags: <defaults>
</compile_context>

<pallas_src>
import functools

import jax
import jax.numpy as jnp
from jax import lax
from jax.experimental import pallas as pl
from jax.experimental.pallas import tpu as pltpu
from jax.experimental.pallas import tpu_sc as plsc

B, DEC, ENC, V = 4, 64, 512, 32000
H, A = 1024, 192
R = B * DEC
L = 16
G = ENC // L
NW = 32
SPLIT = 128
NBUF = 3


def _sigmoid(x):
    return 1.0 / (1.0 + jnp.exp(-x))


def _dense_body(att_ref, hid_ref, wiv_ref, biv_ref, wpg_ref, bpg_ref,
                add_ref, pg_ref):
    att = att_ref[...]
    iva = jnp.sum(att * wiv_ref[...][None, :, :], axis=1)
    iva = _sigmoid(iva + biv_ref[0, 0])
    pg = _sigmoid(hid_ref[...] @ wpg_ref[...] + bpg_ref[0, 0])
    add_ref[...] = (1.0 - pg) * iva
    pg_ref[...] = jnp.broadcast_to(pg, (pg.shape[0], 128))


def _dense_chunk(row0, nrows, att3, hid2, W_iv, b_iv2, W_pg, b_pg2):
    RB = 8
    off = row0 // RB
    return pl.pallas_call(
        _dense_body,
        grid=(nrows // RB,),
        in_specs=[
            pl.BlockSpec((RB, A, ENC), lambda i: (i + off, 0, 0)),
            pl.BlockSpec((RB, H), lambda i: (i + off, 0)),
            pl.BlockSpec((A, 1), lambda i: (0, 0)),
            pl.BlockSpec((1, 1), lambda i: (0, 0)),
            pl.BlockSpec((H, 1), lambda i: (0, 0)),
            pl.BlockSpec((1, 1), lambda i: (0, 0)),
        ],
        out_specs=[
            pl.BlockSpec((RB, ENC), lambda i: (i, 0)),
            pl.BlockSpec((RB, 128), lambda i: (i, 0)),
        ],
        out_shape=[
            jax.ShapeDtypeStruct((nrows, ENC), jnp.float32),
            jax.ShapeDtypeStruct((nrows, 128), jnp.float32),
        ],
        name=f"dense_rows{row0}",
    )(att3, hid2, W_iv, b_iv2, W_pg, b_pg2)


def _make_sc_kernel(row0, nrows, makes_output):
    rows_w = nrows // NW
    mesh = plsc.VectorSubcoreMesh(core_axis_name="c", subcore_axis_name="s")
    scratch = (
        [pltpu.VMEM((V,), jnp.float32) for _ in range(NBUF)]
        + [
            pltpu.VMEM((rows_w * ENC,), jnp.float32),
            pltpu.VMEM((rows_w * 128,), jnp.float32),
            pltpu.VMEM((B * ENC,), jnp.int32),
        ]
        + [pltpu.SemaphoreType.DMA] * (2 * NBUF + 1)
    )

    @functools.partial(
        pl.kernel,
        mesh=mesh,
        out_type=(jax.ShapeDtypeStruct((R, V), jnp.float32)
                  if makes_output else ()),
        scratch_types=scratch,
        compiler_params=pltpu.CompilerParams(needs_layout_passes=False),
        name=f"sc_scatter_rows{row0}",
    )
    def sc_kernel(ovp_hbm, pg_hbm, add_hbm, idx_hbm, out_hbm, *scr):
        bufs = scr[:NBUF]
        add_v, pg_v, idx_v = scr[NBUF:NBUF + 3]
        in_sems = scr[NBUF + 3:NBUF + 3 + NBUF]
        out_sems = scr[NBUF + 3 + NBUF:NBUF + 3 + 2 * NBUF]
        pre_sem = scr[NBUF + 3 + 2 * NBUF]

        wid = lax.axis_index("s") * 2 + lax.axis_index("c")
        base = wid * rows_w

        pres = []
        for i in range(rows_w):
            pres.append(pltpu.async_copy(
                add_hbm.at[base + i], add_v.at[pl.ds(i * ENC, ENC)], pre_sem))
            pres.append(pltpu.async_copy(
                pg_hbm.at[base + i], pg_v.at[pl.ds(i * 128, 128)], pre_sem))
        pres.append(pltpu.async_copy(idx_hbm, idx_v, pre_sem))

        in_descs = [None] * rows_w
        out_descs = [None] * rows_w

        def start_in(r):
            in_descs[r] = pltpu.async_copy(
                ovp_hbm.at[row0 + base + r], bufs[r % NBUF], in_sems[r % NBUF])

        for r in range(min(NBUF, rows_w)):
            start_in(r)

        for p in pres:
            p.wait()

        def start_out(r):
            out_descs[r] = pltpu.async_copy(
                bufs[r % NBUF], out_hbm.at[row0 + base + r], out_sems[r % NBUF])

        for i in range(rows_w):
            row = bufs[i % NBUF]
            in_descs[i].wait()

            pgv = pg_v[pl.ds(i * 128, L)]

            UN = 8

            def scale_body(j, carry):
                off = j * (L * UN)
                for k in range(UN):
                    o = off + k * L
                    row[pl.ds(o, L)] = row[pl.ds(o, L)] * pgv
                return carry

            lax.fori_loop(0, V // (L * UN), scale_body, 0)

            if i > 0:
                start_out(i - 1)
                if (i - 1) + NBUF < rows_w:
                    out_descs[i - 1].wait()
                    start_in(i - 1 + NBUF)

            b_i = (row0 + base + i) // DEC

            def scatter_group(g, carry):
                e0 = g * L
                il = idx_v[pl.ds(b_i * ENC + e0, L)]
                v = add_v[pl.ds(i * ENC + e0, L)]
                plsc.addupdate_scatter(row, [il], v)
                return carry

            lax.fori_loop(0, G, scatter_group, 0)

        pl.delay(32)
        start_out(rows_w - 1)
        for i in range(max(0, rows_w - NBUF), rows_w):
            out_descs[i].wait()

    return sc_kernel


_sc_kernel0 = _make_sc_kernel(0, SPLIT, True)
_sc_kernel1 = _make_sc_kernel(SPLIT, R - SPLIT, False)


def kernel(input_ids, attentions, hidden_states, output_vocabulary_probabilities,
           W_pg, b_pg, W_iv, b_iv):
    att3 = attentions.transpose(0, 1, 3, 2).reshape(R, A, ENC)
    hid2 = hidden_states.reshape(R, H)
    ovp2 = output_vocabulary_probabilities.reshape(R, V)
    b_iv2 = b_iv.reshape(1, 1)
    b_pg2 = b_pg.reshape(1, 1)

    add0, pg0 = _dense_chunk(0, SPLIT, att3, hid2, W_iv, b_iv2, W_pg, b_pg2)
    ids_flat = input_ids.reshape(B * ENC)
    out_full = _sc_kernel0(ovp2, pg0, add0, ids_flat)
    out_ref = jax.new_ref(out_full)
    add1, pg1 = _dense_chunk(SPLIT, R - SPLIT, att3, hid2, W_iv, b_iv2,
                             W_pg, b_pg2)
    _sc_kernel1(ovp2, pg1, add1, ids_flat, out_ref)
    return jax.freeze(out_ref).reshape(B, DEC, V)

# --- scband reference (transcript-rebuilt; emitter-appended) ---
"""Pipeline reference for scband-pointer-3779571220753 (READ-ONLY COPY).

The authoritative reference and input builder live on the scoring server;
editing this copy changes nothing except your own understanding.
"""

import jax, jax.numpy as jnp
import numpy as np

B, DEC, ENC, V = 4, 64, 512, 32000
H, A = 1024, 192

def setup_inputs(seed: int = 0) -> dict:
    key = jax.random.key(seed)
    ks = jax.random.split(key, 8)
    input_ids = jax.random.randint(ks[0], (B, ENC), 0, V, dtype=jnp.int32)
    attentions = jax.random.normal(ks[1], (B, DEC, ENC, A), dtype=jnp.float32)
    hidden_states = jax.random.normal(ks[2], (B, DEC, H), dtype=jnp.float32)
    output_vocabulary_probabilities = jax.random.uniform(ks[3], (B, DEC, V), dtype=jnp.float32)
    W_pg = jax.random.normal(ks[4], (H, 1), dtype=jnp.float32) * 0.02
    b_pg = jnp.zeros((1,), dtype=jnp.float32)
    W_iv = jax.random.normal(ks[5], (A, 1), dtype=jnp.float32) * 0.02
    b_iv = jnp.zeros((1,), dtype=jnp.float32)
    return {"input_ids": input_ids, "attentions": attentions, "hidden_states": hidden_states,
            "output_vocabulary_probabilities": output_vocabulary_probabilities,
            "W_pg": W_pg, "b_pg": b_pg, "W_iv": W_iv, "b_iv": b_iv}

def reference(input_ids, attentions, hidden_states, output_vocabulary_probabilities, W_pg, b_pg, W_iv, b_iv):
    Bs, Ds, Vs = output_vocabulary_probabilities.shape
    Es = input_ids.shape[-1]
    # input_ids.unsqueeze(-2).expand(-1, dec, -1)
    idx = jnp.broadcast_to(input_ids[:, None, :], (Bs, Ds, Es))
    # p_gen = Sigmoid(Linear(hidden_states))  -> [B, DEC, 1]
    p_gen = jax.nn.sigmoid(hidden_states @ W_pg + b_pg)
    min_p_gen = p_gen.min()  # side-effect in torch (pgen_list); unused for output
    del min_p_gen
    # input_vocabulary_addition = Sigmoid(Linear(attentions)).squeeze() -> [B, DEC, ENC]
    iva = jax.nn.sigmoid(attentions @ W_iv + b_iv)[..., 0]
    base = p_gen * output_vocabulary_probabilities
    add = (1.0 - p_gen) * iva
    b_idx = jnp.arange(Bs)[:, None, None]
    d_idx = jnp.arange(Ds)[None, :, None]
    out = base.at[b_idx, d_idx, idx].add(add)
    return out

if __name__ == "__main__":
    import jax
    _d = setup_inputs()
    print(jax.jit(kernel)(*tuple(_d.values())))

</pallas_src>

<mosaic_0001>
#map = affine_map<(d0, d1) -> (0, 0)>
#map1 = affine_map<(d0, d1) -> (0)>
module attributes {stable_mosaic.version = 14 : i64} {
  func.func @new_body(%arg0: i32, %arg1: i32, %arg2: memref<256x32000xf32, #tpu.memory_space<hbm>>, %arg3: memref<128x128xf32, #tpu.memory_space<hbm>>, %arg4: memref<128x512xf32, #tpu.memory_space<hbm>>, %arg5: memref<2048xi32, #tpu.memory_space<hbm>>, %arg6: memref<256x32000xf32, #tpu.memory_space<hbm>>, %arg7: memref<256x32000xf32, #tpu.memory_space<hbm>>, %arg8: memref<32000xf32, #tpu.memory_space<vmem>>, %arg9: memref<32000xf32, #tpu.memory_space<vmem>>, %arg10: memref<32000xf32, #tpu.memory_space<vmem>>, %arg11: memref<2048xf32, #tpu.memory_space<vmem>>, %arg12: memref<512xf32, #tpu.memory_space<vmem>>, %arg13: memref<2048xi32, #tpu.memory_space<vmem>>, %arg14: memref<!tpu.dma_semaphore, #tpu.memory_space<semaphore_mem>>, %arg15: memref<!tpu.dma_semaphore, #tpu.memory_space<semaphore_mem>>, %arg16: memref<!tpu.dma_semaphore, #tpu.memory_space<semaphore_mem>>, %arg17: memref<!tpu.dma_semaphore, #tpu.memory_space<semaphore_mem>>, %arg18: memref<!tpu.dma_semaphore, #tpu.memory_space<semaphore_mem>>, %arg19: memref<!tpu.dma_semaphore, #tpu.memory_space<semaphore_mem>>, %arg20: memref<!tpu.dma_semaphore, #tpu.memory_space<semaphore_mem>>) attributes {dimension_semantics = [#tpu.dimension_semantics<core_parallel>, #tpu.dimension_semantics<subcore_parallel>], iteration_bounds = array<i64: 2, 16>, scalar_prefetch = 0 : i64, scratch_operands = 13 : i64, tpu.core_type = #tpu.core_type<sc_vector_subcore>, window_params = [{transform_indices = #map}, {transform_indices = #map}, {transform_indices = #map}, {transform_indices = #map1}, {transform_indices = #map}, {transform_indices = #map}]} {
    %mul3A = arith.constant 2 : i32
    %mul3A_0 = arith.muli %arg1, %mul3A : i32
    %add3A = arith.addi %mul3A_0, %arg0 : i32
    %mul3A_1 = arith.constant 4 : i32
    %mul3A_2 = arith.muli %add3A, %mul3A_1 : i32
    %add3A_3 = arith.constant 0 : i32
    %add3A_4 = arith.addi %mul3A_2, %add3A_3 : i32
    %dma_start3A = arith.constant 0 : i32
    %dma_start3A_5 = tpu.memref_slice %arg11[%dma_start3A] : memref<2048xf32, #tpu.memory_space<vmem>> -> memref<512xf32, #tpu.memory_space<vmem>>
    %dma_start3A_6 = arith.constant 0 : i32
    %dma_start3A_7 = tpu.memref_slice %arg4[%add3A_4, %dma_start3A_6] : memref<128x512xf32, #tpu.memory_space<hbm>> -> memref<1x512xf32, #tpu.memory_space<hbm>>
    %dma_start3A_8 = tpu.memref_squeeze %dma_start3A_7 : memref<1x512xf32, #tpu.memory_space<hbm>> -> memref<512xf32, #tpu.memory_space<hbm>>
    %dma_start3A_9 = arith.constant 0 : i32
    %dma_start3A_10 = tpu.memref_slice %arg11[%dma_start3A_9] : memref<2048xf32, #tpu.memory_space<vmem>> -> memref<512xf32, #tpu.memory_space<vmem>>
    %dma_start3A_11 = arith.constant 0 : i32
    %dma_start3A_12 = tpu.memref_slice %arg4[%add3A_4, %dma_start3A_11] : memref<128x512xf32, #tpu.memory_space<hbm>> -> memref<1x512xf32, #tpu.memory_space<hbm>>
    %dma_start3A_13 = tpu.memref_squeeze %dma_start3A_12 : memref<1x512xf32, #tpu.memory_space<hbm>> -> memref<512xf32, #tpu.memory_space<hbm>>
    tpu.enqueue_dma source(%dma_start3A_13 : memref<512xf32, #tpu.memory_space<hbm>>) target(%dma_start3A_10 : memref<512xf32, #tpu.memory_space<vmem>>) target_semaphore(%arg20 : memref<!tpu.dma_semaphore, #tpu.memory_space<semaphore_mem>>)
    %add3A_14 = arith.constant 0 : i32
    %add3A_15 = arith.addi %mul3A_2, %add3A_14 : i32
    %dma_start3A_16 = arith.constant 0 : i32
    %dma_start3A_17 = tpu.memref_slice %arg12[%dma_start3A_16] : memref<512xf32, #tpu.memory_space<vmem>> -> memref<128xf32, #tpu.memory_space<vmem>>
    %dma_start3A_18 = arith.constant 0 : i32
    %dma_start3A_19 = tpu.memref_slice %arg3[%add3A_15, %dma_start3A_18] : memref<128x128xf32, #tpu.memory_space<hbm>> -> memref<1x128xf32, #tpu.memory_space<hbm>>
    %dma_start3A_20 = tpu.memref_squeeze %dma_start3A_19 : memref<1x128xf32, #tpu.memory_space<hbm>> -> memref<128xf32, #tpu.memory_space<hbm>>
    %dma_start3A_21 = arith.constant 0 : i32
    %dma_start3A_22 = tpu.memref_slice %arg12[%dma_start3A_21] : memref<512xf32, #tpu.memory_space<vmem>> -> memref<128xf32, #tpu.memory_space<vmem>>
    %dma_start3A_23 = arith.constant 0 : i32
    %dma_start3A_24 = tpu.memref_slice %arg3[%add3A_15, %dma_start3A_23] : memref<128x128xf32, #tpu.memory_space<hbm>> -> memref<1x128xf32, #tpu.memory_space<hbm>>
    %dma_start3A_25 = tpu.memref_squeeze %dma_start3A_24 : memref<1x128xf32, #tpu.memory_space<hbm>> -> memref<128xf32, #tpu.memory_space<hbm>>
    tpu.enqueue_dma source(%dma_start3A_25 : memref<128xf32, #tpu.memory_space<hbm>>) target(%dma_start3A_22 : memref<128xf32, #tpu.memory_space<vmem>>) target_semaphore(%arg20 : memref<!tpu.dma_semaphore, #tpu.memory_space<semaphore_mem>>)
    %add3A_26 = arith.constant 1 : i32
    %add3A_27 = arith.addi %mul3A_2, %add3A_26 : i32
    %dma_start3A_28 = arith.constant 512 : i32
    %dma_start3A_29 = tpu.memref_slice %arg11[%dma_start3A_28] : memref<2048xf32, #tpu.memory_space<vmem>> -> memref<512xf32, #tpu.memory_space<vmem>>
    %dma_start3A_30 = arith.constant 0 : i32
    %dma_start3A_31 = tpu.memref_slice %arg4[%add3A_27, %dma_start3A_30] : memref<128x512xf32, #tpu.memory_space<hbm>> -> memref<1x512xf32, #tpu.memory_space<hbm>>
    %dma_start3A_32 = tpu.memref_squeeze %dma_start3A_31 : memref<1x512xf32, #tpu.memory_space<hbm>> -> memref<512xf32, #tpu.memory_space<hbm>>
    %dma_start3A_33 = arith.constant 512 : i32
    %dma_start3A_34 = tpu.memref_slice %arg11[%dma_start3A_33] : memref<2048xf32, #tpu.memory_space<vmem>> -> memref<512xf32, #tpu.memory_space<vmem>>
    %dma_start3A_35 = arith.constant 0 : i32
    %dma_start3A_36 = tpu.memref_slice %arg4[%add3A_27, %dma_start3A_35] : memref<128x512xf32, #tpu.memory_space<hbm>> -> memref<1x512xf32, #tpu.memory_space<hbm>>
    %dma_start3A_37 = tpu.memref_squeeze %dma_start3A_36 : memref<1x512xf32, #tpu.memory_space<hbm>> -> memref<512xf32, #tpu.memory_space<hbm>>
    tpu.enqueue_dma source(%dma_start3A_37 : memref<512xf32, #tpu.memory_space<hbm>>) target(%dma_start3A_34 : memref<512xf32, #tpu.memory_space<vmem>>) target_semaphore(%arg20 : memref<!tpu.dma_semaphore, #tpu.memory_space<semaphore_mem>>)
    %add3A_38 = arith.constant 1 : i32
    %add3A_39 = arith.addi %mul3A_2, %add3A_38 : i32
    %dma_start3A_40 = arith.constant 128 : i32
    %dma_start3A_41 = tpu.memref_slice %arg12[%dma_start3A_40] : memref<512xf32, #tpu.memory_space<vmem>> -> memref<128xf32, #tpu.memory_space<vmem>>
    %dma_start3A_42 = arith.constant 0 : i32
    %dma_start3A_43 = tpu.memref_slice %arg3[%add3A_39, %dma_start3A_42] : memref<128x128xf32, #tpu.memory_space<hbm>> -> memref<1x128xf32, #tpu.memory_space<hbm>>
    %dma_start3A_44 = tpu.memref_squeeze %dma_start3A_43 : memref<1x128xf32, #tpu.memory_space<hbm>> -> memref<128xf32, #tpu.memory_space<hbm>>
    %dma_start3A_45 = arith.constant 128 : i32
    %dma_start3A_46 = tpu.memref_slice %arg12[%dma_start3A_45] : memref<512xf32, #tpu.memory_space<vmem>> -> memref<128xf32, #tpu.memory_space<vmem>>
    %dma_start3A_47 = arith.constant 0 : i32
    %dma_start3A_48 = tpu.memref_slice %arg3[%add3A_39, %dma_start3A_47] : memref<128x128xf32, #tpu.memory_space<hbm>> -> memref<1x128xf32, #tpu.memory_space<hbm>>
    %dma_start3A_49 = tpu.memref_squeeze %dma_start3A_48 : memref<1x128xf32, #tpu.memory_space<hbm>> -> memref<128xf32, #tpu.memory_space<hbm>>
    tpu.enqueue_dma source(%dma_start3A_49 : memref<128xf32, #tpu.memory_space<hbm>>) target(%dma_start3A_46 : memref<128xf32, #tpu.memory_space<vmem>>) target_semaphore(%arg20 : memref<!tpu.dma_semaphore, #tpu.memory_space<semaphore_mem>>)
    %add3A_50 = arith.constant 2 : i32
    %add3A_51 = arith.addi %mul3A_2, %add3A_50 : i32
    %dma_start3A_52 = arith.constant 1024 : i32
    %dma_start3A_53 = tpu.memref_slice %arg11[%dma_start3A_52] : memref<2048xf32, #tpu.memory_space<vmem>> -> memref<512xf32, #tpu.memory_space<vmem>>
    %dma_start3A_54 = arith.constant 0 : i32
    %dma_start3A_55 = tpu.memref_slice %arg4[%add3A_51, %dma_start3A_54] : memref<128x512xf32, #tpu.memory_space<hbm>> -> memref<1x512xf32, #tpu.memory_space<hbm>>
    %dma_start3A_56 = tpu.memref_squeeze %dma_start3A_55 : memref<1x512xf32, #tpu.memory_space<hbm>> -> memref<512xf32, #tpu.memory_space<hbm>>
    %dma_start3A_57 = arith.constant 1024 : i32
    %dma_start3A_58 = tpu.memref_slice %arg11[%dma_start3A_57] : memref<2048xf32, #tpu.memory_space<vmem>> -> memref<512xf32, #tpu.memory_space<vmem>>
    %dma_start3A_59 = arith.constant 0 : i32
    %dma_start3A_60 = tpu.memref_slice %arg4[%add3A_51, %dma_start3A_59] : memref<128x512xf32, #tpu.memory_space<hbm>> -> memref<1x512xf32, #tpu.memory_space<hbm>>
    %dma_start3A_61 = tpu.memref_squeeze %dma_start3A_60 : memref<1x512xf32, #tpu.memory_space<hbm>> -> memref<512xf32, #tpu.memory_space<hbm>>
    tpu.enqueue_dma source(%dma_start3A_61 : memref<512xf32, #tpu.memory_space<hbm>>) target(%dma_start3A_58 : memref<512xf32, #tpu.memory_space<vmem>>) target_semaphore(%arg20 : memref<!tpu.dma_semaphore, #tpu.memory_space<semaphore_mem>>)
    %add3A_62 = arith.constant 2 : i32
    %add3A_63 = arith.addi %mul3A_2, %add3A_62 : i32
    %dma_start3A_64 = arith.constant 256 : i32
    %dma_start3A_65 = tpu.memref_slice %arg12[%dma_start3A_64] : memref<512xf32, #tpu.memory_space<vmem>> -> memref<128xf32, #tpu.memory_space<vmem>>
    %dma_start3A_66 = arith.constant 0 : i32
    %dma_start3A_67 = tpu.memref_slice %arg3[%add3A_63, %dma_start3A_66] : memref<128x128xf32, #tpu.memory_space<hbm>> -> memref<1x128xf32, #tpu.memory_space<hbm>>
    %dma_start3A_68 = tpu.memref_squeeze %dma_start3A_67 : memref<1x128xf32, #tpu.memory_space<hbm>> -> memref<128xf32, #tpu.memory_space<hbm>>
    %dma_start3A_69 = arith.constant 256 : i32
    %dma_start3A_70 = tpu.memref_slice %arg12[%dma_start3A_69] : memref<512xf32, #tpu.memory_space<vmem>> -> memref<128xf32, #tpu.memory_space<vmem>>
    %dma_start3A_71 = arith.constant 0 : i32
    %dma_start3A_72 = tpu.memref_slice %arg3[%add3A_63, %dma_start3A_71] : memref<128x128xf32, #tpu.memory_space<hbm>> -> memref<1x128xf32, #tpu.memory_space<hbm>>
    %dma_start3A_73 = tpu.memref_squeeze %dma_start3A_72 : memref<1x128xf32, #tpu.memory_space<hbm>> -> memref<128xf32, #tpu.memory_space<hbm>>
    tpu.enqueue_dma source(%dma_start3A_73 : memref<128xf32, #tpu.memory_space<hbm>>) target(%dma_start3A_70 : memref<128xf32, #tpu.memory_space<vmem>>) target_semaphore(%arg20 : memref<!tpu.dma_semaphore, #tpu.memory_space<semaphore_mem>>)
    %add3A_74 = arith.constant 3 : i32
    %add3A_75 = arith.addi %mul3A_2, %add3A_74 : i32
    %dma_start3A_76 = arith.constant 1536 : i32
    %dma_start3A_77 = tpu.memref_slice %arg11[%dma_start3A_76] : memref<2048xf32, #tpu.memory_space<vmem>> -> memref<512xf32, #tpu.memory_space<vmem>>
    %dma_start3A_78 = arith.constant 0 : i32
    %dma_start3A_79 = tpu.memref_slice %arg4[%add3A_75, %dma_start3A_78] : memref<128x512xf32, #tpu.memory_space<hbm>> -> memref<1x512xf32, #tpu.memory_space<hbm>>
    %dma_start3A_80 = tpu.memref_squeeze %dma_start3A_79 : memref<1x512xf32, #tpu.memory_space<hbm>> -> memref<512xf32, #tpu.memory_space<hbm>>
    %dma_start3A_81 = arith.constant 1536 : i32
    %dma_start3A_82 = tpu.memref_slice %arg11[%dma_start3A_81] : memref<2048xf32, #tpu.memory_space<vmem>> -> memref<512xf32, #tpu.memory_space<vmem>>
    %dma_start3A_83 = arith.constant 0 : i32
    %dma_start3A_84 = tpu.memref_slice %arg4[%add3A_75, %dma_start3A_83] : memref<128x512xf32, #tpu.memory_space<hbm>> -> memref<1x512xf32, #tpu.memory_space<hbm>>
    %dma_start3A_85 = tpu.memref_squeeze %dma_start3A_84 : memref<1x512xf32, #tpu.memory_space<hbm>> -> memref<512xf32, #tpu.memory_space<hbm>>
    tpu.enqueue_dma source(%dma_start3A_85 : memref<512xf32, #tpu.memory_space<hbm>>) target(%dma_start3A_82 : memref<512xf32, #tpu.memory_space<vmem>>) target_semaphore(%arg20 : memref<!tpu.dma_semaphore, #tpu.memory_space<semaphore_mem>>)
    %add3A_86 = arith.constant 3 : i32
    %add3A_87 = arith.addi %mul3A_2, %add3A_86 : i32
    %dma_start3A_88 = arith.constant 384 : i32
    %dma_start3A_89 = tpu.memref_slice %arg12[%dma_start3A_88] : memref<512xf32, #tpu.memory_space<vmem>> -> memref<128xf32, #tpu.memory_space<vmem>>
    %dma_start3A_90 = arith.constant 0 : i32
    %dma_start3A_91 = tpu.memref_slice %arg3[%add3A_87, %dma_start3A_90] : memref<128x128xf32, #tpu.memory_space<hbm>> -> memref<1x128xf32, #tpu.memory_space<hbm>>
    %dma_start3A_92 = tpu.memref_squeeze %dma_start3A_91 : memref<1x128xf32, #tpu.memory_space<hbm>> -> memref<128xf32, #tpu.memory_space<hbm>>
    %dma_start3A_93 = arith.constant 384 : i32
    %dma_start3A_94 = tpu.memref_slice %arg12[%dma_start3A_93] : memref<512xf32, #tpu.memory_space<vmem>> -> memref<128xf32, #tpu.memory_space<vmem>>
    %dma_start3A_95 = arith.constant 0 : i32
    %dma_start3A_96 = tpu.memref_slice %arg3[%add3A_87, %dma_start3A_95] : memref<128x128xf32, #tpu.memory_space<hbm>> -> memref<1x128xf32, #tpu.memory_space<hbm>>
    %dma_start3A_97 = tpu.memref_squeeze %dma_start3A_96 : memref<1x128xf32, #tpu.memory_space<hbm>> -> memref<128xf32, #tpu.memory_space<hbm>>
    tpu.enqueue_dma source(%dma_start3A_97 : memref<128xf32, #tpu.memory_space<hbm>>) target(%dma_start3A_94 : memref<128xf32, #tpu.memory_space<vmem>>) target_semaphore(%arg20 : memref<!tpu.dma_semaphore, #tpu.memory_space<semaphore_mem>>)
    tpu.enqueue_dma source(%arg5 : memref<2048xi32, #tpu.memory_space<hbm>>) target(%arg13 : memref<2048xi32, #tpu.memory_space<vmem>>) target_semaphore(%arg20 : memref<!tpu.dma_semaphore, #tpu.memory_space<semaphore_mem>>)
    %add3A_98 = arith.constant 128 : i32
    %add3A_99 = arith.addi %add3A_98, %mul3A_2 : i32
    %add3A_100 = arith.constant 0 : i32
    %add3A_101 = arith.addi %add3A_99, %add3A_100 : i32
    %dma_start3A_102 = arith.constant 0 : i32
    %dma_start3A_103 = tpu.memref_slice %arg2[%add3A_101, %dma_start3A_102] : memref<256x32000xf32, #tpu.memory_space<hbm>> -> memref<1x32000xf32, #tpu.memory_space<hbm>>
    %dma_start3A_104 = tpu.memref_squeeze %dma_start3A_103 : memref<1x32000xf32, #tpu.memory_space<hbm>> -> memref<32000xf32, #tpu.memory_space<hbm>>
    %dma_start3A_105 = arith.constant 0 : i32
    %dma_start3A_106 = tpu.memref_slice %arg2[%add3A_101, %dma_start3A_105] : memref<256x32000xf32, #tpu.memory_space<hbm>> -> memref<1x32000xf32, #tpu.memory_space<hbm>>
    %dma_start3A_107 = tpu.memref_squeeze %dma_start3A_106 : memref<1x32000xf32, #tpu.memory_space<hbm>> -> memref<32000xf32, #tpu.memory_space<hbm>>
    tpu.enqueue_dma source(%dma_start3A_107 : memref<32000xf32, #tpu.memory_space<hbm>>) target(%arg8 : memref<32000xf32, #tpu.memory_space<vmem>>) target_semaphore(%arg14 : memref<!tpu.dma_semaphore, #tpu.memory_space<semaphore_mem>>)
    %add3A_108 = arith.constant 128 : i32
    %add3A_109 = arith.addi %add3A_108, %mul3A_2 : i32
    %add3A_110 = arith.constant 1 : i32
    %add3A_111 = arith.addi %add3A_109, %add3A_110 : i32
    %dma_start3A_112 = arith.constant 0 : i32
    %dma_start3A_113 = tpu.memref_slice %arg2[%add3A_111, %dma_start3A_112] : memref<256x32000xf32, #tpu.memory_space<hbm>> -> memref<1x32000xf32, #tpu.memory_space<hbm>>
    %dma_start3A_114 = tpu.memref_squeeze %dma_start3A_113 : memref<1x32000xf32, #tpu.memory_space<hbm>> -> memref<32000xf32, #tpu.memory_space<hbm>>
    %dma_start3A_115 = arith.constant 0 : i32
    %dma_start3A_116 = tpu.memref_slice %arg2[%add3A_111, %dma_start3A_115] : memref<256x32000xf32, #tpu.memory_space<hbm>> -> memref<1x32000xf32, #tpu.memory_space<hbm>>
    %dma_start3A_117 = tpu.memref_squeeze %dma_start3A_116 : memref<1x32000xf32, #tpu.memory_space<hbm>> -> memref<32000xf32, #tpu.memory_space<hbm>>
    tpu.enqueue_dma source(%dma_start3A_117 : memref<32000xf32, #tpu.memory_space<hbm>>) target(%arg9 : memref<32000xf32, #tpu.memory_space<vmem>>) target_semaphore(%arg15 : memref<!tpu.dma_semaphore, #tpu.memory_space<semaphore_mem>>)
    %add3A_118 = arith.constant 128 : i32
    %add3A_119 = arith.addi %add3A_118, %mul3A_2 : i32
    %add3A_120 = arith.constant 2 : i32
    %add3A_121 = arith.addi %add3A_119, %add3A_120 : i32
    %dma_start3A_122 = arith.constant 0 : i32
    %dma_start3A_123 = tpu.memref_slice %arg2[%add3A_121, %dma_start3A_122] : memref<256x32000xf32, #tpu.memory_space<hbm>> -> memref<1x32000xf32, #tpu.memory_space<hbm>>
    %dma_start3A_124 = tpu.memref_squeeze %dma_start3A_123 : memref<1x32000xf32, #tpu.memory_space<hbm>> -> memref<32000xf32, #tpu.memory_space<hbm>>
    %dma_start3A_125 = arith.constant 0 : i32
    %dma_start3A_126 = tpu.memref_slice %arg2[%add3A_121, %dma_start3A_125] : memref<256x32000xf32, #tpu.memory_space<hbm>> -> memref<1x32000xf32, #tpu.memory_space<hbm>>
    %dma_start3A_127 = tpu.memref_squeeze %dma_start3A_126 : memref<1x32000xf32, #tpu.memory_space<hbm>> -> memref<32000xf32, #tpu.memory_space<hbm>>
    tpu.enqueue_dma source(%dma_start3A_127 : memref<32000xf32, #tpu.memory_space<hbm>>) target(%arg10 : memref<32000xf32, #tpu.memory_space<vmem>>) target_semaphore(%arg16 : memref<!tpu.dma_semaphore, #tpu.memory_space<semaphore_mem>>)
    %dma_wait3A = arith.constant 0 : i32
    %dma_wait3A_128 = tpu.memref_slice %arg11[%dma_wait3A] : memref<2048xf32, #tpu.memory_space<vmem>> -> memref<512xf32, #tpu.memory_space<vmem>>
    %dma_wait3A_129 = arith.constant 0 : i32
    %dma_wait3A_130 = tpu.memref_slice %arg4[%add3A_4, %dma_wait3A_129] : memref<128x512xf32, #tpu.memory_space<hbm>> -> memref<1x512xf32, #tpu.memory_space<hbm>>
    %dma_wait3A_131 = tpu.memref_squeeze %dma_wait3A_130 : memref<1x512xf32, #tpu.memory_space<hbm>> -> memref<512xf32, #tpu.memory_space<hbm>>
    %dma_wait3A_132 = arith.constant 0 : i32
    %dma_wait3A_133 = tpu.memref_slice %arg11[%dma_wait3A_132] : memref<2048xf32, #tpu.memory_space<vmem>> -> memref<512xf32, #tpu.memory_space<vmem>>
    %dma_wait3A_134 = arith.constant 0 : i32
    %dma_wait3A_135 = tpu.memref_slice %arg4[%add3A_4, %dma_wait3A_134] : memref<128x512xf32, #tpu.memory_space<hbm>> -> memref<1x512xf32, #tpu.memory_space<hbm>>
    %dma_wait3A_136 = tpu.memref_squeeze %dma_wait3A_135 : memref<1x512xf32, #tpu.memory_space<hbm>> -> memref<512xf32, #tpu.memory_space<hbm>>
    tpu.wait_dma2 semaphore(%arg20 : memref<!tpu.dma_semaphore, #tpu.memory_space<semaphore_mem>>) src(%dma_wait3A_136 : memref<512xf32, #tpu.memory_space<hbm>>) dst(%dma_wait3A_133 : memref<512xf32, #tpu.memory_space<vmem>>)
    %dma_wait3A_137 = arith.constant 0 : i32
    %dma_wait3A_138 = tpu.memref_slice %arg12[%dma_wait3A_137] : memref<512xf32, #tpu.memory_space<vmem>> -> memref<128xf32, #tpu.memory_space<vmem>>
    %dma_wait3A_139 = arith.constant 0 : i32
    %dma_wait3A_140 = tpu.memref_slice %arg3[%add3A_15, %dma_wait3A_139] : memref<128x128xf32, #tpu.memory_space<hbm>> -> memref<1x128xf32, #tpu.memory_space<hbm>>
    %dma_wait3A_141 = tpu.memref_squeeze %dma_wait3A_140 : memref<1x128xf32, #tpu.memory_space<hbm>> -> memref<128xf32, #tpu.memory_space<hbm>>
    %dma_wait3A_142 = arith.constant 0 : i32
    %dma_wait3A_143 = tpu.memref_slice %arg12[%dma_wait3A_142] : memref<512xf32, #tpu.memory_space<vmem>> -> memref<128xf32, #tpu.memory_space<vmem>>
    %dma_wait3A_144 = arith.constant 0 : i32
    %dma_wait3A_145 = tpu.memref_slice %arg3[%add3A_15, %dma_wait3A_144] : memref<128x128xf32, #tpu.memory_space<hbm>> -> memref<1x128xf32, #tpu.memory_space<hbm>>
    %dma_wait3A_146 = tpu.memref_squeeze %dma_wait3A_145 : memref<1x128xf32, #tpu.memory_space<hbm>> -> memref<128xf32, #tpu.memory_space<hbm>>
    tpu.wait_dma2 semaphore(%arg20 : memref<!tpu.dma_semaphore, #tpu.memory_space<semaphore_mem>>) src(%dma_wait3A_146 : memref<128xf32, #tpu.memory_space<hbm>>) dst(%dma_wait3A_143 : memref<128xf32, #tpu.memory_space<vmem>>)
    %dma_wait3A_147 = arith.constant 512 : i32
    %dma_wait3A_148 = tpu.memref_slice %arg11[%dma_wait3A_147] : memref<2048xf32, #tpu.memory_space<vmem>> -> memref<512xf32, #tpu.memory_space<vmem>>
    %dma_wait3A_149 = arith.constant 0 : i32
    %dma_wait3A_150 = tpu.memref_slice %arg4[%add3A_27, %dma_wait3A_149] : memref<128x512xf32, #tpu.memory_space<hbm>> -> memref<1x512xf32, #tpu.memory_space<hbm>>
    %dma_wait3A_151 = tpu.memref_squeeze %dma_wait3A_150 : memref<1x512xf32, #tpu.memory_space<hbm>> -> memref<512xf32, #tpu.memory_space<hbm>>
    %dma_wait3A_152 = arith.constant 512 : i32
    %dma_wait3A_153 = tpu.memref_slice %arg11[%dma_wait3A_152] : memref<2048xf32, #tpu.memory_space<vmem>> -> memref<512xf32, #tpu.memory_space<vmem>>
    %dma_wait3A_154 = arith.constant 0 : i32
    %dma_wait3A_155 = tpu.memref_slice %arg4[%add3A_27, %dma_wait3A_154] : memref<128x512xf32, #tpu.memory_space<hbm>> -> memref<1x512xf32, #tpu.memory_space<hbm>>
    %dma_wait3A_156 = tpu.memref_squeeze %dma_wait3A_155 : memref<1x512xf32, #tpu.memory_space<hbm>> -> memref<512xf32, #tpu.memory_space<hbm>>
    tpu.wait_dma2 semaphore(%arg20 : memref<!tpu.dma_semaphore, #tpu.memory_space<semaphore_mem>>) src(%dma_wait3A_156 : memref<512xf32, #tpu.memory_space<hbm>>) dst(%dma_wait3A_153 : memref<512xf32, #tpu.memory_space<vmem>>)
    %dma_wait3A_157 = arith.constant 128 : i32
    %dma_wait3A_158 = tpu.memref_slice %arg12[%dma_wait3A_157] : memref<512xf32, #tpu.memory_space<vmem>> -> memref<128xf32, #tpu.memory_space<vmem>>
    %dma_wait3A_159 = arith.constant 0 : i32
    %dma_wait3A_160 = tpu.memref_slice %arg3[%add3A_39, %dma_wait3A_159] : memref<128x128xf32, #tpu.memory_space<hbm>> -> memref<1x128xf32, #tpu.memory_space<hbm>>
    %dma_wait3A_161 = tpu.memref_squeeze %dma_wait3A_160 : memref<1x128xf32, #tpu.memory_space<hbm>> -> memref<128xf32, #tpu.memory_space<hbm>>
    %dma_wait3A_162 = arith.constant 128 : i32
    %dma_wait3A_163 = tpu.memref_slice %arg12[%dma_wait3A_162] : memref<512xf32, #tpu.memory_space<vmem>> -> memref<128xf32, #tpu.memory_space<vmem>>
    %dma_wait3A_164 = arith.constant 0 : i32
    %dma_wait3A_165 = tpu.memref_slice %arg3[%add3A_39, %dma_wait3A_164] : memref<128x128xf32, #tpu.memory_space<hbm>> -> memref<1x128xf32, #tpu.memory_space<hbm>>
    %dma_wait3A_166 = tpu.memref_squeeze %dma_wait3A_165 : memref<1x128xf32, #tpu.memory_space<hbm>> -> memref<128xf32, #tpu.memory_space<hbm>>
    tpu.wait_dma2 semaphore(%arg20 : memref<!tpu.dma_semaphore, #tpu.memory_space<semaphore_mem>>) src(%dma_wait3A_166 : memref<128xf32, #tpu.memory_space<hbm>>) dst(%dma_wait3A_163 : memref<128xf32, #tpu.memory_space<vmem>>)
    %dma_wait3A_167 = arith.constant 1024 : i32
    %dma_wait3A_168 = tpu.memref_slice %arg11[%dma_wait3A_167] : memref<2048xf32, #tpu.memory_space<vmem>> -> memref<512xf32, #tpu.memory_space<vmem>>
    %dma_wait3A_169 = arith.constant 0 : i32
    %dma_wait3A_170 = tpu.memref_slice %arg4[%add3A_51, %dma_wait3A_169] : memref<128x512xf32, #tpu.memory_space<hbm>> -> memref<1x512xf32, #tpu.memory_space<hbm>>
    %dma_wait3A_171 = tpu.memref_squeeze %dma_wait3A_170 : memref<1x512xf32, #tpu.memory_space<hbm>> -> memref<512xf32, #tpu.memory_space<hbm>>
    %dma_wait3A_172 = arith.constant 1024 : i32
    %dma_wait3A_173 = tpu.memref_slice %arg11[%dma_wait3A_172] : memref<2048xf32, #tpu.memory_space<vmem>> -> memref<512xf32, #tpu.memory_space<vmem>>
    %dma_wait3A_174 = arith.constant 0 : i32
    %dma_wait3A_175 = tpu.memref_slice %arg4[%add3A_51, %dma_wait3A_174] : memref<128x512xf32, #tpu.memory_space<hbm>> -> memref<1x512xf32, #tpu.memory_space<hbm>>
    %dma_wait3A_176 = tpu.memref_squeeze %dma_wait3A_175 : memref<1x512xf32, #tpu.memory_space<hbm>> -> memref<512xf32, #tpu.memory_space<hbm>>
    tpu.wait_dma2 semaphore(%arg20 : memref<!tpu.dma_semaphore, #tpu.memory_space<semaphore_mem>>) src(%dma_wait3A_176 : memref<512xf32, #tpu.memory_space<hbm>>) dst(%dma_wait3A_173 : memref<512xf32, #tpu.memory_space<vmem>>)
    %dma_wait3A_177 = arith.constant 256 : i32
    %dma_wait3A_178 = tpu.memref_slice %arg12[%dma_wait3A_177] : memref<512xf32, #tpu.memory_space<vmem>> -> memref<128xf32, #tpu.memory_space<vmem>>
    %dma_wait3A_179 = arith.constant 0 : i32
    %dma_wait3A_180 = tpu.memref_slice %arg3[%add3A_63, %dma_wait3A_179] : memref<128x128xf32, #tpu.memory_space<hbm>> -> memref<1x128xf32, #tpu.memory_space<hbm>>
    %dma_wait3A_181 = tpu.memref_squeeze %dma_wait3A_180 : memref<1x128xf32, #tpu.memory_space<hbm>> -> memref<128xf32, #tpu.memory_space<hbm>>
    %dma_wait3A_182 = arith.constant 256 : i32
    %dma_wait3A_183 = tpu.memref_slice %arg12[%dma_wait3A_182] : memref<512xf32, #tpu.memory_space<vmem>> -> memref<128xf32, #tpu.memory_space<vmem>>
    %dma_wait3A_184 = arith.constant 0 : i32
    %dma_wait3A_185 = tpu.memref_slice %arg3[%add3A_63, %dma_wait3A_184] : memref<128x128xf32, #tpu.memory_space<hbm>> -> memref<1x128xf32, #tpu.memory_space<hbm>>
    %dma_wait3A_186 = tpu.memref_squeeze %dma_wait3A_185 : memref<1x128xf32, #tpu.memory_space<hbm>> -> memref<128xf32, #tpu.memory_space<hbm>>
    tpu.wait_dma2 semaphore(%arg20 : memref<!tpu.dma_semaphore, #tpu.memory_space<semaphore_mem>>) src(%dma_wait3A_186 : memref<128xf32, #tpu.memory_space<hbm>>) dst(%dma_wait3A_183 : memref<128xf32, #tpu.memory_space<vmem>>)
    %dma_wait3A_187 = arith.constant 1536 : i32
    %dma_wait3A_188 = tpu.memref_slice %arg11[%dma_wait3A_187] : memref<2048xf32, #tpu.memory_space<vmem>> -> memref<512xf32, #tpu.memory_space<vmem>>
    %dma_wait3A_189 = arith.constant 0 : i32
    %dma_wait3A_190 = tpu.memref_slice %arg4[%add3A_75, %dma_wait3A_189] : memref<128x512xf32, #tpu.memory_space<hbm>> -> memref<1x512xf32, #tpu.memory_space<hbm>>
    %dma_wait3A_191 = tpu.memref_squeeze %dma_wait3A_190 : memref<1x512xf32, #tpu.memory_space<hbm>> -> memref<512xf32, #tpu.memory_space<hbm>>
    %dma_wait3A_192 = arith.constant 1536 : i32
    %dma_wait3A_193 = tpu.memref_slice %arg11[%dma_wait3A_192] : memref<2048xf32, #tpu.memory_space<vmem>> -> memref<512xf32, #tpu.memory_space<vmem>>
    %dma_wait3A_194 = arith.constant 0 : i32
    %dma_wait3A_195 = tpu.memref_slice %arg4[%add3A_75, %dma_wait3A_194] : memref<128x512xf32, #tpu.memory_space<hbm>> -> memref<1x512xf32, #tpu.memory_space<hbm>>
    %dma_wait3A_196 = tpu.memref_squeeze %dma_wait3A_195 : memref<1x512xf32, #tpu.memory_space<hbm>> -> memref<512xf32, #tpu.memory_space<hbm>>
    tpu.wait_dma2 semaphore(%arg20 : memref<!tpu.dma_semaphore, #tpu.memory_space<semaphore_mem>>) src(%dma_wait3A_196 : memref<512xf32, #tpu.memory_space<hbm>>) dst(%dma_wait3A_193 : memref<512xf32, #tpu.memory_space<vmem>>)
    %dma_wait3A_197 = arith.constant 384 : i32
    %dma_wait3A_198 = tpu.memref_slice %arg12[%dma_wait3A_197] : memref<512xf32, #tpu.memory_space<vmem>> -> memref<128xf32, #tpu.memory_space<vmem>>
    %dma_wait3A_199 = arith.constant 0 : i32
    %dma_wait3A_200 = tpu.memref_slice %arg3[%add3A_87, %dma_wait3A_199] : memref<128x128xf32, #tpu.memory_space<hbm>> -> memref<1x128xf32, #tpu.memory_space<hbm>>
    %dma_wait3A_201 = tpu.memref_squeeze %dma_wait3A_200 : memref<1x128xf32, #tpu.memory_space<hbm>> -> memref<128xf32, #tpu.memory_space<hbm>>
    %dma_wait3A_202 = arith.constant 384 : i32
    %dma_wait3A_203 = tpu.memref_slice %arg12[%dma_wait3A_202] : memref<512xf32, #tpu.memory_space<vmem>> -> memref<128xf32, #tpu.memory_space<vmem>>
    %dma_wait3A_204 = arith.constant 0 : i32
    %dma_wait3A_205 = tpu.memref_slice %arg3[%add3A_87, %dma_wait3A_204] : memref<128x128xf32, #tpu.memory_space<hbm>> -> memref<1x128xf32, #tpu.memory_space<hbm>>
    %dma_wait3A_206 = tpu.memref_squeeze %dma_wait3A_205 : memref<1x128xf32, #tpu.memory_space<hbm>> -> memref<128xf32, #tpu.memory_space<hbm>>
    tpu.wait_dma2 semaphore(%arg20 : memref<!tpu.dma_semaphore, #tpu.memory_space<semaphore_mem>>) src(%dma_wait3A_206 : memref<128xf32, #tpu.memory_space<hbm>>) dst(%dma_wait3A_203 : memref<128xf32, #tpu.memory_space<vmem>>)
    tpu.wait_dma2 semaphore(%arg20 : memref<!tpu.dma_semaphore, #tpu.memory_space<semaphore_mem>>) src(%arg5 : memref<2048xi32, #tpu.memory_space<hbm>>) dst(%arg13 : memref<2048xi32, #tpu.memory_space<vmem>>)
    %dma_wait3A_207 = arith.constant 0 : i32
    %dma_wait3A_208 = tpu.memref_slice %arg2[%add3A_101, %dma_wait3A_207] : memref<256x32000xf32, #tpu.memory_space<hbm>> -> memref<1x32000xf32, #tpu.memory_space<hbm>>
    %dma_wait3A_209 = tpu.memref_squeeze %dma_wait3A_208 : memref<1x32000xf32, #tpu.memory_space<hbm>> -> memref<32000xf32, #tpu.memory_space<hbm>>
    %dma_wait3A_210 = arith.constant 0 : i32
    %dma_wait3A_211 = tpu.memref_slice %arg2[%add3A_101, %dma_wait3A_210] : memref<256x32000xf32, #tpu.memory_space<hbm>> -> memref<1x32000xf32, #tpu.memory_space<hbm>>
    %dma_wait3A_212 = tpu.memref_squeeze %dma_wait3A_211 : memref<1x32000xf32, #tpu.memory_space<hbm>> -> memref<32000xf32, #tpu.memory_space<hbm>>
    tpu.wait_dma2 semaphore(%arg14 : memref<!tpu.dma_semaphore, #tpu.memory_space<semaphore_mem>>) src(%dma_wait3A_212 : memref<32000xf32, #tpu.memory_space<hbm>>) dst(%arg8 : memref<32000xf32, #tpu.memory_space<vmem>>)
    %get3A = arith.constant 0 : index
    %get3A_213 = tpu.vector_load %arg12[%get3A] {strides = array<i32>} : memref<512xf32, #tpu.memory_space<vmem>>, vector<16xf32>,
    %scan3A = arith.constant 0 : i32
    %scan3A_214 = arith.constant 0 : i32
    %scan3A_215 = arith.constant 250 : i32
    %scan3A_216 = arith.addi %scan3A_214, %scan3A_215 : i32
    %scan3A_217 = arith.constant 1 : i32
    scf.for %scan3A_463 = %scan3A_214 to %scan3A_216 step %scan3A_217  : i32 {
      %mul3A_464 = arith.constant 128 : i32
      %mul3A_465 = arith.muli %scan3A_463, %mul3A_464 : i32
      %add3A_466 = arith.constant 0 : i32
      %add3A_467 = arith.addi %mul3A_465, %add3A_466 : i32
      %get3A_468 = arith.index_cast %add3A_467 : i32 to index
      %get3A_469 = tpu.vector_load %arg8[%get3A_468] {strides = array<i32>} : memref<32000xf32, #tpu.memory_space<vmem>>, vector<16xf32>,
      %mul3A_470 = arith.mulf %get3A_469, %get3A_213 : vector<16xf32>
      %swap3A = arith.index_cast %add3A_467 : i32 to index
      %swap3A_471 = tpu.vector_load %arg8[%swap3A] {strides = array<i32>} : memref<32000xf32, #tpu.memory_space<vmem>>, vector<16xf32>,
      tpu.vector_store %arg8[%swap3A], %mul3A_470 {strides = array<i32>} : memref<32000xf32, #tpu.memory_space<vmem>>, vector<16xf32>,
      %add3A_472 = arith.constant 16 : i32
      %add3A_473 = arith.addi %mul3A_465, %add3A_472 : i32
      %get3A_474 = arith.index_cast %add3A_473 : i32 to index
      %get3A_475 = tpu.vector_load %arg8[%get3A_474] {strides = array<i32>} : memref<32000xf32, #tpu.memory_space<vmem>>, vector<16xf32>,
      %mul3A_476 = arith.mulf %get3A_475, %get3A_213 : vector<16xf32>
      %swap3A_477 = arith.index_cast %add3A_473 : i32 to index
      %swap3A_478 = tpu.vector_load %arg8[%swap3A_477] {strides = array<i32>} : memref<32000xf32, #tpu.memory_space<vmem>>, vector<16xf32>,
      tpu.vector_store %arg8[%swap3A_477], %mul3A_476 {strides = array<i32>} : memref<32000xf32, #tpu.memory_space<vmem>>, vector<16xf32>,
      %add3A_479 = arith.constant 32 : i32
      %add3A_480 = arith.addi %mul3A_465, %add3A_479 : i32
      %get3A_481 = arith.index_cast %add3A_480 : i32 to index
      %get3A_482 = tpu.vector_load %arg8[%get3A_481] {strides = array<i32>} : memref<32000xf32, #tpu.memory_space<vmem>>, vector<16xf32>,
      %mul3A_483 = arith.mulf %get3A_482, %get3A_213 : vector<16xf32>
      %swap3A_484 = arith.index_cast %add3A_480 : i32 to index
      %swap3A_485 = tpu.vector_load %arg8[%swap3A_484] {strides = array<i32>} : memref<32000xf32, #tpu.memory_space<vmem>>, vector<16xf32>,
      tpu.vector_store %arg8[%swap3A_484], %mul3A_483 {strides = array<i32>} : memref<32000xf32, #tpu.memory_space<vmem>>, vector<16xf32>,
      %add3A_486 = arith.constant 48 : i32
      %add3A_487 = arith.addi %mul3A_465, %add3A_486 : i32
      %get3A_488 = arith.index_cast %add3A_487 : i32 to index
      %get3A_489 = tpu.vector_load %arg8[%get3A_488] {strides = array<i32>} : memref<32000xf32, #tpu.memory_space<vmem>>, vector<16xf32>,
      %mul3A_490 = arith.mulf %get3A_489, %get3A_213 : vector<16xf32>
      %swap3A_491 = arith.index_cast %add3A_487 : i32 to index
      %swap3A_492 = tpu.vector_load %arg8[%swap3A_491] {strides = array<i32>} : memref<32000xf32, #tpu.memory_space<vmem>>, vector<16xf32>,
      tpu.vector_store %arg8[%swap3A_491], %mul3A_490 {strides = array<i32>} : memref<32000xf32, #tpu.memory_space<vmem>>, vector<16xf32>,
      %add3A_493 = arith.constant 64 : i32
      %add3A_494 = arith.addi %mul3A_465, %add3A_493 : i32
      %get3A_495 = arith.index_cast %add3A_494 : i32 to index
      %get3A_496 = tpu.vector_load %arg8[%get3A_495] {strides = array<i32>} : memref<32000xf32, #tpu.memory_space<vmem>>, vector<16xf32>,
      %mul3A_497 = arith.mulf %get3A_496, %get3A_213 : vector<16xf32>
      %swap3A_498 = arith.index_cast %add3A_494 : i32 to index
      %swap3A_499 = tpu.vector_load %arg8[%swap3A_498] {strides = array<i32>} : memref<32000xf32, #tpu.memory_space<vmem>>, vector<16xf32>,
      tpu.vector_store %arg8[%swap3A_498], %mul3A_497 {strides = array<i32>} : memref<32000xf32, #tpu.memory_space<vmem>>, vector<16xf32>,
      %add3A_500 = arith.constant 80 : i32
      %add3A_501 = arith.addi %mul3A_465, %add3A_500 : i32
      %get3A_502 = arith.index_cast %add3A_501 : i32 to index
      %get3A_503 = tpu.vector_load %arg8[%get3A_502] {strides = array<i32>} : memref<32000xf32, #tpu.memory_space<vmem>>, vector<16xf32>,
      %mul3A_504 = arith.mulf %get3A_503, %get3A_213 : vector<16xf32>
      %swap3A_505 = arith.index_cast %add3A_501 : i32 to index
      %swap3A_506 = tpu.vector_load %arg8[%swap3A_505] {strides = array<i32>} : memref<32000xf32, #tpu.memory_space<vmem>>, vector<16xf32>,
      tpu.vector_store %arg8[%swap3A_505], %mul3A_504 {strides = array<i32>} : memref<32000xf32, #tpu.memory_space<vmem>>, vector<16xf32>,
      %add3A_507 = arith.constant 96 : i32
      %add3A_508 = arith.addi %mul3A_465, %add3A_507 : i32
      %get3A_509 = arith.index_cast %add3A_508 : i32 to index
      %get3A_510 = tpu.vector_load %arg8[%get3A_509] {strides = array<i32>} : memref<32000xf32, #tpu.memory_space<vmem>>, vector<16xf32>,
      %mul3A_511 = arith.mulf %get3A_510, %get3A_213 : vector<16xf32>
      %swap3A_512 = arith.index_cast %add3A_508 : i32 to index
      %swap3A_513 = tpu.vector_load %arg8[%swap3A_512] {strides = array<i32>} : memref<32000xf32, #tpu.memory_space<vmem>>, vector<16xf32>,
      tpu.vector_store %arg8[%swap3A_512], %mul3A_511 {strides = array<i32>} : memref<32000xf32, #tpu.memory_space<vmem>>, vector<16xf32>,
      %add3A_514 = arith.constant 112 : i32
      %add3A_515 = arith.addi %mul3A_465, %add3A_514 : i32
      %get3A_516 = arith.index_cast %add3A_515 : i32 to index
      %get3A_517 = tpu.vector_load %arg8[%get3A_516] {strides = array<i32>} : memref<32000xf32, #tpu.memory_space<vmem>>, vector<16xf32>,
      %mul3A_518 = arith.mulf %get3A_517, %get3A_213 : vector<16xf32>
      %swap3A_519 = arith.index_cast %add3A_515 : i32 to index
      %swap3A_520 = tpu.vector_load %arg8[%swap3A_519] {strides = array<i32>} : memref<32000xf32, #tpu.memory_space<vmem>>, vector<16xf32>,
      tpu.vector_store %arg8[%swap3A_519], %mul3A_518 {strides = array<i32>} : memref<32000xf32, #tpu.memory_space<vmem>>, vector<16xf32>,
    }
    %scan3A_218 = arith.constant 250 : i32
    %add3A_219 = arith.constant 128 : i32
    %add3A_220 = arith.addi %add3A_219, %mul3A_2 : i32
    %add3A_221 = arith.constant 0 : i32
    %add3A_222 = arith.addi %add3A_220, %add3A_221 : i32
    %jit3A = arith.constant 64 : i32
    %div3A = arith.divsi %add3A_222, %jit3A : i32
    %sign3A = arith.constant 0 : i32
    %sign3A_223 = arith.cmpi sgt, %add3A_222, %sign3A : i32
    %sign3A_224 = arith.extui %sign3A_223 : i1 to i32
    %sign3A_225 = arith.constant 0 : i32
    %sign3A_226 = arith.cmpi slt, %add3A_222, %sign3A_225 : i32
    %sign3A_227 = arith.extui %sign3A_226 : i1 to i32
    %sign3A_228 = arith.subi %sign3A_224, %sign3A_227 : i32
    %sign3A_229 = arith.constant 0 : i32
    %sign3A_230 = arith.cmpi sgt, %jit3A, %sign3A_229 : i32
    %sign3A_231 = arith.extui %sign3A_230 : i1 to i32
    %sign3A_232 = arith.constant 0 : i32
    %sign3A_233 = arith.cmpi slt, %jit3A, %sign3A_232 : i32
    %sign3A_234 = arith.extui %sign3A_233 : i1 to i32
    %sign3A_235 = arith.subi %sign3A_231, %sign3A_234 : i32
    %ne3A = arith.cmpi ne, %sign3A_228, %sign3A_235 : i32
    %rem3A = arith.remsi %add3A_222, %jit3A : i32
    %ne3A_236 = arith.constant 0 : i32
    %ne3A_237 = arith.cmpi ne, %rem3A, %ne3A_236 : i32
    %and3A = arith.andi %ne3A, %ne3A_237 : i1
    %sub3A = arith.constant 1 : i32
    %sub3A_238 = arith.subi %div3A, %sub3A : i32
    %select_n3A = arith.select %and3A, %sub3A_238, %div3A : i32
    %scan3A_239 = arith.constant 0 : i32
    %scan3A_240 = arith.constant 0 : i32
    %scan3A_241 = arith.constant 32 : i32
    %scan3A_242 = arith.addi %scan3A_240, %scan3A_241 : i32
    %scan3A_243 = arith.constant 1 : i32
    scf.for %scan3A_463 = %scan3A_240 to %scan3A_242 step %scan3A_243  : i32 {
      %mul3A_464 = arith.constant 16 : i32
      %mul3A_465 = arith.muli %scan3A_463, %mul3A_464 : i32
      %mul3A_466 = arith.constant 512 : i32
      %mul3A_467 = arith.muli %select_n3A, %mul3A_466 : i32
      %add3A_468 = arith.addi %mul3A_467, %mul3A_465 : i32
      %get3A_469 = arith.index_cast %add3A_468 : i32 to index
      %get3A_470 = tpu.vector_load %arg13[%get3A_469] {strides = array<i32>} : memref<2048xi32, #tpu.memory_space<vmem>>, vector<16xi32>,
      %add3A_471 = arith.constant 0 : i32
      %add3A_472 = arith.addi %add3A_471, %mul3A_465 : i32
      %get3A_473 = arith.index_cast %add3A_472 : i32 to index
      %get3A_474 = tpu.vector_load %arg11[%get3A_473] {strides = array<i32>} : memref<2048xf32, #tpu.memory_space<vmem>>, vector<16xf32>,
      tpu.vector_store_idx %arg8[%get3A_470], %get3A_474 {add = true} : memref<32000xf32, #tpu.memory_space<vmem>>[vector<16xi32>], vector<16xf32>,
    }
    %scan3A_244 = arith.constant 32 : i32
    %dma_wait3A_245 = arith.constant 0 : i32
    %dma_wait3A_246 = tpu.memref_slice %arg2[%add3A_111, %dma_wait3A_245] : memref<256x32000xf32, #tpu.memory_space<hbm>> -> memref<1x32000xf32, #tpu.memory_space<hbm>>
    %dma_wait3A_247 = tpu.memref_squeeze %dma_wait3A_246 : memref<1x32000xf32, #tpu.memory_space<hbm>> -> memref<32000xf32, #tpu.memory_space<hbm>>
    %dma_wait3A_248 = arith.constant 0 : i32
    %dma_wait3A_249 = tpu.memref_slice %arg2[%add3A_111, %dma_wait3A_248] : memref<256x32000xf32, #tpu.memory_space<hbm>> -> memref<1x32000xf32, #tpu.memory_space<hbm>>
    %dma_wait3A_250 = tpu.memref_squeeze %dma_wait3A_249 : memref<1x32000xf32, #tpu.memory_space<hbm>> -> memref<32000xf32, #tpu.memory_space<hbm>>
    tpu.wait_dma2 semaphore(%arg15 : memref<!tpu.dma_semaphore, #tpu.memory_space<semaphore_mem>>) src(%dma_wait3A_250 : memref<32000xf32, #tpu.memory_space<hbm>>) dst(%arg9 : memref<32000xf32, #tpu.memory_space<vmem>>)
    %get3A_251 = arith.constant 128 : index
    %get3A_252 = tpu.vector_load %arg12[%get3A_251] {strides = array<i32>} : memref<512xf32, #tpu.memory_space<vmem>>, vector<16xf32>,
    %scan3A_253 = arith.constant 0 : i32
    %scan3A_254 = arith.constant 0 : i32
    %scan3A_255 = arith.constant 250 : i32
    %scan3A_256 = arith.addi %scan3A_254, %scan3A_255 : i32
    %scan3A_257 = arith.constant 1 : i32
    scf.for %scan3A_463 = %scan3A_254 to %scan3A_256 step %scan3A_257  : i32 {
      %mul3A_464 = arith.constant 128 : i32
      %mul3A_465 = arith.muli %scan3A_463, %mul3A_464 : i32
      %add3A_466 = arith.constant 0 : i32
      %add3A_467 = arith.addi %mul3A_465, %add3A_466 : i32
      %get3A_468 = arith.index_cast %add3A_467 : i32 to index
      %get3A_469 = tpu.vector_load %arg9[%get3A_468] {strides = array<i32>} : memref<32000xf32, #tpu.memory_space<vmem>>, vector<16xf32>,
      %mul3A_470 = arith.mulf %get3A_469, %get3A_252 : vector<16xf32>
      %swap3A = arith.index_cast %add3A_467 : i32 to index
      %swap3A_471 = tpu.vector_load %arg9[%swap3A] {strides = array<i32>} : memref<32000xf32, #tpu.memory_space<vmem>>, vector<16xf32>,
      tpu.vector_store %arg9[%swap3A], %mul3A_470 {strides = array<i32>} : memref<32000xf32, #tpu.memory_space<vmem>>, vector<16xf32>,
      %add3A_472 = arith.constant 16 : i32
      %add3A_473 = arith.addi %mul3A_465, %add3A_472 : i32
      %get3A_474 = arith.index_cast %add3A_473 : i32 to index
      %get3A_475 = tpu.vector_load %arg9[%get3A_474] {strides = array<i32>} : memref<32000xf32, #tpu.memory_space<vmem>>, vector<16xf32>,
      %mul3A_476 = arith.mulf %get3A_475, %get3A_252 : vector<16xf32>
      %swap3A_477 = arith.index_cast %add3A_473 : i32 to index
      %swap3A_478 = tpu.vector_load %arg9[%swap3A_477] {strides = array<i32>} : memref<32000xf32, #tpu.memory_space<vmem>>, vector<16xf32>,
      tpu.vector_store %arg9[%swap3A_477], %mul3A_476 {strides = array<i32>} : memref<32000xf32, #tpu.memory_space<vmem>>, vector<16xf32>,
      %add3A_479 = arith.constant 32 : i32
      %add3A_480 = arith.addi %mul3A_465, %add3A_479 : i32
      %get3A_481 = arith.index_cast %add3A_480 : i32 to index
      %get3A_482 = tpu.vector_load %arg9[%get3A_481] {strides = array<i32>} : memref<32000xf32, #tpu.memory_space<vmem>>, vector<16xf32>,
      %mul3A_483 = arith.mulf %get3A_482, %get3A_252 : vector<16xf32>
      %swap3A_484 = arith.index_cast %add3A_480 : i32 to index
      %swap3A_485 = tpu.vector_load %arg9[%swap3A_484] {strides = array<i32>} : memref<32000xf32, #tpu.memory_space<vmem>>, vector<16xf32>,
      tpu.vector_store %arg9[%swap3A_484], %mul3A_483 {strides = array<i32>} : memref<32000xf32, #tpu.memory_space<vmem>>, vector<16xf32>,
      %add3A_486 = arith.constant 48 : i32
      %add3A_487 = arith.addi %mul3A_465, %add3A_486 : i32
      %get3A_488 = arith.index_cast %add3A_487 : i32 to index
      %get3A_489 = tpu.vector_load %arg9[%get3A_488] {strides = array<i32>} : memref<32000xf32, #tpu.memory_space<vmem>>, vector<16xf32>,
      %mul3A_490 = arith.mulf %get3A_489, %get3A_252 : vector<16xf32>
      %swap3A_491 = arith.index_cast %add3A_487 : i32 to index
      %swap3A_492 = tpu.vector_load %arg9[%swap3A_491] {strides = array<i32>} : memref<32000xf32, #tpu.memory_space<vmem>>, vector<16xf32>,
      tpu.vector_store %arg9[%swap3A_491], %mul3A_490 {strides = array<i32>} : memref<32000xf32, #tpu.memory_space<vmem>>, vector<16xf32>,
      %add3A_493 = arith.constant 64 : i32
      %add3A_494 = arith.addi %mul3A_465, %add3A_493 : i32
      %get3A_495 = arith.index_cast %add3A_494 : i32 to index
      %get3A_496 = tpu.vector_load %arg9[%get3A_495] {strides = array<i32>} : memref<32000xf32, #tpu.memory_space<vmem>>, vector<16xf32>,
      %mul3A_497 = arith.mulf %get3A_496, %get3A_252 : vector<16xf32>
      %swap3A_498 = arith.index_cast %add3A_494 : i32 to index
      %swap3A_499 = tpu.vector_load %arg9[%swap3A_498] {strides = array<i32>} : memref<32000xf32, #tpu.memory_space<vmem>>, vector<16xf32>,
      tpu.vector_store %arg9[%swap3A_498], %mul3A_497 {strides = array<i32>} : memref<32000xf32, #tpu.memory_space<vmem>>, vector<16xf32>,
      %add3A_500 = arith.constant 80 : i32
      %add3A_501 = arith.addi %mul3A_465, %add3A_500 : i32
      %get3A_502 = arith.index_cast %add3A_501 : i32 to index
      %get3A_503 = tpu.vector_load %arg9[%get3A_502] {strides = array<i32>} : memref<32000xf32, #tpu.memory_space<vmem>>, vector<16xf32>,
      %mul3A_504 = arith.mulf %get3A_503, %get3A_252 : vector<16xf32>
      %swap3A_505 = arith.index_cast %add3A_501 : i32 to index
      %swap3A_506 = tpu.vector_load %arg9[%swap3A_505] {strides = array<i32>} : memref<32000xf32, #tpu.memory_space<vmem>>, vector<16xf32>,
      tpu.vector_store %arg9[%swap3A_505], %mul3A_504 {strides = array<i32>} : memref<32000xf32, #tpu.memory_space<vmem>>, vector<16xf32>,
      %add3A_507 = arith.constant 96 : i32
      %add3A_508 = arith.addi %mul3A_465, %add3A_507 : i32
      %get3A_509 = arith.index_cast %add3A_508 : i32 to index
      %get3A_510 = tpu.vector_load %arg9[%get3A_509] {strides = array<i32>} : memref<32000xf32, #tpu.memory_space<vmem>>, vector<16xf32>,
      %mul3A_511 = arith.mulf %get3A_510, %get3A_252 : vector<16xf32>
      %swap3A_512 = arith.index_cast %add3A_508 : i32 to index
      %swap3A_513 = tpu.vector_load %arg9[%swap3A_512] {strides = array<i32>} : memref<32000xf32, #tpu.memory_space<vmem>>, vector<16xf32>,
      tpu.vector_store %arg9[%swap3A_512], %mul3A_511 {strides = array<i32>} : memref<32000xf32, #tpu.memory_space<vmem>>, vector<16xf32>,
      %add3A_514 = arith.constant 112 : i32
      %add3A_515 = arith.addi %mul3A_465, %add3A_514 : i32
      %get3A_516 = arith.index_cast %add3A_515 : i32 to index
      %get3A_517 = tpu.vector_load %arg9[%get3A_516] {strides = array<i32>} : memref<32000xf32, #tpu.memory_space<vmem>>, vector<16xf32>,
      %mul3A_518 = arith.mulf %get3A_517, %get3A_252 : vector<16xf32>
      %swap3A_519 = arith.index_cast %add3A_515 : i32 to index
      %swap3A_520 = tpu.vector_load %arg9[%swap3A_519] {strides = array<i32>} : memref<32000xf32, #tpu.memory_space<vmem>>, vector<16xf32>,
      tpu.vector_store %arg9[%swap3A_519], %mul3A_518 {strides = array<i32>} : memref<32000xf32, #tpu.memory_space<vmem>>, vector<16xf32>,
    }
    %scan3A_258 = arith.constant 250 : i32
    %add3A_259 = arith.constant 128 : i32
    %add3A_260 = arith.addi %add3A_259, %mul3A_2 : i32
    %add3A_261 = arith.constant 0 : i32
    %add3A_262 = arith.addi %add3A_260, %add3A_261 : i32
    %dma_start3A_263 = arith.constant 0 : i32
    %dma_start3A_264 = tpu.memref_slice %arg6[%add3A_262, %dma_start3A_263] : memref<256x32000xf32, #tpu.memory_space<hbm>> -> memref<1x32000xf32, #tpu.memory_space<hbm>>
    %dma_start3A_265 = tpu.memref_squeeze %dma_start3A_264 : memref<1x32000xf32, #tpu.memory_space<hbm>> -> memref<32000xf32, #tpu.memory_space<hbm>>
    %dma_start3A_266 = arith.constant 0 : i32
    %dma_start3A_267 = tpu.memref_slice %arg6[%add3A_262, %dma_start3A_266] : memref<256x32000xf32, #tpu.memory_space<hbm>> -> memref<1x32000xf32, #tpu.memory_space<hbm>>
    %dma_start3A_268 = tpu.memref_squeeze %dma_start3A_267 : memref<1x32000xf32, #tpu.memory_space<hbm>> -> memref<32000xf32, #tpu.memory_space<hbm>>
    tpu.enqueue_dma source(%arg8 : memref<32000xf32, #tpu.memory_space<vmem>>) target(%dma_start3A_268 : memref<32000xf32, #tpu.memory_space<hbm>>) target_semaphore(%arg17 : memref<!tpu.dma_semaphore, #tpu.memory_space<semaphore_mem>>)
    %dma_wait3A_269 = arith.constant 0 : i32
    %dma_wait3A_270 = tpu.memref_slice %arg6[%add3A_262, %dma_wait3A_269] : memref<256x32000xf32, #tpu.memory_space<hbm>> -> memref<1x32000xf32, #tpu.memory_space<hbm>>
    %dma_wait3A_271 = tpu.memref_squeeze %dma_wait3A_270 : memref<1x32000xf32, #tpu.memory_space<hbm>> -> memref<32000xf32, #tpu.memory_space<hbm>>
    %dma_wait3A_272 = arith.constant 0 : i32
    %dma_wait3A_273 = tpu.memref_slice %arg6[%add3A_262, %dma_wait3A_272] : memref<256x32000xf32, #tpu.memory_space<hbm>> -> memref<1x32000xf32, #tpu.memory_space<hbm>>
    %dma_wait3A_274 = tpu.memref_squeeze %dma_wait3A_273 : memref<1x32000xf32, #tpu.memory_space<hbm>> -> memref<32000xf32, #tpu.memory_space<hbm>>
    tpu.wait_dma2 semaphore(%arg17 : memref<!tpu.dma_semaphore, #tpu.memory_space<semaphore_mem>>) src(%arg8 : memref<32000xf32, #tpu.memory_space<vmem>>) dst(%dma_wait3A_274 : memref<32000xf32, #tpu.memory_space<hbm>>)
    %add3A_275 = arith.constant 128 : i32
    %add3A_276 = arith.addi %add3A_275, %mul3A_2 : i32
    %add3A_277 = arith.constant 3 : i32
    %add3A_278 = arith.addi %add3A_276, %add3A_277 : i32
    %dma_start3A_279 = arith.constant 0 : i32
    %dma_start3A_280 = tpu.memref_slice %arg2[%add3A_278, %dma_start3A_279] : memref<256x32000xf32, #tpu.memory_space<hbm>> -> memref<1x32000xf32, #tpu.memory_space<hbm>>
    %dma_start3A_281 = tpu.memref_squeeze %dma_start3A_280 : memref<1x32000xf32, #tpu.memory_space<hbm>> -> memref<32000xf32, #tpu.memory_space<hbm>>
    %dma_start3A_282 = arith.constant 0 : i32
    %dma_start3A_283 = tpu.memref_slice %arg2[%add3A_278, %dma_start3A_282] : memref<256x32000xf32, #tpu.memory_space<hbm>> -> memref<1x32000xf32, #tpu.memory_space<hbm>>
    %dma_start3A_284 = tpu.memref_squeeze %dma_start3A_283 : memref<1x32000xf32, #tpu.memory_space<hbm>> -> memref<32000xf32, #tpu.memory_space<hbm>>
    tpu.enqueue_dma source(%dma_start3A_284 : memref<32000xf32, #tpu.memory_space<hbm>>) target(%arg8 : memref<32000xf32, #tpu.memory_space<vmem>>) target_semaphore(%arg14 : memref<!tpu.dma_semaphore, #tpu.memory_space<semaphore_mem>>)
    %add3A_285 = arith.constant 128 : i32
    %add3A_286 = arith.addi %add3A_285, %mul3A_2 : i32
    %add3A_287 = arith.constant 1 : i32
    %add3A_288 = arith.addi %add3A_286, %add3A_287 : i32
    %jit3A_289 = arith.constant 64 : i32
    %div3A_290 = arith.divsi %add3A_288, %jit3A_289 : i32
    %sign3A_291 = arith.constant 0 : i32
    %sign3A_292 = arith.cmpi sgt, %add3A_288, %sign3A_291 : i32
    %sign3A_293 = arith.extui %sign3A_292 : i1 to i32
    %sign3A_294 = arith.constant 0 : i32
    %sign3A_295 = arith.cmpi slt, %add3A_288, %sign3A_294 : i32
    %sign3A_296 = arith.extui %sign3A_295 : i1 to i32
    %sign3A_297 = arith.subi %sign3A_293, %sign3A_296 : i32
    %sign3A_298 = arith.constant 0 : i32
    %sign3A_299 = arith.cmpi sgt, %jit3A_289, %sign3A_298 : i32
    %sign3A_300 = arith.extui %sign3A_299 : i1 to i32
    %sign3A_301 = arith.constant 0 : i32
    %sign3A_302 = arith.cmpi slt, %jit3A_289, %sign3A_301 : i32
    %sign3A_303 = arith.extui %sign3A_302 : i1 to i32
    %sign3A_304 = arith.subi %sign3A_300, %sign3A_303 : i32
    %ne3A_305 = arith.cmpi ne, %sign3A_297, %sign3A_304 : i32
    %rem3A_306 = arith.remsi %add3A_288, %jit3A_289 : i32
    %ne3A_307 = arith.constant 0 : i32
    %ne3A_308 = arith.cmpi ne, %rem3A_306, %ne3A_307 : i32
    %and3A_309 = arith.andi %ne3A_305, %ne3A_308 : i1
    %sub3A_310 = arith.constant 1 : i32
    %sub3A_311 = arith.subi %div3A_290, %sub3A_310 : i32
    %select_n3A_312 = arith.select %and3A_309, %sub3A_311, %div3A_290 : i32
    %scan3A_313 = arith.constant 0 : i32
    %scan3A_314 = arith.constant 0 : i32
    %scan3A_315 = arith.constant 32 : i32
    %scan3A_316 = arith.addi %scan3A_314, %scan3A_315 : i32
    %scan3A_317 = arith.constant 1 : i32
    scf.for %scan3A_463 = %scan3A_314 to %scan3A_316 step %scan3A_317  : i32 {
      %mul3A_464 = arith.constant 16 : i32
      %mul3A_465 = arith.muli %scan3A_463, %mul3A_464 : i32
      %mul3A_466 = arith.constant 512 : i32
      %mul3A_467 = arith.muli %select_n3A_312, %mul3A_466 : i32
      %add3A_468 = arith.addi %mul3A_467, %mul3A_465 : i32
      %get3A_469 = arith.index_cast %add3A_468 : i32 to index
      %get3A_470 = tpu.vector_load %arg13[%get3A_469] {strides = array<i32>} : memref<2048xi32, #tpu.memory_space<vmem>>, vector<16xi32>,
      %add3A_471 = arith.constant 512 : i32
      %add3A_472 = arith.addi %add3A_471, %mul3A_465 : i32
      %get3A_473 = arith.index_cast %add3A_472 : i32 to index
      %get3A_474 = tpu.vector_load %arg11[%get3A_473] {strides = array<i32>} : memref<2048xf32, #tpu.memory_space<vmem>>, vector<16xf32>,
      tpu.vector_store_idx %arg9[%get3A_470], %get3A_474 {add = true} : memref<32000xf32, #tpu.memory_space<vmem>>[vector<16xi32>], vector<16xf32>,
    }
    %scan3A_318 = arith.constant 32 : i32
    %dma_wait3A_319 = arith.constant 0 : i32
    %dma_wait3A_320 = tpu.memref_slice %arg2[%add3A_121, %dma_wait3A_319] : memref<256x32000xf32, #tpu.memory_space<hbm>> -> memref<1x32000xf32, #tpu.memory_space<hbm>>
    %dma_wait3A_321 = tpu.memref_squeeze %dma_wait3A_320 : memref<1x32000xf32, #tpu.memory_space<hbm>> -> memref<32000xf32, #tpu.memory_space<hbm>>
    %dma_wait3A_322 = arith.constant 0 : i32
    %dma_wait3A_323 = tpu.memref_slice %arg2[%add3A_121, %dma_wait3A_322] : memref<256x32000xf32, #tpu.memory_space<hbm>> -> memref<1x32000xf32, #tpu.memory_space<hbm>>
    %dma_wait3A_324 = tpu.memref_squeeze %dma_wait3A_323 : memref<1x32000xf32, #tpu.memory_space<hbm>> -> memref<32000xf32, #tpu.memory_space<hbm>>
    tpu.wait_dma2 semaphore(%arg16 : memref<!tpu.dma_semaphore, #tpu.memory_space<semaphore_mem>>) src(%dma_wait3A_324 : memref<32000xf32, #tpu.memory_space<hbm>>) dst(%arg10 : memref<32000xf32, #tpu.memory_space<vmem>>)
    %get3A_325 = arith.constant 256 : index
    %get3A_326 = tpu.vector_load %arg12[%get3A_325] {strides = array<i32>} : memref<512xf32, #tpu.memory_space<vmem>>, vector<16xf32>,
    %scan3A_327 = arith.constant 0 : i32
    %scan3A_328 = arith.constant 0 : i32
    %scan3A_329 = arith.constant 250 : i32
    %scan3A_330 = arith.addi %scan3A_328, %scan3A_329 : i32
    %scan3A_331 = arith.constant 1 : i32
    scf.for %scan3A_463 = %scan3A_328 to %scan3A_330 step %scan3A_331  : i32 {
      %mul3A_464 = arith.constant 128 : i32
      %mul3A_465 = arith.muli %scan3A_463, %mul3A_464 : i32
      %add3A_466 = arith.constant 0 : i32
      %add3A_467 = arith.addi %mul3A_465, %add3A_466 : i32
      %get3A_468 = arith.index_cast %add3A_467 : i32 to index
      %get3A_469 = tpu.vector_load %arg10[%get3A_468] {strides = array<i32>} : memref<32000xf32, #tpu.memory_space<vmem>>, vector<16xf32>,
      %mul3A_470 = arith.mulf %get3A_469, %get3A_326 : vector<16xf32>
      %swap3A = arith.index_cast %add3A_467 : i32 to index
      %swap3A_471 = tpu.vector_load %arg10[%swap3A] {strides = array<i32>} : memref<32000xf32, #tpu.memory_space<vmem>>, vector<16xf32>,
      tpu.vector_store %arg10[%swap3A], %mul3A_470 {strides = array<i32>} : memref<32000xf32, #tpu.memory_space<vmem>>, vector<16xf32>,
      %add3A_472 = arith.constant 16 : i32
      %add3A_473 = arith.addi %mul3A_465, %add3A_472 : i32
      %get3A_474 = arith.index_cast %add3A_473 : i32 to index
      %get3A_475 = tpu.vector_load %arg10[%get3A_474] {strides = array<i32>} : memref<32000xf32, #tpu.memory_space<vmem>>, vector<16xf32>,
      %mul3A_476 = arith.mulf %get3A_475, %get3A_326 : vector<16xf32>
      %swap3A_477 = arith.index_cast %add3A_473 : i32 to index
      %swap3A_478 = tpu.vector_load %arg10[%swap3A_477] {strides = array<i32>} : memref<32000xf32, #tpu.memory_space<vmem>>, vector<16xf32>,
      tpu.vector_store %arg10[%swap3A_477], %mul3A_476 {strides = array<i32>} : memref<32000xf32, #tpu.memory_space<vmem>>, vector<16xf32>,
      %add3A_479 = arith.constant 32 : i32
      %add3A_480 = arith.addi %mul3A_465, %add3A_479 : i32
      %get3A_481 = arith.index_cast %add3A_480 : i32 to index
      %get3A_482 = tpu.vector_load %arg10[%get3A_481] {strides = array<i32>} : memref<32000xf32, #tpu.memory_space<vmem>>, vector<16xf32>,
      %mul3A_483 = arith.mulf %get3A_482, %get3A_326 : vector<16xf32>
      %swap3A_484 = arith.index_cast %add3A_480 : i32 to index
      %swap3A_485 = tpu.vector_load %arg10[%swap3A_484] {strides = array<i32>} : memref<32000xf32, #tpu.memory_space<vmem>>, vector<16xf32>,
      tpu.vector_store %arg10[%swap3A_484], %mul3A_483 {strides = array<i32>} : memref<32000xf32, #tpu.memory_space<vmem>>, vector<16xf32>,
      %add3A_486 = arith.constant 48 : i32
      %add3A_487 = arith.addi %mul3A_465, %add3A_486 : i32
      %get3A_488 = arith.index_cast %add3A_487 : i32 to index
      %get3A_489 = tpu.vector_load %arg10[%get3A_488] {strides = array<i32>} : memref<32000xf32, #tpu.memory_space<vmem>>, vector<16xf32>,
      %mul3A_490 = arith.mulf %get3A_489, %get3A_326 : vector<16xf32>
      %swap3A_491 = arith.index_cast %add3A_487 : i32 to index
      %swap3A_492 = tpu.vector_load %arg10[%swap3A_491] {strides = array<i32>} : memref<32000xf32, #tpu.memory_space<vmem>>, vector<16xf32>,
      tpu.vector_store %arg10[%swap3A_491], %mul3A_490 {strides = array<i32>} : memref<32000xf32, #tpu.memory_space<vmem>>, vector<16xf32>,
      %add3A_493 = arith.constant 64 : i32
      %add3A_494 = arith.addi %mul3A_465, %add3A_493 : i32
      %get3A_495 = arith.index_cast %add3A_494 : i32 to index
      %get3A_496 = tpu.vector_load %arg10[%get3A_495] {strides = array<i32>} : memref<32000xf32, #tpu.memory_space<vmem>>, vector<16xf32>,
      %mul3A_497 = arith.mulf %get3A_496, %get3A_326 : vector<16xf32>
      %swap3A_498 = arith.index_cast %add3A_494 : i32 to index
      %swap3A_499 = tpu.vector_load %arg10[%swap3A_498] {strides = array<i32>} : memref<32000xf32, #tpu.memory_space<vmem>>, vector<16xf32>,
      tpu.vector_store %arg10[%swap3A_498], %mul3A_497 {strides = array<i32>} : memref<32000xf32, #tpu.memory_space<vmem>>, vector<16xf32>,
      %add3A_500 = arith.constant 80 : i32
      %add3A_501 = arith.addi %mul3A_465, %add3A_500 : i32
      %get3A_502 = arith.index_cast %add3A_501 : i32 to index
      %get3A_503 = tpu.vector_load %arg10[%get3A_502] {strides = array<i32>} : memref<32000xf32, #tpu.memory_space<vmem>>, vector<16xf32>,
      %mul3A_504 = arith.mulf %get3A_503, %get3A_326 : vector<16xf32>
      %swap3A_505 = arith.index_cast %add3A_501 : i32 to index
      %swap3A_506 = tpu.vector_load %arg10[%swap3A_505] {strides = array<i32>} : memref<32000xf32, #tpu.memory_space<vmem>>, vector<16xf32>,
      tpu.vector_store %arg10[%swap3A_505], %mul3A_504 {strides = array<i32>} : memref<32000xf32, #tpu.memory_space<vmem>>, vector<16xf32>,
      %add3A_507 = arith.constant 96 : i32
      %add3A_508 = arith.addi %mul3A_465, %add3A_507 : i32
      %get3A_509 = arith.index_cast %add3A_508 : i32 to index
      %get3A_510 = tpu.vector_load %arg10[%get3A_509] {strides = array<i32>} : memref<32000xf32, #tpu.memory_space<vmem>>, vector<16xf32>,
      %mul3A_511 = arith.mulf %get3A_510, %get3A_326 : vector<16xf32>
      %swap3A_512 = arith.index_cast %add3A_508 : i32 to index
      %swap3A_513 = tpu.vector_load %arg10[%swap3A_512] {strides = array<i32>} : memref<32000xf32, #tpu.memory_space<vmem>>, vector<16xf32>,
      tpu.vector_store %arg10[%swap3A_512], %mul3A_511 {strides = array<i32>} : memref<32000xf32, #tpu.memory_space<vmem>>, vector<16xf32>,
      %add3A_514 = arith.constant 112 : i32
      %add3A_515 = arith.addi %mul3A_465, %add3A_514 : i32
      %get3A_516 = arith.index_cast %add3A_515 : i32 to index
      %get3A_517 = tpu.vector_load %arg10[%get3A_516] {strides = array<i32>} : memref<32000xf32, #tpu.memory_space<vmem>>, vector<16xf32>,
      %mul3A_518 = arith.mulf %get3A_517, %get3A_326 : vector<16xf32>
      %swap3A_519 = arith.index_cast %add3A_515 : i32 to index
      %swap3A_520 = tpu.vector_load %arg10[%swap3A_519] {strides = array<i32>} : memref<32000xf32, #tpu.memory_space<vmem>>, vector<16xf32>,
      tpu.vector_store %arg10[%swap3A_519], %mul3A_518 {strides = array<i32>} : memref<32000xf32, #tpu.memory_space<vmem>>, vector<16xf32>,
    }
    %scan3A_332 = arith.constant 250 : i32
    %add3A_333 = arith.constant 128 : i32
    %add3A_334 = arith.addi %add3A_333, %mul3A_2 : i32
    %add3A_335 = arith.constant 1 : i32
    %add3A_336 = arith.addi %add3A_334, %add3A_335 : i32
    %dma_start3A_337 = arith.constant 0 : i32
    %dma_start3A_338 = tpu.memref_slice %arg6[%add3A_336, %dma_start3A_337] : memref<256x32000xf32, #tpu.memory_space<hbm>> -> memref<1x32000xf32, #tpu.memory_space<hbm>>
    %dma_start3A_339 = tpu.memref_squeeze %dma_start3A_338 : memref<1x32000xf32, #tpu.memory_space<hbm>> -> memref<32000xf32, #tpu.memory_space<hbm>>
    %dma_start3A_340 = arith.constant 0 : i32
    %dma_start3A_341 = tpu.memref_slice %arg6[%add3A_336, %dma_start3A_340] : memref<256x32000xf32, #tpu.memory_space<hbm>> -> memref<1x32000xf32, #tpu.memory_space<hbm>>
    %dma_start3A_342 = tpu.memref_squeeze %dma_start3A_341 : memref<1x32000xf32, #tpu.memory_space<hbm>> -> memref<32000xf32, #tpu.memory_space<hbm>>
    tpu.enqueue_dma source(%arg9 : memref<32000xf32, #tpu.memory_space<vmem>>) target(%dma_start3A_342 : memref<32000xf32, #tpu.memory_space<hbm>>) target_semaphore(%arg18 : memref<!tpu.dma_semaphore, #tpu.memory_space<semaphore_mem>>)
    %add3A_343 = arith.constant 128 : i32
    %add3A_344 = arith.addi %add3A_343, %mul3A_2 : i32
    %add3A_345 = arith.constant 2 : i32
    %add3A_346 = arith.addi %add3A_344, %add3A_345 : i32
    %jit3A_347 = arith.constant 64 : i32
    %div3A_348 = arith.divsi %add3A_346, %jit3A_347 : i32
    %sign3A_349 = arith.constant 0 : i32
    %sign3A_350 = arith.cmpi sgt, %add3A_346, %sign3A_349 : i32
    %sign3A_351 = arith.extui %sign3A_350 : i1 to i32
    %sign3A_352 = arith.constant 0 : i32
    %sign3A_353 = arith.cmpi slt, %add3A_346, %sign3A_352 : i32
    %sign3A_354 = arith.extui %sign3A_353 : i1 to i32
    %sign3A_355 = arith.subi %sign3A_351, %sign3A_354 : i32
    %sign3A_356 = arith.constant 0 : i32
    %sign3A_357 = arith.cmpi sgt, %jit3A_347, %sign3A_356 : i32
    %sign3A_358 = arith.extui %sign3A_357 : i1 to i32
    %sign3A_359 = arith.constant 0 : i32
    %sign3A_360 = arith.cmpi slt, %jit3A_347, %sign3A_359 : i32
    %sign3A_361 = arith.extui %sign3A_360 : i1 to i32
    %sign3A_362 = arith.subi %sign3A_358, %sign3A_361 : i32
    %ne3A_363 = arith.cmpi ne, %sign3A_355, %sign3A_362 : i32
    %rem3A_364 = arith.remsi %add3A_346, %jit3A_347 : i32
    %ne3A_365 = arith.constant 0 : i32
    %ne3A_366 = arith.cmpi ne, %rem3A_364, %ne3A_365 : i32
    %and3A_367 = arith.andi %ne3A_363, %ne3A_366 : i1
    %sub3A_368 = arith.constant 1 : i32
    %sub3A_369 = arith.subi %div3A_348, %sub3A_368 : i32
    %select_n3A_370 = arith.select %and3A_367, %sub3A_369, %div3A_348 : i32
    %scan3A_371 = arith.constant 0 : i32
    %scan3A_372 = arith.constant 0 : i32
    %scan3A_373 = arith.constant 32 : i32
    %scan3A_374 = arith.addi %scan3A_372, %scan3A_373 : i32
    %scan3A_375 = arith.constant 1 : i32
    scf.for %scan3A_463 = %scan3A_372 to %scan3A_374 step %scan3A_375  : i32 {
      %mul3A_464 = arith.constant 16 : i32
      %mul3A_465 = arith.muli %scan3A_463, %mul3A_464 : i32
      %mul3A_466 = arith.constant 512 : i32
      %mul3A_467 = arith.muli %select_n3A_370, %mul3A_466 : i32
      %add3A_468 = arith.addi %mul3A_467, %mul3A_465 : i32
      %get3A_469 = arith.index_cast %add3A_468 : i32 to index
      %get3A_470 = tpu.vector_load %arg13[%get3A_469] {strides = array<i32>} : memref<2048xi32, #tpu.memory_space<vmem>>, vector<16xi32>,
      %add3A_471 = arith.constant 1024 : i32
      %add3A_472 = arith.addi %add3A_471, %mul3A_465 : i32
      %get3A_473 = arith.index_cast %add3A_472 : i32 to index
      %get3A_474 = tpu.vector_load %arg11[%get3A_473] {strides = array<i32>} : memref<2048xf32, #tpu.memory_space<vmem>>, vector<16xf32>,
      tpu.vector_store_idx %arg10[%get3A_470], %get3A_474 {add = true} : memref<32000xf32, #tpu.memory_space<vmem>>[vector<16xi32>], vector<16xf32>,
    }
    %scan3A_376 = arith.constant 32 : i32
    %dma_wait3A_377 = arith.constant 0 : i32
    %dma_wait3A_378 = tpu.memref_slice %arg2[%add3A_278, %dma_wait3A_377] : memref<256x32000xf32, #tpu.memory_space<hbm>> -> memref<1x32000xf32, #tpu.memory_space<hbm>>
    %dma_wait3A_379 = tpu.memref_squeeze %dma_wait3A_378 : memref<1x32000xf32, #tpu.memory_space<hbm>> -> memref<32000xf32, #tpu.memory_space<hbm>>
    %dma_wait3A_380 = arith.constant 0 : i32
    %dma_wait3A_381 = tpu.memref_slice %arg2[%add3A_278, %dma_wait3A_380] : memref<256x32000xf32, #tpu.memory_space<hbm>> -> memref<1x32000xf32, #tpu.memory_space<hbm>>
    %dma_wait3A_382 = tpu.memref_squeeze %dma_wait3A_381 : memref<1x32000xf32, #tpu.memory_space<hbm>> -> memref<32000xf32, #tpu.memory_space<hbm>>
    tpu.wait_dma2 semaphore(%arg14 : memref<!tpu.dma_semaphore, #tpu.memory_space<semaphore_mem>>) src(%dma_wait3A_382 : memref<32000xf32, #tpu.memory_space<hbm>>) dst(%arg8 : memref<32000xf32, #tpu.memory_space<vmem>>)
    %get3A_383 = arith.constant 384 : index
    %get3A_384 = tpu.vector_load %arg12[%get3A_383] {strides = array<i32>} : memref<512xf32, #tpu.memory_space<vmem>>, vector<16xf32>,
    %scan3A_385 = arith.constant 0 : i32
    %scan3A_386 = arith.constant 0 : i32
    %scan3A_387 = arith.constant 250 : i32
    %scan3A_388 = arith.addi %scan3A_386, %scan3A_387 : i32
    %scan3A_389 = arith.constant 1 : i32
    scf.for %scan3A_463 = %scan3A_386 to %scan3A_388 step %scan3A_389  : i32 {
      %mul3A_464 = arith.constant 128 : i32
      %mul3A_465 = arith.muli %scan3A_463, %mul3A_464 : i32
      %add3A_466 = arith.constant 0 : i32
      %add3A_467 = arith.addi %mul3A_465, %add3A_466 : i32
      %get3A_468 = arith.index_cast %add3A_467 : i32 to index
      %get3A_469 = tpu.vector_load %arg8[%get3A_468] {strides = array<i32>} : memref<32000xf32, #tpu.memory_space<vmem>>, vector<16xf32>,
      %mul3A_470 = arith.mulf %get3A_469, %get3A_384 : vector<16xf32>
      %swap3A = arith.index_cast %add3A_467 : i32 to index
      %swap3A_471 = tpu.vector_load %arg8[%swap3A] {strides = array<i32>} : memref<32000xf32, #tpu.memory_space<vmem>>, vector<16xf32>,
      tpu.vector_store %arg8[%swap3A], %mul3A_470 {strides = array<i32>} : memref<32000xf32, #tpu.memory_space<vmem>>, vector<16xf32>,
      %add3A_472 = arith.constant 16 : i32
      %add3A_473 = arith.addi %mul3A_465, %add3A_472 : i32
      %get3A_474 = arith.index_cast %add3A_473 : i32 to index
      %get3A_475 = tpu.vector_load %arg8[%get3A_474] {strides = array<i32>} : memref<32000xf32, #tpu.memory_space<vmem>>, vector<16xf32>,
      %mul3A_476 = arith.mulf %get3A_475, %get3A_384 : vector<16xf32>
      %swap3A_477 = arith.index_cast %add3A_473 : i32 to index
      %swap3A_478 = tpu.vector_load %arg8[%swap3A_477] {strides = array<i32>} : memref<32000xf32, #tpu.memory_space<vmem>>, vector<16xf32>,
      tpu.vector_store %arg8[%swap3A_477], %mul3A_476 {strides = array<i32>} : memref<32000xf32, #tpu.memory_space<vmem>>, vector<16xf32>,
      %add3A_479 = arith.constant 32 : i32
      %add3A_480 = arith.addi %mul3A_465, %add3A_479 : i32
      %get3A_481 = arith.index_cast %add3A_480 : i32 to index
      %get3A_482 = tpu.vector_load %arg8[%get3A_481] {strides = array<i32>} : memref<32000xf32, #tpu.memory_space<vmem>>, vector<16xf32>,
      %mul3A_483 = arith.mulf %get3A_482, %get3A_384 : vector<16xf32>
      %swap3A_484 = arith.index_cast %add3A_480 : i32 to index
      %swap3A_485 = tpu.vector_load %arg8[%swap3A_484] {strides = array<i32>} : memref<32000xf32, #tpu.memory_space<vmem>>, vector<16xf32>,
      tpu.vector_store %arg8[%swap3A_484], %mul3A_483 {strides = array<i32>} : memref<32000xf32, #tpu.memory_space<vmem>>, vector<16xf32>,
      %add3A_486 = arith.constant 48 : i32
      %add3A_487 = arith.addi %mul3A_465, %add3A_486 : i32
      %get3A_488 = arith.index_cast %add3A_487 : i32 to index
      %get3A_489 = tpu.vector_load %arg8[%get3A_488] {strides = array<i32>} : memref<32000xf32, #tpu.memory_space<vmem>>, vector<16xf32>,
      %mul3A_490 = arith.mulf %get3A_489, %get3A_384 : vector<16xf32>
      %swap3A_491 = arith.index_cast %add3A_487 : i32 to index
      %swap3A_492 = tpu.vector_load %arg8[%swap3A_491] {strides = array<i32>} : memref<32000xf32, #tpu.memory_space<vmem>>, vector<16xf32>,
      tpu.vector_store %arg8[%swap3A_491], %mul3A_490 {strides = array<i32>} : memref<32000xf32, #tpu.memory_space<vmem>>, vector<16xf32>,
      %add3A_493 = arith.constant 64 : i32
      %add3A_494 = arith.addi %mul3A_465, %add3A_493 : i32
      %get3A_495 = arith.index_cast %add3A_494 : i32 to index
      %get3A_496 = tpu.vector_load %arg8[%get3A_495] {strides = array<i32>} : memref<32000xf32, #tpu.memory_space<vmem>>, vector<16xf32>,
      %mul3A_497 = arith.mulf %get3A_496, %get3A_384 : vector<16xf32>
      %swap3A_498 = arith.index_cast %add3A_494 : i32 to index
      %swap3A_499 = tpu.vector_load %arg8[%swap3A_498] {strides = array<i32>} : memref<32000xf32, #tpu.memory_space<vmem>>, vector<16xf32>,
      tpu.vector_store %arg8[%swap3A_498], %mul3A_497 {strides = array<i32>} : memref<32000xf32, #tpu.memory_space<vmem>>, vector<16xf32>,
      %add3A_500 = arith.constant 80 : i32
      %add3A_501 = arith.addi %mul3A_465, %add3A_500 : i32
      %get3A_502 = arith.index_cast %add3A_501 : i32 to index
      %get3A_503 = tpu.vector_load %arg8[%get3A_502] {strides = array<i32>} : memref<32000xf32, #tpu.memory_space<vmem>>, vector<16xf32>,
      %mul3A_504 = arith.mulf %get3A_503, %get3A_384 : vector<16xf32>
      %swap3A_505 = arith.index_cast %add3A_501 : i32 to index
      %swap3A_506 = tpu.vector_load %arg8[%swap3A_505] {strides = array<i32>} : memref<32000xf32, #tpu.memory_space<vmem>>, vector<16xf32>,
      tpu.vector_store %arg8[%swap3A_505], %mul3A_504 {strides = array<i32>} : memref<32000xf32, #tpu.memory_space<vmem>>, vector<16xf32>,
      %add3A_507 = arith.constant 96 : i32
      %add3A_508 = arith.addi %mul3A_465, %add3A_507 : i32
      %get3A_509 = arith.index_cast %add3A_508 : i32 to index
      %get3A_510 = tpu.vector_load %arg8[%get3A_509] {strides = array<i32>} : memref<32000xf32, #tpu.memory_space<vmem>>, vector<16xf32>,
      %mul3A_511 = arith.mulf %get3A_510, %get3A_384 : vector<16xf32>
      %swap3A_512 = arith.index_cast %add3A_508 : i32 to index
      %swap3A_513 = tpu.vector_load %arg8[%swap3A_512] {strides = array<i32>} : memref<32000xf32, #tpu.memory_space<vmem>>, vector<16xf32>,
      tpu.vector_store %arg8[%swap3A_512], %mul3A_511 {strides = array<i32>} : memref<32000xf32, #tpu.memory_space<vmem>>, vector<16xf32>,
      %add3A_514 = arith.constant 112 : i32
      %add3A_515 = arith.addi %mul3A_465, %add3A_514 : i32
      %get3A_516 = arith.index_cast %add3A_515 : i32 to index
      %get3A_517 = tpu.vector_load %arg8[%get3A_516] {strides = array<i32>} : memref<32000xf32, #tpu.memory_space<vmem>>, vector<16xf32>,
      %mul3A_518 = arith.mulf %get3A_517, %get3A_384 : vector<16xf32>
      %swap3A_519 = arith.index_cast %add3A_515 : i32 to index
      %swap3A_520 = tpu.vector_load %arg8[%swap3A_519] {strides = array<i32>} : memref<32000xf32, #tpu.memory_space<vmem>>, vector<16xf32>,
      tpu.vector_store %arg8[%swap3A_519], %mul3A_518 {strides = array<i32>} : memref<32000xf32, #tpu.memory_space<vmem>>, vector<16xf32>,
    }
    %scan3A_390 = arith.constant 250 : i32
    %add3A_391 = arith.constant 128 : i32
    %add3A_392 = arith.addi %add3A_391, %mul3A_2 : i32
    %add3A_393 = arith.constant 2 : i32
    %add3A_394 = arith.addi %add3A_392, %add3A_393 : i32
    %dma_start3A_395 = arith.constant 0 : i32
    %dma_start3A_396 = tpu.memref_slice %arg6[%add3A_394, %dma_start3A_395] : memref<256x32000xf32, #tpu.memory_space<hbm>> -> memref<1x32000xf32, #tpu.memory_space<hbm>>
    %dma_start3A_397 = tpu.memref_squeeze %dma_start3A_396 : memref<1x32000xf32, #tpu.memory_space<hbm>> -> memref<32000xf32, #tpu.memory_space<hbm>>
    %dma_start3A_398 = arith.constant 0 : i32
    %dma_start3A_399 = tpu.memref_slice %arg6[%add3A_394, %dma_start3A_398] : memref<256x32000xf32, #tpu.memory_space<hbm>> -> memref<1x32000xf32, #tpu.memory_space<hbm>>
    %dma_start3A_400 = tpu.memref_squeeze %dma_start3A_399 : memref<1x32000xf32, #tpu.memory_space<hbm>> -> memref<32000xf32, #tpu.memory_space<hbm>>
    tpu.enqueue_dma source(%arg10 : memref<32000xf32, #tpu.memory_space<vmem>>) target(%dma_start3A_400 : memref<32000xf32, #tpu.memory_space<hbm>>) target_semaphore(%arg19 : memref<!tpu.dma_semaphore, #tpu.memory_space<semaphore_mem>>)
    %add3A_401 = arith.constant 128 : i32
    %add3A_402 = arith.addi %add3A_401, %mul3A_2 : i32
    %add3A_403 = arith.constant 3 : i32
    %add3A_404 = arith.addi %add3A_402, %add3A_403 : i32
    %jit3A_405 = arith.constant 64 : i32
    %div3A_406 = arith.divsi %add3A_404, %jit3A_405 : i32
    %sign3A_407 = arith.constant 0 : i32
    %sign3A_408 = arith.cmpi sgt, %add3A_404, %sign3A_407 : i32
    %sign3A_409 = arith.extui %sign3A_408 : i1 to i32
    %sign3A_410 = arith.constant 0 : i32
    %sign3A_411 = arith.cmpi slt, %add3A_404, %sign3A_410 : i32
    %sign3A_412 = arith.extui %sign3A_411 : i1 to i32
    %sign3A_413 = arith.subi %sign3A_409, %sign3A_412 : i32
    %sign3A_414 = arith.constant 0 : i32
    %sign3A_415 = arith.cmpi sgt, %jit3A_405, %sign3A_414 : i32
    %sign3A_416 = arith.extui %sign3A_415 : i1 to i32
    %sign3A_417 = arith.constant 0 : i32
    %sign3A_418 = arith.cmpi slt, %jit3A_405, %sign3A_417 : i32
    %sign3A_419 = arith.extui %sign3A_418 : i1 to i32
    %sign3A_420 = arith.subi %sign3A_416, %sign3A_419 : i32
    %ne3A_421 = arith.cmpi ne, %sign3A_413, %sign3A_420 : i32
    %rem3A_422 = arith.remsi %add3A_404, %jit3A_405 : i32
    %ne3A_423 = arith.constant 0 : i32
    %ne3A_424 = arith.cmpi ne, %rem3A_422, %ne3A_423 : i32
    %and3A_425 = arith.andi %ne3A_421, %ne3A_424 : i1
    %sub3A_426 = arith.constant 1 : i32
    %sub3A_427 = arith.subi %div3A_406, %sub3A_426 : i32
    %select_n3A_428 = arith.select %and3A_425, %sub3A_427, %div3A_406 : i32
    %scan3A_429 = arith.constant 0 : i32
    %scan3A_430 = arith.constant 0 : i32
    %scan3A_431 = arith.constant 32 : i32
    %scan3A_432 = arith.addi %scan3A_430, %scan3A_431 : i32
    %scan3A_433 = arith.constant 1 : i32
    scf.for %scan3A_463 = %scan3A_430 to %scan3A_432 step %scan3A_433  : i32 {
      %mul3A_464 = arith.constant 16 : i32
      %mul3A_465 = arith.muli %scan3A_463, %mul3A_464 : i32
      %mul3A_466 = arith.constant 512 : i32
      %mul3A_467 = arith.muli %select_n3A_428, %mul3A_466 : i32
      %add3A_468 = arith.addi %mul3A_467, %mul3A_465 : i32
      %get3A_469 = arith.index_cast %add3A_468 : i32 to index
      %get3A_470 = tpu.vector_load %arg13[%get3A_469] {strides = array<i32>} : memref<2048xi32, #tpu.memory_space<vmem>>, vector<16xi32>,
      %add3A_471 = arith.constant 1536 : i32
      %add3A_472 = arith.addi %add3A_471, %mul3A_465 : i32
      %get3A_473 = arith.index_cast %add3A_472 : i32 to index
      %get3A_474 = tpu.vector_load %arg11[%get3A_473] {strides = array<i32>} : memref<2048xf32, #tpu.memory_space<vmem>>, vector<16xf32>,
      tpu.vector_store_idx %arg8[%get3A_470], %get3A_474 {add = true} : memref<32000xf32, #tpu.memory_space<vmem>>[vector<16xi32>], vector<16xf32>,
    }
    %scan3A_434 = arith.constant 32 : i32
    %delay3A = arith.constant 32 : i32
    tpu.delay %delay3A
    %add3A_435 = arith.constant 128 : i32
    %add3A_436 = arith.addi %add3A_435, %mul3A_2 : i32
    %add3A_437 = arith.constant 3 : i32
    %add3A_438 = arith.addi %add3A_436, %add3A_437 : i32
    %dma_start3A_439 = arith.constant 0 : i32
    %dma_start3A_440 = tpu.memref_slice %arg6[%add3A_438, %dma_start3A_439] : memref<256x32000xf32, #tpu.memory_space<hbm>> -> memref<1x32000xf32, #tpu.memory_space<hbm>>
    %dma_start3A_441 = tpu.memref_squeeze %dma_start3A_440 : memref<1x32000xf32, #tpu.memory_space<hbm>> -> memref<32000xf32, #tpu.memory_space<hbm>>
    %dma_start3A_442 = arith.constant 0 : i32
    %dma_start3A_443 = tpu.memref_slice %arg6[%add3A_438, %dma_start3A_442] : memref<256x32000xf32, #tpu.memory_space<hbm>> -> memref<1x32000xf32, #tpu.memory_space<hbm>>
    %dma_start3A_444 = tpu.memref_squeeze %dma_start3A_443 : memref<1x32000xf32, #tpu.memory_space<hbm>> -> memref<32000xf32, #tpu.memory_space<hbm>>
    tpu.enqueue_dma source(%arg8 : memref<32000xf32, #tpu.memory_space<vmem>>) target(%dma_start3A_444 : memref<32000xf32, #tpu.memory_space<hbm>>) target_semaphore(%arg17 : memref<!tpu.dma_semaphore, #tpu.memory_space<semaphore_mem>>)
    %dma_wait3A_445 = arith.constant 0 : i32
    %dma_wait3A_446 = tpu.memref_slice %arg6[%add3A_336, %dma_wait3A_445] : memref<256x32000xf32, #tpu.memory_space<hbm>> -> memref<1x32000xf32, #tpu.memory_space<hbm>>
    %dma_wait3A_447 = tpu.memref_squeeze %dma_wait3A_446 : memref<1x32000xf32, #tpu.memory_space<hbm>> -> memref<32000xf32, #tpu.memory_space<hbm>>
    %dma_wait3A_448 = arith.constant 0 : i32
    %dma_wait3A_449 = tpu.memref_slice %arg6[%add3A_336, %dma_wait3A_448] : memref<256x32000xf32, #tpu.memory_space<hbm>> -> memref<1x32000xf32, #tpu.memory_space<hbm>>
    %dma_wait3A_450 = tpu.memref_squeeze %dma_wait3A_449 : memref<1x32000xf32, #tpu.memory_space<hbm>> -> memref<32000xf32, #tpu.memory_space<hbm>>
    tpu.wait_dma2 semaphore(%arg18 : memref<!tpu.dma_semaphore, #tpu.memory_space<semaphore_mem>>) src(%arg9 : memref<32000xf32, #tpu.memory_space<vmem>>) dst(%dma_wait3A_450 : memref<32000xf32, #tpu.memory_space<hbm>>)
    %dma_wait3A_451 = arith.constant 0 : i32
    %dma_wait3A_452 = tpu.memref_slice %arg6[%add3A_394, %dma_wait3A_451] : memref<256x32000xf32, #tpu.memory_space<hbm>> -> memref<1x32000xf32, #tpu.memory_space<hbm>>
    %dma_wait3A_453 = tpu.memref_squeeze %dma_wait3A_452 : memref<1x32000xf32, #tpu.memory_space<hbm>> -> memref<32000xf32, #tpu.memory_space<hbm>>
    %dma_wait3A_454 = arith.constant 0 : i32
    %dma_wait3A_455 = tpu.memref_slice %arg6[%add3A_394, %dma_wait3A_454] : memref<256x32000xf32, #tpu.memory_space<hbm>> -> memref<1x32000xf32, #tpu.memory_space<hbm>>
    %dma_wait3A_456 = tpu.memref_squeeze %dma_wait3A_455 : memref<1x32000xf32, #tpu.memory_space<hbm>> -> memref<32000xf32, #tpu.memory_space<hbm>>
    tpu.wait_dma2 semaphore(%arg19 : memref<!tpu.dma_semaphore, #tpu.memory_space<semaphore_mem>>) src(%arg10 : memref<32000xf32, #tpu.memory_space<vmem>>) dst(%dma_wait3A_456 : memref<32000xf32, #tpu.memory_space<hbm>>)
    %dma_wait3A_457 = arith.constant 0 : i32
    %dma_wait3A_458 = tpu.memref_slice %arg6[%add3A_438, %dma_wait3A_457] : memref<256x32000xf32, #tpu.memory_space<hbm>> -> memref<1x32000xf32, #tpu.memory_space<hbm>>
    %dma_wait3A_459 = tpu.memref_squeeze %dma_wait3A_458 : memref<1x32000xf32, #tpu.memory_space<hbm>> -> memref<32000xf32, #tpu.memory_space<hbm>>
    %dma_wait3A_460 = arith.constant 0 : i32
    %dma_wait3A_461 = tpu.memref_slice %arg6[%add3A_438, %dma_wait3A_460] : memref<256x32000xf32, #tpu.memory_space<hbm>> -> memref<1x32000xf32, #tpu.memory_space<hbm>>
    %dma_wait3A_462 = tpu.memref_squeeze %dma_wait3A_461 : memref<1x32000xf32, #tpu.memory_space<hbm>> -> memref<32000xf32, #tpu.memory_space<hbm>>
    tpu.wait_dma2 semaphore(%arg17 : memref<!tpu.dma_semaphore, #tpu.memory_space<semaphore_mem>>) src(%arg8 : memref<32000xf32, #tpu.memory_space<vmem>>) dst(%dma_wait3A_462 : memref<32000xf32, #tpu.memory_space<hbm>>)
    return
  }
}

#map = affine_map<(d0, d1) -> (0, 0)>
#map1 = affine_map<(d0, d1) -> (0)>
module attributes {stable_mosaic.version = 14 : i64} {
  func.func @sc_scatter_rows0(%arg0: i32, %arg1: i32, %arg2: memref<256x32000xf32, #tpu.memory_space<hbm>>, %arg3: memref<128x128xf32, #tpu.memory_space<hbm>>, %arg4: memref<128x512xf32, #tpu.memory_space<hbm>>, %arg5: memref<2048xi32, #tpu.memory_space<hbm>>, %arg6: memref<256x32000xf32, #tpu.memory_space<hbm>>, %arg7: memref<32000xf32, #tpu.memory_space<vmem>>, %arg8: memref<32000xf32, #tpu.memory_space<vmem>>, %arg9: memref<32000xf32, #tpu.memory_space<vmem>>, %arg10: memref<2048xf32, #tpu.memory_space<vmem>>, %arg11: memref<512xf32, #tpu.memory_space<vmem>>, %arg12: memref<2048xi32, #tpu.memory_space<vmem>>, %arg13: memref<!tpu.dma_semaphore, #tpu.memory_space<semaphore_mem>>, %arg14: memref<!tpu.dma_semaphore, #tpu.memory_space<semaphore_mem>>, %arg15: memref<!tpu.dma_semaphore, #tpu.memory_space<semaphore_mem>>, %arg16: memref<!tpu.dma_semaphore, #tpu.memory_space<semaphore_mem>>, %arg17: memref<!tpu.dma_semaphore, #tpu.memory_space<semaphore_mem>>, %arg18: memref<!tpu.dma_semaphore, #tpu.memory_space<semaphore_mem>>, %arg19: memref<!tpu.dma_semaphore, #tpu.memory_space<semaphore_mem>>) attributes {dimension_semantics = [#tpu.dimension_semantics<core_parallel>, #tpu.dimension_semantics<subcore_parallel>], iteration_bounds = array<i64: 2, 16>, scalar_prefetch = 0 : i64, scratch_operands = 13 : i64, tpu.core_type = #tpu.core_type<sc_vector_subcore>, window_params = [{transform_indices = #map}, {transform_indices = #map}, {transform_indices = #map}, {transform_indices = #map1}, {transform_indices = #map}]} {
    %mul3A = arith.constant 2 : i32
    %mul3A_0 = arith.muli %arg1, %mul3A : i32
    %add3A = arith.addi %mul3A_0, %arg0 : i32
    %mul3A_1 = arith.constant 4 : i32
    %mul3A_2 = arith.muli %add3A, %mul3A_1 : i32
    %add3A_3 = arith.constant 0 : i32
    %add3A_4 = arith.addi %mul3A_2, %add3A_3 : i32
    %dma_start3A = arith.constant 0 : i32
    %dma_start3A_5 = tpu.memref_slice %arg10[%dma_start3A] : memref<2048xf32, #tpu.memory_space<vmem>> -> memref<512xf32, #tpu.memory_space<vmem>>
    %dma_start3A_6 = arith.constant 0 : i32
    %dma_start3A_7 = tpu.memref_slice %arg4[%add3A_4, %dma_start3A_6] : memref<128x512xf32, #tpu.memory_space<hbm>> -> memref<1x512xf32, #tpu.memory_space<hbm>>
    %dma_start3A_8 = tpu.memref_squeeze %dma_start3A_7 : memref<1x512xf32, #tpu.memory_space<hbm>> -> memref<512xf32, #tpu.memory_space<hbm>>
    %dma_start3A_9 = arith.constant 0 : i32
    %dma_start3A_10 = tpu.memref_slice %arg10[%dma_start3A_9] : memref<2048xf32, #tpu.memory_space<vmem>> -> memref<512xf32, #tpu.memory_space<vmem>>
    %dma_start3A_11 = arith.constant 0 : i32
    %dma_start3A_12 = tpu.memref_slice %arg4[%add3A_4, %dma_start3A_11] : memref<128x512xf32, #tpu.memory_space<hbm>> -> memref<1x512xf32, #tpu.memory_space<hbm>>
    %dma_start3A_13 = tpu.memref_squeeze %dma_start3A_12 : memref<1x512xf32, #tpu.memory_space<hbm>> -> memref<512xf32, #tpu.memory_space<hbm>>
    tpu.enqueue_dma source(%dma_start3A_13 : memref<512xf32, #tpu.memory_space<hbm>>) target(%dma_start3A_10 : memref<512xf32, #tpu.memory_space<vmem>>) target_semaphore(%arg19 : memref<!tpu.dma_semaphore, #tpu.memory_space<semaphore_mem>>)
    %add3A_14 = arith.constant 0 : i32
    %add3A_15 = arith.addi %mul3A_2, %add3A_14 : i32
    %dma_start3A_16 = arith.constant 0 : i32
    %dma_start3A_17 = tpu.memref_slice %arg11[%dma_start3A_16] : memref<512xf32, #tpu.memory_space<vmem>> -> memref<128xf32, #tpu.memory_space<vmem>>
    %dma_start3A_18 = arith.constant 0 : i32
    %dma_start3A_19 = tpu.memref_slice %arg3[%add3A_15, %dma_start3A_18] : memref<128x128xf32, #tpu.memory_space<hbm>> -> memref<1x128xf32, #tpu.memory_space<hbm>>
    %dma_start3A_20 = tpu.memref_squeeze %dma_start3A_19 : memref<1x128xf32, #tpu.memory_space<hbm>> -> memref<128xf32, #tpu.memory_space<hbm>>
    %dma_start3A_21 = arith.constant 0 : i32
    %dma_start3A_22 = tpu.memref_slice %arg11[%dma_start3A_21] : memref<512xf32, #tpu.memory_space<vmem>> -> memref<128xf32, #tpu.memory_space<vmem>>
    %dma_start3A_23 = arith.constant 0 : i32
    %dma_start3A_24 = tpu.memref_slice %arg3[%add3A_15, %dma_start3A_23] : memref<128x128xf32, #tpu.memory_space<hbm>> -> memref<1x128xf32, #tpu.memory_space<hbm>>
    %dma_start3A_25 = tpu.memref_squeeze %dma_start3A_24 : memref<1x128xf32, #tpu.memory_space<hbm>> -> memref<128xf32, #tpu.memory_space<hbm>>
    tpu.enqueue_dma source(%dma_start3A_25 : memref<128xf32, #tpu.memory_space<hbm>>) target(%dma_start3A_22 : memref<128xf32, #tpu.memory_space<vmem>>) target_semaphore(%arg19 : memref<!tpu.dma_semaphore, #tpu.memory_space<semaphore_mem>>)
    %add3A_26 = arith.constant 1 : i32
    %add3A_27 = arith.addi %mul3A_2, %add3A_26 : i32
    %dma_start3A_28 = arith.constant 512 : i32
    %dma_start3A_29 = tpu.memref_slice %arg10[%dma_start3A_28] : memref<2048xf32, #tpu.memory_space<vmem>> -> memref<512xf32, #tpu.memory_space<vmem>>
    %dma_start3A_30 = arith.constant 0 : i32
    %dma_start3A_31 = tpu.memref_slice %arg4[%add3A_27, %dma_start3A_30] : memref<128x512xf32, #tpu.memory_space<hbm>> -> memref<1x512xf32, #tpu.memory_space<hbm>>
    %dma_start3A_32 = tpu.memref_squeeze %dma_start3A_31 : memref<1x512xf32, #tpu.memory_space<hbm>> -> memref<512xf32, #tpu.memory_space<hbm>>
    %dma_start3A_33 = arith.constant 512 : i32
    %dma_start3A_34 = tpu.memref_slice %arg10[%dma_start3A_33] : memref<2048xf32, #tpu.memory_space<vmem>> -> memref<512xf32, #tpu.memory_space<vmem>>
    %dma_start3A_35 = arith.constant 0 : i32
    %dma_start3A_36 = tpu.memref_slice %arg4[%add3A_27, %dma_start3A_35] : memref<128x512xf32, #tpu.memory_space<hbm>> -> memref<1x512xf32, #tpu.memory_space<hbm>>
    %dma_start3A_37 = tpu.memref_squeeze %dma_start3A_36 : memref<1x512xf32, #tpu.memory_space<hbm>> -> memref<512xf32, #tpu.memory_space<hbm>>
    tpu.enqueue_dma source(%dma_start3A_37 : memref<512xf32, #tpu.memory_space<hbm>>) target(%dma_start3A_34 : memref<512xf32, #tpu.memory_space<vmem>>) target_semaphore(%arg19 : memref<!tpu.dma_semaphore, #tpu.memory_space<semaphore_mem>>)
    %add3A_38 = arith.constant 1 : i32
    %add3A_39 = arith.addi %mul3A_2, %add3A_38 : i32
    %dma_start3A_40 = arith.constant 128 : i32
    %dma_start3A_41 = tpu.memref_slice %arg11[%dma_start3A_40] : memref<512xf32, #tpu.memory_space<vmem>> -> memref<128xf32, #tpu.memory_space<vmem>>
    %dma_start3A_42 = arith.constant 0 : i32
    %dma_start3A_43 = tpu.memref_slice %arg3[%add3A_39, %dma_start3A_42] : memref<128x128xf32, #tpu.memory_space<hbm>> -> memref<1x128xf32, #tpu.memory_space<hbm>>
    %dma_start3A_44 = tpu.memref_squeeze %dma_start3A_43 : memref<1x128xf32, #tpu.memory_space<hbm>> -> memref<128xf32, #tpu.memory_space<hbm>>
    %dma_start3A_45 = arith.constant 128 : i32
    %dma_start3A_46 = tpu.memref_slice %arg11[%dma_start3A_45] : memref<512xf32, #tpu.memory_space<vmem>> -> memref<128xf32, #tpu.memory_space<vmem>>
    %dma_start3A_47 = arith.constant 0 : i32
    %dma_start3A_48 = tpu.memref_slice %arg3[%add3A_39, %dma_start3A_47] : memref<128x128xf32, #tpu.memory_space<hbm>> -> memref<1x128xf32, #tpu.memory_space<hbm>>
    %dma_start3A_49 = tpu.memref_squeeze %dma_start3A_48 : memref<1x128xf32, #tpu.memory_space<hbm>> -> memref<128xf32, #tpu.memory_space<hbm>>
    tpu.enqueue_dma source(%dma_start3A_49 : memref<128xf32, #tpu.memory_space<hbm>>) target(%dma_start3A_46 : memref<128xf32, #tpu.memory_space<vmem>>) target_semaphore(%arg19 : memref<!tpu.dma_semaphore, #tpu.memory_space<semaphore_mem>>)
    %add3A_50 = arith.constant 2 : i32
    %add3A_51 = arith.addi %mul3A_2, %add3A_50 : i32
    %dma_start3A_52 = arith.constant 1024 : i32
    %dma_start3A_53 = tpu.memref_slice %arg10[%dma_start3A_52] : memref<2048xf32, #tpu.memory_space<vmem>> -> memref<512xf32, #tpu.memory_space<vmem>>
    %dma_start3A_54 = arith.constant 0 : i32
    %dma_start3A_55 = tpu.memref_slice %arg4[%add3A_51, %dma_start3A_54] : memref<128x512xf32, #tpu.memory_space<hbm>> -> memref<1x512xf32, #tpu.memory_space<hbm>>
    %dma_start3A_56 = tpu.memref_squeeze %dma_start3A_55 : memref<1x512xf32, #tpu.memory_space<hbm>> -> memref<512xf32, #tpu.memory_space<hbm>>
    %dma_start3A_57 = arith.constant 1024 : i32
    %dma_start3A_58 = tpu.memref_slice %arg10[%dma_start3A_57] : memref<2048xf32, #tpu.memory_space<vmem>> -> memref<512xf32, #tpu.memory_space<vmem>>
    %dma_start3A_59 = arith.constant 0 : i32
    %dma_start3A_60 = tpu.memref_slice %arg4[%add3A_51, %dma_start3A_59] : memref<128x512xf32, #tpu.memory_space<hbm>> -> memref<1x512xf32, #tpu.memory_space<hbm>>
    %dma_start3A_61 = tpu.memref_squeeze %dma_start3A_60 : memref<1x512xf32, #tpu.memory_space<hbm>> -> memref<512xf32, #tpu.memory_space<hbm>>
    tpu.enqueue_dma source(%dma_start3A_61 : memref<512xf32, #tpu.memory_space<hbm>>) target(%dma_start3A_58 : memref<512xf32, #tpu.memory_space<vmem>>) target_semaphore(%arg19 : memref<!tpu.dma_semaphore, #tpu.memory_space<semaphore_mem>>)
    %add3A_62 = arith.constant 2 : i32
    %add3A_63 = arith.addi %mul3A_2, %add3A_62 : i32
    %dma_start3A_64 = arith.constant 256 : i32
    %dma_start3A_65 = tpu.memref_slice %arg11[%dma_start3A_64] : memref<512xf32, #tpu.memory_space<vmem>> -> memref<128xf32, #tpu.memory_space<vmem>>
    %dma_start3A_66 = arith.constant 0 : i32
    %dma_start3A_67 = tpu.memref_slice %arg3[%add3A_63, %dma_start3A_66] : memref<128x128xf32, #tpu.memory_space<hbm>> -> memref<1x128xf32, #tpu.memory_space<hbm>>
    %dma_start3A_68 = tpu.memref_squeeze %dma_start3A_67 : memref<1x128xf32, #tpu.memory_space<hbm>> -> memref<128xf32, #tpu.memory_space<hbm>>
    %dma_start3A_69 = arith.constant 256 : i32
    %dma_start3A_70 = tpu.memref_slice %arg11[%dma_start3A_69] : memref<512xf32, #tpu.memory_space<vmem>> -> memref<128xf32, #tpu.memory_space<vmem>>
    %dma_start3A_71 = arith.constant 0 : i32
    %dma_start3A_72 = tpu.memref_slice %arg3[%add3A_63, %dma_start3A_71] : memref<128x128xf32, #tpu.memory_space<hbm>> -> memref<1x128xf32, #tpu.memory_space<hbm>>
    %dma_start3A_73 = tpu.memref_squeeze %dma_start3A_72 : memref<1x128xf32, #tpu.memory_space<hbm>> -> memref<128xf32, #tpu.memory_space<hbm>>
    tpu.enqueue_dma source(%dma_start3A_73 : memref<128xf32, #tpu.memory_space<hbm>>) target(%dma_start3A_70 : memref<128xf32, #tpu.memory_space<vmem>>) target_semaphore(%arg19 : memref<!tpu.dma_semaphore, #tpu.memory_space<semaphore_mem>>)
    %add3A_74 = arith.constant 3 : i32
    %add3A_75 = arith.addi %mul3A_2, %add3A_74 : i32
    %dma_start3A_76 = arith.constant 1536 : i32
    %dma_start3A_77 = tpu.memref_slice %arg10[%dma_start3A_76] : memref<2048xf32, #tpu.memory_space<vmem>> -> memref<512xf32, #tpu.memory_space<vmem>>
    %dma_start3A_78 = arith.constant 0 : i32
    %dma_start3A_79 = tpu.memref_slice %arg4[%add3A_75, %dma_start3A_78] : memref<128x512xf32, #tpu.memory_space<hbm>> -> memref<1x512xf32, #tpu.memory_space<hbm>>
    %dma_start3A_80 = tpu.memref_squeeze %dma_start3A_79 : memref<1x512xf32, #tpu.memory_space<hbm>> -> memref<512xf32, #tpu.memory_space<hbm>>
    %dma_start3A_81 = arith.constant 1536 : i32
    %dma_start3A_82 = tpu.memref_slice %arg10[%dma_start3A_81] : memref<2048xf32, #tpu.memory_space<vmem>> -> memref<512xf32, #tpu.memory_space<vmem>>
    %dma_start3A_83 = arith.constant 0 : i32
    %dma_start3A_84 = tpu.memref_slice %arg4[%add3A_75, %dma_start3A_83] : memref<128x512xf32, #tpu.memory_space<hbm>> -> memref<1x512xf32, #tpu.memory_space<hbm>>
    %dma_start3A_85 = tpu.memref_squeeze %dma_start3A_84 : memref<1x512xf32, #tpu.memory_space<hbm>> -> memref<512xf32, #tpu.memory_space<hbm>>
    tpu.enqueue_dma source(%dma_start3A_85 : memref<512xf32, #tpu.memory_space<hbm>>) target(%dma_start3A_82 : memref<512xf32, #tpu.memory_space<vmem>>) target_semaphore(%arg19 : memref<!tpu.dma_semaphore, #tpu.memory_space<semaphore_mem>>)
    %add3A_86 = arith.constant 3 : i32
    %add3A_87 = arith.addi %mul3A_2, %add3A_86 : i32
    %dma_start3A_88 = arith.constant 384 : i32
    %dma_start3A_89 = tpu.memref_slice %arg11[%dma_start3A_88] : memref<512xf32, #tpu.memory_space<vmem>> -> memref<128xf32, #tpu.memory_space<vmem>>
    %dma_start3A_90 = arith.constant 0 : i32
    %dma_start3A_91 = tpu.memref_slice %arg3[%add3A_87, %dma_start3A_90] : memref<128x128xf32, #tpu.memory_space<hbm>> -> memref<1x128xf32, #tpu.memory_space<hbm>>
    %dma_start3A_92 = tpu.memref_squeeze %dma_start3A_91 : memref<1x128xf32, #tpu.memory_space<hbm>> -> memref<128xf32, #tpu.memory_space<hbm>>
    %dma_start3A_93 = arith.constant 384 : i32
    %dma_start3A_94 = tpu.memref_slice %arg11[%dma_start3A_93] : memref<512xf32, #tpu.memory_space<vmem>> -> memref<128xf32, #tpu.memory_space<vmem>>
    %dma_start3A_95 = arith.constant 0 : i32
    %dma_start3A_96 = tpu.memref_slice %arg3[%add3A_87, %dma_start3A_95] : memref<128x128xf32, #tpu.memory_space<hbm>> -> memref<1x128xf32, #tpu.memory_space<hbm>>
    %dma_start3A_97 = tpu.memref_squeeze %dma_start3A_96 : memref<1x128xf32, #tpu.memory_space<hbm>> -> memref<128xf32, #tpu.memory_space<hbm>>
    tpu.enqueue_dma source(%dma_start3A_97 : memref<128xf32, #tpu.memory_space<hbm>>) target(%dma_start3A_94 : memref<128xf32, #tpu.memory_space<vmem>>) target_semaphore(%arg19 : memref<!tpu.dma_semaphore, #tpu.memory_space<semaphore_mem>>)
    tpu.enqueue_dma source(%arg5 : memref<2048xi32, #tpu.memory_space<hbm>>) target(%arg12 : memref<2048xi32, #tpu.memory_space<vmem>>) target_semaphore(%arg19 : memref<!tpu.dma_semaphore, #tpu.memory_space<semaphore_mem>>)
    %add3A_98 = arith.constant 0 : i32
    %add3A_99 = arith.addi %add3A_98, %mul3A_2 : i32
    %add3A_100 = arith.constant 0 : i32
    %add3A_101 = arith.addi %add3A_99, %add3A_100 : i32
    %dma_start3A_102 = arith.constant 0 : i32
    %dma_start3A_103 = tpu.memref_slice %arg2[%add3A_101, %dma_start3A_102] : memref<256x32000xf32, #tpu.memory_space<hbm>> -> memref<1x32000xf32, #tpu.memory_space<hbm>>
    %dma_start3A_104 = tpu.memref_squeeze %dma_start3A_103 : memref<1x32000xf32, #tpu.memory_space<hbm>> -> memref<32000xf32, #tpu.memory_space<hbm>>
    %dma_start3A_105 = arith.constant 0 : i32
    %dma_start3A_106 = tpu.memref_slice %arg2[%add3A_101, %dma_start3A_105] : memref<256x32000xf32, #tpu.memory_space<hbm>> -> memref<1x32000xf32, #tpu.memory_space<hbm>>
    %dma_start3A_107 = tpu.memref_squeeze %dma_start3A_106 : memref<1x32000xf32, #tpu.memory_space<hbm>> -> memref<32000xf32, #tpu.memory_space<hbm>>
    tpu.enqueue_dma source(%dma_start3A_107 : memref<32000xf32, #tpu.memory_space<hbm>>) target(%arg7 : memref<32000xf32, #tpu.memory_space<vmem>>) target_semaphore(%arg13 : memref<!tpu.dma_semaphore, #tpu.memory_space<semaphore_mem>>)
    %add3A_108 = arith.constant 0 : i32
    %add3A_109 = arith.addi %add3A_108, %mul3A_2 : i32
    %add3A_110 = arith.constant 1 : i32
    %add3A_111 = arith.addi %add3A_109, %add3A_110 : i32
    %dma_start3A_112 = arith.constant 0 : i32
    %dma_start3A_113 = tpu.memref_slice %arg2[%add3A_111, %dma_start3A_112] : memref<256x32000xf32, #tpu.memory_space<hbm>> -> memref<1x32000xf32, #tpu.memory_space<hbm>>
    %dma_start3A_114 = tpu.memref_squeeze %dma_start3A_113 : memref<1x32000xf32, #tpu.memory_space<hbm>> -> memref<32000xf32, #tpu.memory_space<hbm>>
    %dma_start3A_115 = arith.constant 0 : i32
    %dma_start3A_116 = tpu.memref_slice %arg2[%add3A_111, %dma_start3A_115] : memref<256x32000xf32, #tpu.memory_space<hbm>> -> memref<1x32000xf32, #tpu.memory_space<hbm>>
    %dma_start3A_117 = tpu.memref_squeeze %dma_start3A_116 : memref<1x32000xf32, #tpu.memory_space<hbm>> -> memref<32000xf32, #tpu.memory_space<hbm>>
    tpu.enqueue_dma source(%dma_start3A_117 : memref<32000xf32, #tpu.memory_space<hbm>>) target(%arg8 : memref<32000xf32, #tpu.memory_space<vmem>>) target_semaphore(%arg14 : memref<!tpu.dma_semaphore, #tpu.memory_space<semaphore_mem>>)
    %add3A_118 = arith.constant 0 : i32
    %add3A_119 = arith.addi %add3A_118, %mul3A_2 : i32
    %add3A_120 = arith.constant 2 : i32
    %add3A_121 = arith.addi %add3A_119, %add3A_120 : i32
    %dma_start3A_122 = arith.constant 0 : i32
    %dma_start3A_123 = tpu.memref_slice %arg2[%add3A_121, %dma_start3A_122] : memref<256x32000xf32, #tpu.memory_space<hbm>> -> memref<1x32000xf32, #tpu.memory_space<hbm>>
    %dma_start3A_124 = tpu.memref_squeeze %dma_start3A_123 : memref<1x32000xf32, #tpu.memory_space<hbm>> -> memref<32000xf32, #tpu.memory_space<hbm>>
    %dma_start3A_125 = arith.constant 0 : i32
    %dma_start3A_126 = tpu.memref_slice %arg2[%add3A_121, %dma_start3A_125] : memref<256x32000xf32, #tpu.memory_space<hbm>> -> memref<1x32000xf32, #tpu.memory_space<hbm>>
    %dma_start3A_127 = tpu.memref_squeeze %dma_start3A_126 : memref<1x32000xf32, #tpu.memory_space<hbm>> -> memref<32000xf32, #tpu.memory_space<hbm>>
    tpu.enqueue_dma source(%dma_start3A_127 : memref<32000xf32, #tpu.memory_space<hbm>>) target(%arg9 : memref<32000xf32, #tpu.memory_space<vmem>>) target_semaphore(%arg15 : memref<!tpu.dma_semaphore, #tpu.memory_space<semaphore_mem>>)
    %dma_wait3A = arith.constant 0 : i32
    %dma_wait3A_128 = tpu.memref_slice %arg10[%dma_wait3A] : memref<2048xf32, #tpu.memory_space<vmem>> -> memref<512xf32, #tpu.memory_space<vmem>>
    %dma_wait3A_129 = arith.constant 0 : i32
    %dma_wait3A_130 = tpu.memref_slice %arg4[%add3A_4, %dma_wait3A_129] : memref<128x512xf32, #tpu.memory_space<hbm>> -> memref<1x512xf32, #tpu.memory_space<hbm>>
    %dma_wait3A_131 = tpu.memref_squeeze %dma_wait3A_130 : memref<1x512xf32, #tpu.memory_space<hbm>> -> memref<512xf32, #tpu.memory_space<hbm>>
    %dma_wait3A_132 = arith.constant 0 : i32
    %dma_wait3A_133 = tpu.memref_slice %arg10[%dma_wait3A_132] : memref<2048xf32, #tpu.memory_space<vmem>> -> memref<512xf32, #tpu.memory_space<vmem>>
    %dma_wait3A_134 = arith.constant 0 : i32
    %dma_wait3A_135 = tpu.memref_slice %arg4[%add3A_4, %dma_wait3A_134] : memref<128x512xf32, #tpu.memory_space<hbm>> -> memref<1x512xf32, #tpu.memory_space<hbm>>
    %dma_wait3A_136 = tpu.memref_squeeze %dma_wait3A_135 : memref<1x512xf32, #tpu.memory_space<hbm>> -> memref<512xf32, #tpu.memory_space<hbm>>
    tpu.wait_dma2 semaphore(%arg19 : memref<!tpu.dma_semaphore, #tpu.memory_space<semaphore_mem>>) src(%dma_wait3A_136 : memref<512xf32, #tpu.memory_space<hbm>>) dst(%dma_wait3A_133 : memref<512xf32, #tpu.memory_space<vmem>>)
    %dma_wait3A_137 = arith.constant 0 : i32
    %dma_wait3A_138 = tpu.memref_slice %arg11[%dma_wait3A_137] : memref<512xf32, #tpu.memory_space<vmem>> -> memref<128xf32, #tpu.memory_space<vmem>>
    %dma_wait3A_139 = arith.constant 0 : i32
    %dma_wait3A_140 = tpu.memref_slice %arg3[%add3A_15, %dma_wait3A_139] : memref<128x128xf32, #tpu.memory_space<hbm>> -> memref<1x128xf32, #tpu.memory_space<hbm>>
    %dma_wait3A_141 = tpu.memref_squeeze %dma_wait3A_140 : memref<1x128xf32, #tpu.memory_space<hbm>> -> memref<128xf32, #tpu.memory_space<hbm>>
    %dma_wait3A_142 = arith.constant 0 : i32
    %dma_wait3A_143 = tpu.memref_slice %arg11[%dma_wait3A_142] : memref<512xf32, #tpu.memory_space<vmem>> -> memref<128xf32, #tpu.memory_space<vmem>>
    %dma_wait3A_144 = arith.constant 0 : i32
    %dma_wait3A_145 = tpu.memref_slice %arg3[%add3A_15, %dma_wait3A_144] : memref<128x128xf32, #tpu.memory_space<hbm>> -> memref<1x128xf32, #tpu.memory_space<hbm>>
    %dma_wait3A_146 = tpu.memref_squeeze %dma_wait3A_145 : memref<1x128xf32, #tpu.memory_space<hbm>> -> memref<128xf32, #tpu.memory_space<hbm>>
    tpu.wait_dma2 semaphore(%arg19 : memref<!tpu.dma_semaphore, #tpu.memory_space<semaphore_mem>>) src(%dma_wait3A_146 : memref<128xf32, #tpu.memory_space<hbm>>) dst(%dma_wait3A_143 : memref<128xf32, #tpu.memory_space<vmem>>)
    %dma_wait3A_147 = arith.constant 512 : i32
    %dma_wait3A_148 = tpu.memref_slice %arg10[%dma_wait3A_147] : memref<2048xf32, #tpu.memory_space<vmem>> -> memref<512xf32, #tpu.memory_space<vmem>>
    %dma_wait3A_149 = arith.constant 0 : i32
    %dma_wait3A_150 = tpu.memref_slice %arg4[%add3A_27, %dma_wait3A_149] : memref<128x512xf32, #tpu.memory_space<hbm>> -> memref<1x512xf32, #tpu.memory_space<hbm>>
    %dma_wait3A_151 = tpu.memref_squeeze %dma_wait3A_150 : memref<1x512xf32, #tpu.memory_space<hbm>> -> memref<512xf32, #tpu.memory_space<hbm>>
    %dma_wait3A_152 = arith.constant 512 : i32
    %dma_wait3A_153 = tpu.memref_slice %arg10[%dma_wait3A_152] : memref<2048xf32, #tpu.memory_space<vmem>> -> memref<512xf32, #tpu.memory_space<vmem>>
    %dma_wait3A_154 = arith.constant 0 : i32
    %dma_wait3A_155 = tpu.memref_slice %arg4[%add3A_27, %dma_wait3A_154] : memref<128x512xf32, #tpu.memory_space<hbm>> -> memref<1x512xf32, #tpu.memory_space<hbm>>
    %dma_wait3A_156 = tpu.memref_squeeze %dma_wait3A_155 : memref<1x512xf32, #tpu.memory_space<hbm>> -> memref<512xf32, #tpu.memory_space<hbm>>
    tpu.wait_dma2 semaphore(%arg19 : memref<!tpu.dma_semaphore, #tpu.memory_space<semaphore_mem>>) src(%dma_wait3A_156 : memref<512xf32, #tpu.memory_space<hbm>>) dst(%dma_wait3A_153 : memref<512xf32, #tpu.memory_space<vmem>>)
    %dma_wait3A_157 = arith.constant 128 : i32
    %dma_wait3A_158 = tpu.memref_slice %arg11[%dma_wait3A_157] : memref<512xf32, #tpu.memory_space<vmem>> -> memref<128xf32, #tpu.memory_space<vmem>>
    %dma_wait3A_159 = arith.constant 0 : i32
    %dma_wait3A_160 = tpu.memref_slice %arg3[%add3A_39, %dma_wait3A_159] : memref<128x128xf32, #tpu.memory_space<hbm>> -> memref<1x128xf32, #tpu.memory_space<hbm>>
    %dma_wait3A_161 = tpu.memref_squeeze %dma_wait3A_160 : memref<1x128xf32, #tpu.memory_space<hbm>> -> memref<128xf32, #tpu.memory_space<hbm>>
    %dma_wait3A_162 = arith.constant 128 : i32
    %dma_wait3A_163 = tpu.memref_slice %arg11[%dma_wait3A_162] : memref<512xf32, #tpu.memory_space<vmem>> -> memref<128xf32, #tpu.memory_space<vmem>>
    %dma_wait3A_164 = arith.constant 0 : i32
    %dma_wait3A_165 = tpu.memref_slice %arg3[%add3A_39, %dma_wait3A_164] : memref<128x128xf32, #tpu.memory_space<hbm>> -> memref<1x128xf32, #tpu.memory_space<hbm>>
    %dma_wait3A_166 = tpu.memref_squeeze %dma_wait3A_165 : memref<1x128xf32, #tpu.memory_space<hbm>> -> memref<128xf32, #tpu.memory_space<hbm>>
    tpu.wait_dma2 semaphore(%arg19 : memref<!tpu.dma_semaphore, #tpu.memory_space<semaphore_mem>>) src(%dma_wait3A_166 : memref<128xf32, #tpu.memory_space<hbm>>) dst(%dma_wait3A_163 : memref<128xf32, #tpu.memory_space<vmem>>)
    %dma_wait3A_167 = arith.constant 1024 : i32
    %dma_wait3A_168 = tpu.memref_slice %arg10[%dma_wait3A_167] : memref<2048xf32, #tpu.memory_space<vmem>> -> memref<512xf32, #tpu.memory_space<vmem>>
    %dma_wait3A_169 = arith.constant 0 : i32
    %dma_wait3A_170 = tpu.memref_slice %arg4[%add3A_51, %dma_wait3A_169] : memref<128x512xf32, #tpu.memory_space<hbm>> -> memref<1x512xf32, #tpu.memory_space<hbm>>
    %dma_wait3A_171 = tpu.memref_squeeze %dma_wait3A_170 : memref<1x512xf32, #tpu.memory_space<hbm>> -> memref<512xf32, #tpu.memory_space<hbm>>
    %dma_wait3A_172 = arith.constant 1024 : i32
    %dma_wait3A_173 = tpu.memref_slice %arg10[%dma_wait3A_172] : memref<2048xf32, #tpu.memory_space<vmem>> -> memref<512xf32, #tpu.memory_space<vmem>>
    %dma_wait3A_174 = arith.constant 0 : i32
    %dma_wait3A_175 = tpu.memref_slice %arg4[%add3A_51, %dma_wait3A_174] : memref<128x512xf32, #tpu.memory_space<hbm>> -> memref<1x512xf32, #tpu.memory_space<hbm>>
    %dma_wait3A_176 = tpu.memref_squeeze %dma_wait3A_175 : memref<1x512xf32, #tpu.memory_space<hbm>> -> memref<512xf32, #tpu.memory_space<hbm>>
    tpu.wait_dma2 semaphore(%arg19 : memref<!tpu.dma_semaphore, #tpu.memory_space<semaphore_mem>>) src(%dma_wait3A_176 : memref<512xf32, #tpu.memory_space<hbm>>) dst(%dma_wait3A_173 : memref<512xf32, #tpu.memory_space<vmem>>)
    %dma_wait3A_177 = arith.constant 256 : i32
    %dma_wait3A_178 = tpu.memref_slice %arg11[%dma_wait3A_177] : memref<512xf32, #tpu.memory_space<vmem>> -> memref<128xf32, #tpu.memory_space<vmem>>
    %dma_wait3A_179 = arith.constant 0 : i32
    %dma_wait3A_180 = tpu.memref_slice %arg3[%add3A_63, %dma_wait3A_179] : memref<128x128xf32, #tpu.memory_space<hbm>> -> memref<1x128xf32, #tpu.memory_space<hbm>>
    %dma_wait3A_181 = tpu.memref_squeeze %dma_wait3A_180 : memref<1x128xf32, #tpu.memory_space<hbm>> -> memref<128xf32, #tpu.memory_space<hbm>>
    %dma_wait3A_182 = arith.constant 256 : i32
    %dma_wait3A_183 = tpu.memref_slice %arg11[%dma_wait3A_182] : memref<512xf32, #tpu.memory_space<vmem>> -> memref<128xf32, #tpu.memory_space<vmem>>
    %dma_wait3A_184 = arith.constant 0 : i32
    %dma_wait3A_185 = tpu.memref_slice %arg3[%add3A_63, %dma_wait3A_184] : memref<128x128xf32, #tpu.memory_space<hbm>> -> memref<1x128xf32, #tpu.memory_space<hbm>>
    %dma_wait3A_186 = tpu.memref_squeeze %dma_wait3A_185 : memref<1x128xf32, #tpu.memory_space<hbm>> -> memref<128xf32, #tpu.memory_space<hbm>>
    tpu.wait_dma2 semaphore(%arg19 : memref<!tpu.dma_semaphore, #tpu.memory_space<semaphore_mem>>) src(%dma_wait3A_186 : memref<128xf32, #tpu.memory_space<hbm>>) dst(%dma_wait3A_183 : memref<128xf32, #tpu.memory_space<vmem>>)
    %dma_wait3A_187 = arith.constant 1536 : i32
    %dma_wait3A_188 = tpu.memref_slice %arg10[%dma_wait3A_187] : memref<2048xf32, #tpu.memory_space<vmem>> -> memref<512xf32, #tpu.memory_space<vmem>>
    %dma_wait3A_189 = arith.constant 0 : i32
    %dma_wait3A_190 = tpu.memref_slice %arg4[%add3A_75, %dma_wait3A_189] : memref<128x512xf32, #tpu.memory_space<hbm>> -> memref<1x512xf32, #tpu.memory_space<hbm>>
    %dma_wait3A_191 = tpu.memref_squeeze %dma_wait3A_190 : memref<1x512xf32, #tpu.memory_space<hbm>> -> memref<512xf32, #tpu.memory_space<hbm>>
    %dma_wait3A_192 = arith.constant 1536 : i32
    %dma_wait3A_193 = tpu.memref_slice %arg10[%dma_wait3A_192] : memref<2048xf32, #tpu.memory_space<vmem>> -> memref<512xf32, #tpu.memory_space<vmem>>
    %dma_wait3A_194 = arith.constant 0 : i32
    %dma_wait3A_195 = tpu.memref_slice %arg4[%add3A_75, %dma_wait3A_194] : memref<128x512xf32, #tpu.memory_space<hbm>> -> memref<1x512xf32, #tpu.memory_space<hbm>>
    %dma_wait3A_196 = tpu.memref_squeeze %dma_wait3A_195 : memref<1x512xf32, #tpu.memory_space<hbm>> -> memref<512xf32, #tpu.memory_space<hbm>>
    tpu.wait_dma2 semaphore(%arg19 : memref<!tpu.dma_semaphore, #tpu.memory_space<semaphore_mem>>) src(%dma_wait3A_196 : memref<512xf32, #tpu.memory_space<hbm>>) dst(%dma_wait3A_193 : memref<512xf32, #tpu.memory_space<vmem>>)
    %dma_wait3A_197 = arith.constant 384 : i32
    %dma_wait3A_198 = tpu.memref_slice %arg11[%dma_wait3A_197] : memref<512xf32, #tpu.memory_space<vmem>> -> memref<128xf32, #tpu.memory_space<vmem>>
    %dma_wait3A_199 = arith.constant 0 : i32
    %dma_wait3A_200 = tpu.memref_slice %arg3[%add3A_87, %dma_wait3A_199] : memref<128x128xf32, #tpu.memory_space<hbm>> -> memref<1x128xf32, #tpu.memory_space<hbm>>
    %dma_wait3A_201 = tpu.memref_squeeze %dma_wait3A_200 : memref<1x128xf32, #tpu.memory_space<hbm>> -> memref<128xf32, #tpu.memory_space<hbm>>
    %dma_wait3A_202 = arith.constant 384 : i32
    %dma_wait3A_203 = tpu.memref_slice %arg11[%dma_wait3A_202] : memref<512xf32, #tpu.memory_space<vmem>> -> memref<128xf32, #tpu.memory_space<vmem>>
    %dma_wait3A_204 = arith.constant 0 : i32
    %dma_wait3A_205 = tpu.memref_slice %arg3[%add3A_87, %dma_wait3A_204] : memref<128x128xf32, #tpu.memory_space<hbm>> -> memref<1x128xf32, #tpu.memory_space<hbm>>
    %dma_wait3A_206 = tpu.memref_squeeze %dma_wait3A_205 : memref<1x128xf32, #tpu.memory_space<hbm>> -> memref<128xf32, #tpu.memory_space<hbm>>
    tpu.wait_dma2 semaphore(%arg19 : memref<!tpu.dma_semaphore, #tpu.memory_space<semaphore_mem>>) src(%dma_wait3A_206 : memref<128xf32, #tpu.memory_space<hbm>>) dst(%dma_wait3A_203 : memref<128xf32, #tpu.memory_space<vmem>>)
    tpu.wait_dma2 semaphore(%arg19 : memref<!tpu.dma_semaphore, #tpu.memory_space<semaphore_mem>>) src(%arg5 : memref<2048xi32, #tpu.memory_space<hbm>>) dst(%arg12 : memref<2048xi32, #tpu.memory_space<vmem>>)
    %dma_wait3A_207 = arith.constant 0 : i32
    %dma_wait3A_208 = tpu.memref_slice %arg2[%add3A_101, %dma_wait3A_207] : memref<256x32000xf32, #tpu.memory_space<hbm>> -> memref<1x32000xf32, #tpu.memory_space<hbm>>
    %dma_wait3A_209 = tpu.memref_squeeze %dma_wait3A_208 : memref<1x32000xf32, #tpu.memory_space<hbm>> -> memref<32000xf32, #tpu.memory_space<hbm>>
    %dma_wait3A_210 = arith.constant 0 : i32
    %dma_wait3A_211 = tpu.memref_slice %arg2[%add3A_101, %dma_wait3A_210] : memref<256x32000xf32, #tpu.memory_space<hbm>> -> memref<1x32000xf32, #tpu.memory_space<hbm>>
    %dma_wait3A_212 = tpu.memref_squeeze %dma_wait3A_211 : memref<1x32000xf32, #tpu.memory_space<hbm>> -> memref<32000xf32, #tpu.memory_space<hbm>>
    tpu.wait_dma2 semaphore(%arg13 : memref<!tpu.dma_semaphore, #tpu.memory_space<semaphore_mem>>) src(%dma_wait3A_212 : memref<32000xf32, #tpu.memory_space<hbm>>) dst(%arg7 : memref<32000xf32, #tpu.memory_space<vmem>>)
    %get3A = arith.constant 0 : index
    %get3A_213 = tpu.vector_load %arg11[%get3A] {strides = array<i32>} : memref<512xf32, #tpu.memory_space<vmem>>, vector<16xf32>,
    %scan3A = arith.constant 0 : i32
    %scan3A_214 = arith.constant 0 : i32
    %scan3A_215 = arith.constant 250 : i32
    %scan3A_216 = arith.addi %scan3A_214, %scan3A_215 : i32
    %scan3A_217 = arith.constant 1 : i32
    scf.for %scan3A_463 = %scan3A_214 to %scan3A_216 step %scan3A_217  : i32 {
      %mul3A_464 = arith.constant 128 : i32
      %mul3A_465 = arith.muli %scan3A_463, %mul3A_464 : i32
      %add3A_466 = arith.constant 0 : i32
      %add3A_467 = arith.addi %mul3A_465, %add3A_466 : i32
      %get3A_468 = arith.index_cast %add3A_467 : i32 to index
      %get3A_469 = tpu.vector_load %arg7[%get3A_468] {strides = array<i32>} : memref<32000xf32, #tpu.memory_space<vmem>>, vector<16xf32>,
      %mul3A_470 = arith.mulf %get3A_469, %get3A_213 : vector<16xf32>
      %swap3A = arith.index_cast %add3A_467 : i32 to index
      %swap3A_471 = tpu.vector_load %arg7[%swap3A] {strides = array<i32>} : memref<32000xf32, #tpu.memory_space<vmem>>, vector<16xf32>,
      tpu.vector_store %arg7[%swap3A], %mul3A_470 {strides = array<i32>} : memref<32000xf32, #tpu.memory_space<vmem>>, vector<16xf32>,
      %add3A_472 = arith.constant 16 : i32
      %add3A_473 = arith.addi %mul3A_465, %add3A_472 : i32
      %get3A_474 = arith.index_cast %add3A_473 : i32 to index
      %get3A_475 = tpu.vector_load %arg7[%get3A_474] {strides = array<i32>} : memref<32000xf32, #tpu.memory_space<vmem>>, vector<16xf32>,
      %mul3A_476 = arith.mulf %get3A_475, %get3A_213 : vector<16xf32>
      %swap3A_477 = arith.index_cast %add3A_473 : i32 to index
      %swap3A_478 = tpu.vector_load %arg7[%swap3A_477] {strides = array<i32>} : memref<32000xf32, #tpu.memory_space<vmem>>, vector<16xf32>,
      tpu.vector_store %arg7[%swap3A_477], %mul3A_476 {strides = array<i32>} : memref<32000xf32, #tpu.memory_space<vmem>>, vector<16xf32>,
      %add3A_479 = arith.constant 32 : i32
      %add3A_480 = arith.addi %mul3A_465, %add3A_479 : i32
      %get3A_481 = arith.index_cast %add3A_480 : i32 to index
      %get3A_482 = tpu.vector_load %arg7[%get3A_481] {strides = array<i32>} : memref<32000xf32, #tpu.memory_space<vmem>>, vector<16xf32>,
      %mul3A_483 = arith.mulf %get3A_482, %get3A_213 : vector<16xf32>
      %swap3A_484 = arith.index_cast %add3A_480 : i32 to index
      %swap3A_485 = tpu.vector_load %arg7[%swap3A_484] {strides = array<i32>} : memref<32000xf32, #tpu.memory_space<vmem>>, vector<16xf32>,
      tpu.vector_store %arg7[%swap3A_484], %mul3A_483 {strides = array<i32>} : memref<32000xf32, #tpu.memory_space<vmem>>, vector<16xf32>,
      %add3A_486 = arith.constant 48 : i32
      %add3A_487 = arith.addi %mul3A_465, %add3A_486 : i32
      %get3A_488 = arith.index_cast %add3A_487 : i32 to index
      %get3A_489 = tpu.vector_load %arg7[%get3A_488] {strides = array<i32>} : memref<32000xf32, #tpu.memory_space<vmem>>, vector<16xf32>,
      %mul3A_490 = arith.mulf %get3A_489, %get3A_213 : vector<16xf32>
      %swap3A_491 = arith.index_cast %add3A_487 : i32 to index
      %swap3A_492 = tpu.vector_load %arg7[%swap3A_491] {strides = array<i32>} : memref<32000xf32, #tpu.memory_space<vmem>>, vector<16xf32>,
      tpu.vector_store %arg7[%swap3A_491], %mul3A_490 {strides = array<i32>} : memref<32000xf32, #tpu.memory_space<vmem>>, vector<16xf32>,
      %add3A_493 = arith.constant 64 : i32
      %add3A_494 = arith.addi %mul3A_465, %add3A_493 : i32
      %get3A_495 = arith.index_cast %add3A_494 : i32 to index
      %get3A_496 = tpu.vector_load %arg7[%get3A_495] {strides = array<i32>} : memref<32000xf32, #tpu.memory_space<vmem>>, vector<16xf32>,
      %mul3A_497 = arith.mulf %get3A_496, %get3A_213 : vector<16xf32>
      %swap3A_498 = arith.index_cast %add3A_494 : i32 to index
      %swap3A_499 = tpu.vector_load %arg7[%swap3A_498] {strides = array<i32>} : memref<32000xf32, #tpu.memory_space<vmem>>, vector<16xf32>,
      tpu.vector_store %arg7[%swap3A_498], %mul3A_497 {strides = array<i32>} : memref<32000xf32, #tpu.memory_space<vmem>>, vector<16xf32>,
      %add3A_500 = arith.constant 80 : i32
      %add3A_501 = arith.addi %mul3A_465, %add3A_500 : i32
      %get3A_502 = arith.index_cast %add3A_501 : i32 to index
      %get3A_503 = tpu.vector_load %arg7[%get3A_502] {strides = array<i32>} : memref<32000xf32, #tpu.memory_space<vmem>>, vector<16xf32>,
      %mul3A_504 = arith.mulf %get3A_503, %get3A_213 : vector<16xf32>
      %swap3A_505 = arith.index_cast %add3A_501 : i32 to index
      %swap3A_506 = tpu.vector_load %arg7[%swap3A_505] {strides = array<i32>} : memref<32000xf32, #tpu.memory_space<vmem>>, vector<16xf32>,
      tpu.vector_store %arg7[%swap3A_505], %mul3A_504 {strides = array<i32>} : memref<32000xf32, #tpu.memory_space<vmem>>, vector<16xf32>,
      %add3A_507 = arith.constant 96 : i32
      %add3A_508 = arith.addi %mul3A_465, %add3A_507 : i32
      %get3A_509 = arith.index_cast %add3A_508 : i32 to index
      %get3A_510 = tpu.vector_load %arg7[%get3A_509] {strides = array<i32>} : memref<32000xf32, #tpu.memory_space<vmem>>, vector<16xf32>,
      %mul3A_511 = arith.mulf %get3A_510, %get3A_213 : vector<16xf32>
      %swap3A_512 = arith.index_cast %add3A_508 : i32 to index
      %swap3A_513 = tpu.vector_load %arg7[%swap3A_512] {strides = array<i32>} : memref<32000xf32, #tpu.memory_space<vmem>>, vector<16xf32>,
      tpu.vector_store %arg7[%swap3A_512], %mul3A_511 {strides = array<i32>} : memref<32000xf32, #tpu.memory_space<vmem>>, vector<16xf32>,
      %add3A_514 = arith.constant 112 : i32
      %add3A_515 = arith.addi %mul3A_465, %add3A_514 : i32
      %get3A_516 = arith.index_cast %add3A_515 : i32 to index
      %get3A_517 = tpu.vector_load %arg7[%get3A_516] {strides = array<i32>} : memref<32000xf32, #tpu.memory_space<vmem>>, vector<16xf32>,
      %mul3A_518 = arith.mulf %get3A_517, %get3A_213 : vector<16xf32>
      %swap3A_519 = arith.index_cast %add3A_515 : i32 to index
      %swap3A_520 = tpu.vector_load %arg7[%swap3A_519] {strides = array<i32>} : memref<32000xf32, #tpu.memory_space<vmem>>, vector<16xf32>,
      tpu.vector_store %arg7[%swap3A_519], %mul3A_518 {strides = array<i32>} : memref<32000xf32, #tpu.memory_space<vmem>>, vector<16xf32>,
    }
    %scan3A_218 = arith.constant 250 : i32
    %add3A_219 = arith.constant 0 : i32
    %add3A_220 = arith.addi %add3A_219, %mul3A_2 : i32
    %add3A_221 = arith.constant 0 : i32
    %add3A_222 = arith.addi %add3A_220, %add3A_221 : i32
    %jit3A = arith.constant 64 : i32
    %div3A = arith.divsi %add3A_222, %jit3A : i32
    %sign3A = arith.constant 0 : i32
    %sign3A_223 = arith.cmpi sgt, %add3A_222, %sign3A : i32
    %sign3A_224 = arith.extui %sign3A_223 : i1 to i32
    %sign3A_225 = arith.constant 0 : i32
    %sign3A_226 = arith.cmpi slt, %add3A_222, %sign3A_225 : i32
    %sign3A_227 = arith.extui %sign3A_226 : i1 to i32
    %sign3A_228 = arith.subi %sign3A_224, %sign3A_227 : i32
    %sign3A_229 = arith.constant 0 : i32
    %sign3A_230 = arith.cmpi sgt, %jit3A, %sign3A_229 : i32
    %sign3A_231 = arith.extui %sign3A_230 : i1 to i32
    %sign3A_232 = arith.constant 0 : i32
    %sign3A_233 = arith.cmpi slt, %jit3A, %sign3A_232 : i32
    %sign3A_234 = arith.extui %sign3A_233 : i1 to i32
    %sign3A_235 = arith.subi %sign3A_231, %sign3A_234 : i32
    %ne3A = arith.cmpi ne, %sign3A_228, %sign3A_235 : i32
    %rem3A = arith.remsi %add3A_222, %jit3A : i32
    %ne3A_236 = arith.constant 0 : i32
    %ne3A_237 = arith.cmpi ne, %rem3A, %ne3A_236 : i32
    %and3A = arith.andi %ne3A, %ne3A_237 : i1
    %sub3A = arith.constant 1 : i32
    %sub3A_238 = arith.subi %div3A, %sub3A : i32
    %select_n3A = arith.select %and3A, %sub3A_238, %div3A : i32
    %scan3A_239 = arith.constant 0 : i32
    %scan3A_240 = arith.constant 0 : i32
    %scan3A_241 = arith.constant 32 : i32
    %scan3A_242 = arith.addi %scan3A_240, %scan3A_241 : i32
    %scan3A_243 = arith.constant 1 : i32
    scf.for %scan3A_463 = %scan3A_240 to %scan3A_242 step %scan3A_243  : i32 {
      %mul3A_464 = arith.constant 16 : i32
      %mul3A_465 = arith.muli %scan3A_463, %mul3A_464 : i32
      %mul3A_466 = arith.constant 512 : i32
      %mul3A_467 = arith.muli %select_n3A, %mul3A_466 : i32
      %add3A_468 = arith.addi %mul3A_467, %mul3A_465 : i32
      %get3A_469 = arith.index_cast %add3A_468 : i32 to index
      %get3A_470 = tpu.vector_load %arg12[%get3A_469] {strides = array<i32>} : memref<2048xi32, #tpu.memory_space<vmem>>, vector<16xi32>,
      %add3A_471 = arith.constant 0 : i32
      %add3A_472 = arith.addi %add3A_471, %mul3A_465 : i32
      %get3A_473 = arith.index_cast %add3A_472 : i32 to index
      %get3A_474 = tpu.vector_load %arg10[%get3A_473] {strides = array<i32>} : memref<2048xf32, #tpu.memory_space<vmem>>, vector<16xf32>,
      tpu.vector_store_idx %arg7[%get3A_470], %get3A_474 {add = true} : memref<32000xf32, #tpu.memory_space<vmem>>[vector<16xi32>], vector<16xf32>,
    }
    %scan3A_244 = arith.constant 32 : i32
    %dma_wait3A_245 = arith.constant 0 : i32
    %dma_wait3A_246 = tpu.memref_slice %arg2[%add3A_111, %dma_wait3A_245] : memref<256x32000xf32, #tpu.memory_space<hbm>> -> memref<1x32000xf32, #tpu.memory_space<hbm>>
    %dma_wait3A_247 = tpu.memref_squeeze %dma_wait3A_246 : memref<1x32000xf32, #tpu.memory_space<hbm>> -> memref<32000xf32, #tpu.memory_space<hbm>>
    %dma_wait3A_248 = arith.constant 0 : i32
    %dma_wait3A_249 = tpu.memref_slice %arg2[%add3A_111, %dma_wait3A_248] : memref<256x32000xf32, #tpu.memory_space<hbm>> -> memref<1x32000xf32, #tpu.memory_space<hbm>>
    %dma_wait3A_250 = tpu.memref_squeeze %dma_wait3A_249 : memref<1x32000xf32, #tpu.memory_space<hbm>> -> memref<32000xf32, #tpu.memory_space<hbm>>
    tpu.wait_dma2 semaphore(%arg14 : memref<!tpu.dma_semaphore, #tpu.memory_space<semaphore_mem>>) src(%dma_wait3A_250 : memref<32000xf32, #tpu.memory_space<hbm>>) dst(%arg8 : memref<32000xf32, #tpu.memory_space<vmem>>)
    %get3A_251 = arith.constant 128 : index
    %get3A_252 = tpu.vector_load %arg11[%get3A_251] {strides = array<i32>} : memref<512xf32, #tpu.memory_space<vmem>>, vector<16xf32>,
    %scan3A_253 = arith.constant 0 : i32
    %scan3A_254 = arith.constant 0 : i32
    %scan3A_255 = arith.constant 250 : i32
    %scan3A_256 = arith.addi %scan3A_254, %scan3A_255 : i32
    %scan3A_257 = arith.constant 1 : i32
    scf.for %scan3A_463 = %scan3A_254 to %scan3A_256 step %scan3A_257  : i32 {
      %mul3A_464 = arith.constant 128 : i32
      %mul3A_465 = arith.muli %scan3A_463, %mul3A_464 : i32
      %add3A_466 = arith.constant 0 : i32
      %add3A_467 = arith.addi %mul3A_465, %add3A_466 : i32
      %get3A_468 = arith.index_cast %add3A_467 : i32 to index
      %get3A_469 = tpu.vector_load %arg8[%get3A_468] {strides = array<i32>} : memref<32000xf32, #tpu.memory_space<vmem>>, vector<16xf32>,
      %mul3A_470 = arith.mulf %get3A_469, %get3A_252 : vector<16xf32>
      %swap3A = arith.index_cast %add3A_467 : i32 to index
      %swap3A_471 = tpu.vector_load %arg8[%swap3A] {strides = array<i32>} : memref<32000xf32, #tpu.memory_space<vmem>>, vector<16xf32>,
      tpu.vector_store %arg8[%swap3A], %mul3A_470 {strides = array<i32>} : memref<32000xf32, #tpu.memory_space<vmem>>, vector<16xf32>,
      %add3A_472 = arith.constant 16 : i32
      %add3A_473 = arith.addi %mul3A_465, %add3A_472 : i32
      %get3A_474 = arith.index_cast %add3A_473 : i32 to index
      %get3A_475 = tpu.vector_load %arg8[%get3A_474] {strides = array<i32>} : memref<32000xf32, #tpu.memory_space<vmem>>, vector<16xf32>,
      %mul3A_476 = arith.mulf %get3A_475, %get3A_252 : vector<16xf32>
      %swap3A_477 = arith.index_cast %add3A_473 : i32 to index
      %swap3A_478 = tpu.vector_load %arg8[%swap3A_477] {strides = array<i32>} : memref<32000xf32, #tpu.memory_space<vmem>>, vector<16xf32>,
      tpu.vector_store %arg8[%swap3A_477], %mul3A_476 {strides = array<i32>} : memref<32000xf32, #tpu.memory_space<vmem>>, vector<16xf32>,
      %add3A_479 = arith.constant 32 : i32
      %add3A_480 = arith.addi %mul3A_465, %add3A_479 : i32
      %get3A_481 = arith.index_cast %add3A_480 : i32 to index
      %get3A_482 = tpu.vector_load %arg8[%get3A_481] {strides = array<i32>} : memref<32000xf32, #tpu.memory_space<vmem>>, vector<16xf32>,
      %mul3A_483 = arith.mulf %get3A_482, %get3A_252 : vector<16xf32>
      %swap3A_484 = arith.index_cast %add3A_480 : i32 to index
      %swap3A_485 = tpu.vector_load %arg8[%swap3A_484] {strides = array<i32>} : memref<32000xf32, #tpu.memory_space<vmem>>, vector<16xf32>,
      tpu.vector_store %arg8[%swap3A_484], %mul3A_483 {strides = array<i32>} : memref<32000xf32, #tpu.memory_space<vmem>>, vector<16xf32>,
      %add3A_486 = arith.constant 48 : i32
      %add3A_487 = arith.addi %mul3A_465, %add3A_486 : i32
      %get3A_488 = arith.index_cast %add3A_487 : i32 to index
      %get3A_489 = tpu.vector_load %arg8[%get3A_488] {strides = array<i32>} : memref<32000xf32, #tpu.memory_space<vmem>>, vector<16xf32>,
      %mul3A_490 = arith.mulf %get3A_489, %get3A_252 : vector<16xf32>
      %swap3A_491 = arith.index_cast %add3A_487 : i32 to index
      %swap3A_492 = tpu.vector_load %arg8[%swap3A_491] {strides = array<i32>} : memref<32000xf32, #tpu.memory_space<vmem>>, vector<16xf32>,
      tpu.vector_store %arg8[%swap3A_491], %mul3A_490 {strides = array<i32>} : memref<32000xf32, #tpu.memory_space<vmem>>, vector<16xf32>,
      %add3A_493 = arith.constant 64 : i32
      %add3A_494 = arith.addi %mul3A_465, %add3A_493 : i32
      %get3A_495 = arith.index_cast %add3A_494 : i32 to index
      %get3A_496 = tpu.vector_load %arg8[%get3A_495] {strides = array<i32>} : memref<32000xf32, #tpu.memory_space<vmem>>, vector<16xf32>,
      %mul3A_497 = arith.mulf %get3A_496, %get3A_252 : vector<16xf32>
      %swap3A_498 = arith.index_cast %add3A_494 : i32 to index
      %swap3A_499 = tpu.vector_load %arg8[%swap3A_498] {strides = array<i32>} : memref<32000xf32, #tpu.memory_space<vmem>>, vector<16xf32>,
      tpu.vector_store %arg8[%swap3A_498], %mul3A_497 {strides = array<i32>} : memref<32000xf32, #tpu.memory_space<vmem>>, vector<16xf32>,
      %add3A_500 = arith.constant 80 : i32
      %add3A_501 = arith.addi %mul3A_465, %add3A_500 : i32
      %get3A_502 = arith.index_cast %add3A_501 : i32 to index
      %get3A_503 = tpu.vector_load %arg8[%get3A_502] {strides = array<i32>} : memref<32000xf32, #tpu.memory_space<vmem>>, vector<16xf32>,
      %mul3A_504 = arith.mulf %get3A_503, %get3A_252 : vector<16xf32>
      %swap3A_505 = arith.index_cast %add3A_501 : i32 to index
      %swap3A_506 = tpu.vector_load %arg8[%swap3A_505] {strides = array<i32>} : memref<32000xf32, #tpu.memory_space<vmem>>, vector<16xf32>,
      tpu.vector_store %arg8[%swap3A_505], %mul3A_504 {strides = array<i32>} : memref<32000xf32, #tpu.memory_space<vmem>>, vector<16xf32>,
      %add3A_507 = arith.constant 96 : i32
      %add3A_508 = arith.addi %mul3A_465, %add3A_507 : i32
      %get3A_509 = arith.index_cast %add3A_508 : i32 to index
      %get3A_510 = tpu.vector_load %arg8[%get3A_509] {strides = array<i32>} : memref<32000xf32, #tpu.memory_space<vmem>>, vector<16xf32>,
      %mul3A_511 = arith.mulf %get3A_510, %get3A_252 : vector<16xf32>
      %swap3A_512 = arith.index_cast %add3A_508 : i32 to index
      %swap3A_513 = tpu.vector_load %arg8[%swap3A_512] {strides = array<i32>} : memref<32000xf32, #tpu.memory_space<vmem>>, vector<16xf32>,
      tpu.vector_store %arg8[%swap3A_512], %mul3A_511 {strides = array<i32>} : memref<32000xf32, #tpu.memory_space<vmem>>, vector<16xf32>,
      %add3A_514 = arith.constant 112 : i32
      %add3A_515 = arith.addi %mul3A_465, %add3A_514 : i32
      %get3A_516 = arith.index_cast %add3A_515 : i32 to index
      %get3A_517 = tpu.vector_load %arg8[%get3A_516] {strides = array<i32>} : memref<32000xf32, #tpu.memory_space<vmem>>, vector<16xf32>,
      %mul3A_518 = arith.mulf %get3A_517, %get3A_252 : vector<16xf32>
      %swap3A_519 = arith.index_cast %add3A_515 : i32 to index
      %swap3A_520 = tpu.vector_load %arg8[%swap3A_519] {strides = array<i32>} : memref<32000xf32, #tpu.memory_space<vmem>>, vector<16xf32>,
      tpu.vector_store %arg8[%swap3A_519], %mul3A_518 {strides = array<i32>} : memref<32000xf32, #tpu.memory_space<vmem>>, vector<16xf32>,
    }
    %scan3A_258 = arith.constant 250 : i32
    %add3A_259 = arith.constant 0 : i32
    %add3A_260 = arith.addi %add3A_259, %mul3A_2 : i32
    %add3A_261 = arith.constant 0 : i32
    %add3A_262 = arith.addi %add3A_260, %add3A_261 : i32
    %dma_start3A_263 = arith.constant 0 : i32
    %dma_start3A_264 = tpu.memref_slice %arg6[%add3A_262, %dma_start3A_263] : memref<256x32000xf32, #tpu.memory_space<hbm>> -> memref<1x32000xf32, #tpu.memory_space<hbm>>
    %dma_start3A_265 = tpu.memref_squeeze %dma_start3A_264 : memref<1x32000xf32, #tpu.memory_space<hbm>> -> memref<32000xf32, #tpu.memory_space<hbm>>
    %dma_start3A_266 = arith.constant 0 : i32
    %dma_start3A_267 = tpu.memref_slice %arg6[%add3A_262, %dma_start3A_266] : memref<256x32000xf32, #tpu.memory_space<hbm>> -> memref<1x32000xf32, #tpu.memory_space<hbm>>
    %dma_start3A_268 = tpu.memref_squeeze %dma_start3A_267 : memref<1x32000xf32, #tpu.memory_space<hbm>> -> memref<32000xf32, #tpu.memory_space<hbm>>
    tpu.enqueue_dma source(%arg7 : memref<32000xf32, #tpu.memory_space<vmem>>) target(%dma_start3A_268 : memref<32000xf32, #tpu.memory_space<hbm>>) target_semaphore(%arg16 : memref<!tpu.dma_semaphore, #tpu.memory_space<semaphore_mem>>)
    %dma_wait3A_269 = arith.constant 0 : i32
    %dma_wait3A_270 = tpu.memref_slice %arg6[%add3A_262, %dma_wait3A_269] : memref<256x32000xf32, #tpu.memory_space<hbm>> -> memref<1x32000xf32, #tpu.memory_space<hbm>>
    %dma_wait3A_271 = tpu.memref_squeeze %dma_wait3A_270 : memref<1x32000xf32, #tpu.memory_space<hbm>> -> memref<32000xf32, #tpu.memory_space<hbm>>
    %dma_wait3A_272 = arith.constant 0 : i32
    %dma_wait3A_273 = tpu.memref_slice %arg6[%add3A_262, %dma_wait3A_272] : memref<256x32000xf32, #tpu.memory_space<hbm>> -> memref<1x32000xf32, #tpu.memory_space<hbm>>
    %dma_wait3A_274 = tpu.memref_squeeze %dma_wait3A_273 : memref<1x32000xf32, #tpu.memory_space<hbm>> -> memref<32000xf32, #tpu.memory_space<hbm>>
    tpu.wait_dma2 semaphore(%arg16 : memref<!tpu.dma_semaphore, #tpu.memory_space<semaphore_mem>>) src(%arg7 : memref<32000xf32, #tpu.memory_space<vmem>>) dst(%dma_wait3A_274 : memref<32000xf32, #tpu.memory_space<hbm>>)
    %add3A_275 = arith.constant 0 : i32
    %add3A_276 = arith.addi %add3A_275, %mul3A_2 : i32
    %add3A_277 = arith.constant 3 : i32
    %add3A_278 = arith.addi %add3A_276, %add3A_277 : i32
    %dma_start3A_279 = arith.constant 0 : i32
    %dma_start3A_280 = tpu.memref_slice %arg2[%add3A_278, %dma_start3A_279] : memref<256x32000xf32, #tpu.memory_space<hbm>> -> memref<1x32000xf32, #tpu.memory_space<hbm>>
    %dma_start3A_281 = tpu.memref_squeeze %dma_start3A_280 : memref<1x32000xf32, #tpu.memory_space<hbm>> -> memref<32000xf32, #tpu.memory_space<hbm>>
    %dma_start3A_282 = arith.constant 0 : i32
    %dma_start3A_283 = tpu.memref_slice %arg2[%add3A_278, %dma_start3A_282] : memref<256x32000xf32, #tpu.memory_space<hbm>> -> memref<1x32000xf32, #tpu.memory_space<hbm>>
    %dma_start3A_284 = tpu.memref_squeeze %dma_start3A_283 : memref<1x32000xf32, #tpu.memory_space<hbm>> -> memref<32000xf32, #tpu.memory_space<hbm>>
    tpu.enqueue_dma source(%dma_start3A_284 : memref<32000xf32, #tpu.memory_space<hbm>>) target(%arg7 : memref<32000xf32, #tpu.memory_space<vmem>>) target_semaphore(%arg13 : memref<!tpu.dma_semaphore, #tpu.memory_space<semaphore_mem>>)
    %add3A_285 = arith.constant 0 : i32
    %add3A_286 = arith.addi %add3A_285, %mul3A_2 : i32
    %add3A_287 = arith.constant 1 : i32
    %add3A_288 = arith.addi %add3A_286, %add3A_287 : i32
    %jit3A_289 = arith.constant 64 : i32
    %div3A_290 = arith.divsi %add3A_288, %jit3A_289 : i32
    %sign3A_291 = arith.constant 0 : i32
    %sign3A_292 = arith.cmpi sgt, %add3A_288, %sign3A_291 : i32
    %sign3A_293 = arith.extui %sign3A_292 : i1 to i32
    %sign3A_294 = arith.constant 0 : i32
    %sign3A_295 = arith.cmpi slt, %add3A_288, %sign3A_294 : i32
    %sign3A_296 = arith.extui %sign3A_295 : i1 to i32
    %sign3A_297 = arith.subi %sign3A_293, %sign3A_296 : i32
    %sign3A_298 = arith.constant 0 : i32
    %sign3A_299 = arith.cmpi sgt, %jit3A_289, %sign3A_298 : i32
    %sign3A_300 = arith.extui %sign3A_299 : i1 to i32
    %sign3A_301 = arith.constant 0 : i32
    %sign3A_302 = arith.cmpi slt, %jit3A_289, %sign3A_301 : i32
    %sign3A_303 = arith.extui %sign3A_302 : i1 to i32
    %sign3A_304 = arith.subi %sign3A_300, %sign3A_303 : i32
    %ne3A_305 = arith.cmpi ne, %sign3A_297, %sign3A_304 : i32
    %rem3A_306 = arith.remsi %add3A_288, %jit3A_289 : i32
    %ne3A_307 = arith.constant 0 : i32
    %ne3A_308 = arith.cmpi ne, %rem3A_306, %ne3A_307 : i32
    %and3A_309 = arith.andi %ne3A_305, %ne3A_308 : i1
    %sub3A_310 = arith.constant 1 : i32
    %sub3A_311 = arith.subi %div3A_290, %sub3A_310 : i32
    %select_n3A_312 = arith.select %and3A_309, %sub3A_311, %div3A_290 : i32
    %scan3A_313 = arith.constant 0 : i32
    %scan3A_314 = arith.constant 0 : i32
    %scan3A_315 = arith.constant 32 : i32
    %scan3A_316 = arith.addi %scan3A_314, %scan3A_315 : i32
    %scan3A_317 = arith.constant 1 : i32
    scf.for %scan3A_463 = %scan3A_314 to %scan3A_316 step %scan3A_317  : i32 {
      %mul3A_464 = arith.constant 16 : i32
      %mul3A_465 = arith.muli %scan3A_463, %mul3A_464 : i32
      %mul3A_466 = arith.constant 512 : i32
      %mul3A_467 = arith.muli %select_n3A_312, %mul3A_466 : i32
      %add3A_468 = arith.addi %mul3A_467, %mul3A_465 : i32
      %get3A_469 = arith.index_cast %add3A_468 : i32 to index
      %get3A_470 = tpu.vector_load %arg12[%get3A_469] {strides = array<i32>} : memref<2048xi32, #tpu.memory_space<vmem>>, vector<16xi32>,
      %add3A_471 = arith.constant 512 : i32
      %add3A_472 = arith.addi %add3A_471, %mul3A_465 : i32
      %get3A_473 = arith.index_cast %add3A_472 : i32 to index
      %get3A_474 = tpu.vector_load %arg10[%get3A_473] {strides = array<i32>} : memref<2048xf32, #tpu.memory_space<vmem>>, vector<16xf32>,
      tpu.vector_store_idx %arg8[%get3A_470], %get3A_474 {add = true} : memref<32000xf32, #tpu.memory_space<vmem>>[vector<16xi32>], vector<16xf32>,
    }
    %scan3A_318 = arith.constant 32 : i32
    %dma_wait3A_319 = arith.constant 0 : i32
    %dma_wait3A_320 = tpu.memref_slice %arg2[%add3A_121, %dma_wait3A_319] : memref<256x32000xf32, #tpu.memory_space<hbm>> -> memref<1x32000xf32, #tpu.memory_space<hbm>>
    %dma_wait3A_321 = tpu.memref_squeeze %dma_wait3A_320 : memref<1x32000xf32, #tpu.memory_space<hbm>> -> memref<32000xf32, #tpu.memory_space<hbm>>
    %dma_wait3A_322 = arith.constant 0 : i32
    %dma_wait3A_323 = tpu.memref_slice %arg2[%add3A_121, %dma_wait3A_322] : memref<256x32000xf32, #tpu.memory_space<hbm>> -> memref<1x32000xf32, #tpu.memory_space<hbm>>
    %dma_wait3A_324 = tpu.memref_squeeze %dma_wait3A_323 : memref<1x32000xf32, #tpu.memory_space<hbm>> -> memref<32000xf32, #tpu.memory_space<hbm>>
    tpu.wait_dma2 semaphore(%arg15 : memref<!tpu.dma_semaphore, #tpu.memory_space<semaphore_mem>>) src(%dma_wait3A_324 : memref<32000xf32, #tpu.memory_space<hbm>>) dst(%arg9 : memref<32000xf32, #tpu.memory_space<vmem>>)
    %get3A_325 = arith.constant 256 : index
    %get3A_326 = tpu.vector_load %arg11[%get3A_325] {strides = array<i32>} : memref<512xf32, #tpu.memory_space<vmem>>, vector<16xf32>,
    %scan3A_327 = arith.constant 0 : i32
    %scan3A_328 = arith.constant 0 : i32
    %scan3A_329 = arith.constant 250 : i32
    %scan3A_330 = arith.addi %scan3A_328, %scan3A_329 : i32
    %scan3A_331 = arith.constant 1 : i32
    scf.for %scan3A_463 = %scan3A_328 to %scan3A_330 step %scan3A_331  : i32 {
      %mul3A_464 = arith.constant 128 : i32
      %mul3A_465 = arith.muli %scan3A_463, %mul3A_464 : i32
      %add3A_466 = arith.constant 0 : i32
      %add3A_467 = arith.addi %mul3A_465, %add3A_466 : i32
      %get3A_468 = arith.index_cast %add3A_467 : i32 to index
      %get3A_469 = tpu.vector_load %arg9[%get3A_468] {strides = array<i32>} : memref<32000xf32, #tpu.memory_space<vmem>>, vector<16xf32>,
      %mul3A_470 = arith.mulf %get3A_469, %get3A_326 : vector<16xf32>
      %swap3A = arith.index_cast %add3A_467 : i32 to index
      %swap3A_471 = tpu.vector_load %arg9[%swap3A] {strides = array<i32>} : memref<32000xf32, #tpu.memory_space<vmem>>, vector<16xf32>,
      tpu.vector_store %arg9[%swap3A], %mul3A_470 {strides = array<i32>} : memref<32000xf32, #tpu.memory_space<vmem>>, vector<16xf32>,
      %add3A_472 = arith.constant 16 : i32
      %add3A_473 = arith.addi %mul3A_465, %add3A_472 : i32
      %get3A_474 = arith.index_cast %add3A_473 : i32 to index
      %get3A_475 = tpu.vector_load %arg9[%get3A_474] {strides = array<i32>} : memref<32000xf32, #tpu.memory_space<vmem>>, vector<16xf32>,
      %mul3A_476 = arith.mulf %get3A_475, %get3A_326 : vector<16xf32>
      %swap3A_477 = arith.index_cast %add3A_473 : i32 to index
      %swap3A_478 = tpu.vector_load %arg9[%swap3A_477] {strides = array<i32>} : memref<32000xf32, #tpu.memory_space<vmem>>, vector<16xf32>,
      tpu.vector_store %arg9[%swap3A_477], %mul3A_476 {strides = array<i32>} : memref<32000xf32, #tpu.memory_space<vmem>>, vector<16xf32>,
      %add3A_479 = arith.constant 32 : i32
      %add3A_480 = arith.addi %mul3A_465, %add3A_479 : i32
      %get3A_481 = arith.index_cast %add3A_480 : i32 to index
      %get3A_482 = tpu.vector_load %arg9[%get3A_481] {strides = array<i32>} : memref<32000xf32, #tpu.memory_space<vmem>>, vector<16xf32>,
      %mul3A_483 = arith.mulf %get3A_482, %get3A_326 : vector<16xf32>
      %swap3A_484 = arith.index_cast %add3A_480 : i32 to index
      %swap3A_485 = tpu.vector_load %arg9[%swap3A_484] {strides = array<i32>} : memref<32000xf32, #tpu.memory_space<vmem>>, vector<16xf32>,
      tpu.vector_store %arg9[%swap3A_484], %mul3A_483 {strides = array<i32>} : memref<32000xf32, #tpu.memory_space<vmem>>, vector<16xf32>,
      %add3A_486 = arith.constant 48 : i32
      %add3A_487 = arith.addi %mul3A_465, %add3A_486 : i32
      %get3A_488 = arith.index_cast %add3A_487 : i32 to index
      %get3A_489 = tpu.vector_load %arg9[%get3A_488] {strides = array<i32>} : memref<32000xf32, #tpu.memory_space<vmem>>, vector<16xf32>,
      %mul3A_490 = arith.mulf %get3A_489, %get3A_326 : vector<16xf32>
      %swap3A_491 = arith.index_cast %add3A_487 : i32 to index
      %swap3A_492 = tpu.vector_load %arg9[%swap3A_491] {strides = array<i32>} : memref<32000xf32, #tpu.memory_space<vmem>>, vector<16xf32>,
      tpu.vector_store %arg9[%swap3A_491], %mul3A_490 {strides = array<i32>} : memref<32000xf32, #tpu.memory_space<vmem>>, vector<16xf32>,
      %add3A_493 = arith.constant 64 : i32
      %add3A_494 = arith.addi %mul3A_465, %add3A_493 : i32
      %get3A_495 = arith.index_cast %add3A_494 : i32 to index
      %get3A_496 = tpu.vector_load %arg9[%get3A_495] {strides = array<i32>} : memref<32000xf32, #tpu.memory_space<vmem>>, vector<16xf32>,
      %mul3A_497 = arith.mulf %get3A_496, %get3A_326 : vector<16xf32>
      %swap3A_498 = arith.index_cast %add3A_494 : i32 to index
      %swap3A_499 = tpu.vector_load %arg9[%swap3A_498] {strides = array<i32>} : memref<32000xf32, #tpu.memory_space<vmem>>, vector<16xf32>,
      tpu.vector_store %arg9[%swap3A_498], %mul3A_497 {strides = array<i32>} : memref<32000xf32, #tpu.memory_space<vmem>>, vector<16xf32>,
      %add3A_500 = arith.constant 80 : i32
      %add3A_501 = arith.addi %mul3A_465, %add3A_500 : i32
      %get3A_502 = arith.index_cast %add3A_501 : i32 to index
      %get3A_503 = tpu.vector_load %arg9[%get3A_502] {strides = array<i32>} : memref<32000xf32, #tpu.memory_space<vmem>>, vector<16xf32>,
      %mul3A_504 = arith.mulf %get3A_503, %get3A_326 : vector<16xf32>
      %swap3A_505 = arith.index_cast %add3A_501 : i32 to index
      %swap3A_506 = tpu.vector_load %arg9[%swap3A_505] {strides = array<i32>} : memref<32000xf32, #tpu.memory_space<vmem>>, vector<16xf32>,
      tpu.vector_store %arg9[%swap3A_505], %mul3A_504 {strides = array<i32>} : memref<32000xf32, #tpu.memory_space<vmem>>, vector<16xf32>,
      %add3A_507 = arith.constant 96 : i32
      %add3A_508 = arith.addi %mul3A_465, %add3A_507 : i32
      %get3A_509 = arith.index_cast %add3A_508 : i32 to index
      %get3A_510 = tpu.vector_load %arg9[%get3A_509] {strides = array<i32>} : memref<32000xf32, #tpu.memory_space<vmem>>, vector<16xf32>,
      %mul3A_511 = arith.mulf %get3A_510, %get3A_326 : vector<16xf32>
      %swap3A_512 = arith.index_cast %add3A_508 : i32 to index
      %swap3A_513 = tpu.vector_load %arg9[%swap3A_512] {strides = array<i32>} : memref<32000xf32, #tpu.memory_space<vmem>>, vector<16xf32>,
      tpu.vector_store %arg9[%swap3A_512], %mul3A_511 {strides = array<i32>} : memref<32000xf32, #tpu.memory_space<vmem>>, vector<16xf32>,
      %add3A_514 = arith.constant 112 : i32
      %add3A_515 = arith.addi %mul3A_465, %add3A_514 : i32
      %get3A_516 = arith.index_cast %add3A_515 : i32 to index
      %get3A_517 = tpu.vector_load %arg9[%get3A_516] {strides = array<i32>} : memref<32000xf32, #tpu.memory_space<vmem>>, vector<16xf32>,
      %mul3A_518 = arith.mulf %get3A_517, %get3A_326 : vector<16xf32>
      %swap3A_519 = arith.index_cast %add3A_515 : i32 to index
      %swap3A_520 = tpu.vector_load %arg9[%swap3A_519] {strides = array<i32>} : memref<32000xf32, #tpu.memory_space<vmem>>, vector<16xf32>,
      tpu.vector_store %arg9[%swap3A_519], %mul3A_518 {strides = array<i32>} : memref<32000xf32, #tpu.memory_space<vmem>>, vector<16xf32>,
    }
    %scan3A_332 = arith.constant 250 : i32
    %add3A_333 = arith.constant 0 : i32
    %add3A_334 = arith.addi %add3A_333, %mul3A_2 : i32
    %add3A_335 = arith.constant 1 : i32
    %add3A_336 = arith.addi %add3A_334, %add3A_335 : i32
    %dma_start3A_337 = arith.constant 0 : i32
    %dma_start3A_338 = tpu.memref_slice %arg6[%add3A_336, %dma_start3A_337] : memref<256x32000xf32, #tpu.memory_space<hbm>> -> memref<1x32000xf32, #tpu.memory_space<hbm>>
    %dma_start3A_339 = tpu.memref_squeeze %dma_start3A_338 : memref<1x32000xf32, #tpu.memory_space<hbm>> -> memref<32000xf32, #tpu.memory_space<hbm>>
    %dma_start3A_340 = arith.constant 0 : i32
    %dma_start3A_341 = tpu.memref_slice %arg6[%add3A_336, %dma_start3A_340] : memref<256x32000xf32, #tpu.memory_space<hbm>> -> memref<1x32000xf32, #tpu.memory_space<hbm>>
    %dma_start3A_342 = tpu.memref_squeeze %dma_start3A_341 : memref<1x32000xf32, #tpu.memory_space<hbm>> -> memref<32000xf32, #tpu.memory_space<hbm>>
    tpu.enqueue_dma source(%arg8 : memref<32000xf32, #tpu.memory_space<vmem>>) target(%dma_start3A_342 : memref<32000xf32, #tpu.memory_space<hbm>>) target_semaphore(%arg17 : memref<!tpu.dma_semaphore, #tpu.memory_space<semaphore_mem>>)
    %add3A_343 = arith.constant 0 : i32
    %add3A_344 = arith.addi %add3A_343, %mul3A_2 : i32
    %add3A_345 = arith.constant 2 : i32
    %add3A_346 = arith.addi %add3A_344, %add3A_345 : i32
    %jit3A_347 = arith.constant 64 : i32
    %div3A_348 = arith.divsi %add3A_346, %jit3A_347 : i32
    %sign3A_349 = arith.constant 0 : i32
    %sign3A_350 = arith.cmpi sgt, %add3A_346, %sign3A_349 : i32
    %sign3A_351 = arith.extui %sign3A_350 : i1 to i32
    %sign3A_352 = arith.constant 0 : i32
    %sign3A_353 = arith.cmpi slt, %add3A_346, %sign3A_352 : i32
    %sign3A_354 = arith.extui %sign3A_353 : i1 to i32
    %sign3A_355 = arith.subi %sign3A_351, %sign3A_354 : i32
    %sign3A_356 = arith.constant 0 : i32
    %sign3A_357 = arith.cmpi sgt, %jit3A_347, %sign3A_356 : i32
    %sign3A_358 = arith.extui %sign3A_357 : i1 to i32
    %sign3A_359 = arith.constant 0 : i32
    %sign3A_360 = arith.cmpi slt, %jit3A_347, %sign3A_359 : i32
    %sign3A_361 = arith.extui %sign3A_360 : i1 to i32
    %sign3A_362 = arith.subi %sign3A_358, %sign3A_361 : i32
    %ne3A_363 = arith.cmpi ne, %sign3A_355, %sign3A_362 : i32
    %rem3A_364 = arith.remsi %add3A_346, %jit3A_347 : i32
    %ne3A_365 = arith.constant 0 : i32
    %ne3A_366 = arith.cmpi ne, %rem3A_364, %ne3A_365 : i32
    %and3A_367 = arith.andi %ne3A_363, %ne3A_366 : i1
    %sub3A_368 = arith.constant 1 : i32
    %sub3A_369 = arith.subi %div3A_348, %sub3A_368 : i32
    %select_n3A_370 = arith.select %and3A_367, %sub3A_369, %div3A_348 : i32
    %scan3A_371 = arith.constant 0 : i32
    %scan3A_372 = arith.constant 0 : i32
    %scan3A_373 = arith.constant 32 : i32
    %scan3A_374 = arith.addi %scan3A_372, %scan3A_373 : i32
    %scan3A_375 = arith.constant 1 : i32
    scf.for %scan3A_463 = %scan3A_372 to %scan3A_374 step %scan3A_375  : i32 {
      %mul3A_464 = arith.constant 16 : i32
      %mul3A_465 = arith.muli %scan3A_463, %mul3A_464 : i32
      %mul3A_466 = arith.constant 512 : i32
      %mul3A_467 = arith.muli %select_n3A_370, %mul3A_466 : i32
      %add3A_468 = arith.addi %mul3A_467, %mul3A_465 : i32
      %get3A_469 = arith.index_cast %add3A_468 : i32 to index
      %get3A_470 = tpu.vector_load %arg12[%get3A_469] {strides = array<i32>} : memref<2048xi32, #tpu.memory_space<vmem>>, vector<16xi32>,
      %add3A_471 = arith.constant 1024 : i32
      %add3A_472 = arith.addi %add3A_471, %mul3A_465 : i32
      %get3A_473 = arith.index_cast %add3A_472 : i32 to index
      %get3A_474 = tpu.vector_load %arg10[%get3A_473] {strides = array<i32>} : memref<2048xf32, #tpu.memory_space<vmem>>, vector<16xf32>,
      tpu.vector_store_idx %arg9[%get3A_470], %get3A_474 {add = true} : memref<32000xf32, #tpu.memory_space<vmem>>[vector<16xi32>], vector<16xf32>,
    }
    %scan3A_376 = arith.constant 32 : i32
    %dma_wait3A_377 = arith.constant 0 : i32
    %dma_wait3A_378 = tpu.memref_slice %arg2[%add3A_278, %dma_wait3A_377] : memref<256x32000xf32, #tpu.memory_space<hbm>> -> memref<1x32000xf32, #tpu.memory_space<hbm>>
    %dma_wait3A_379 = tpu.memref_squeeze %dma_wait3A_378 : memref<1x32000xf32, #tpu.memory_space<hbm>> -> memref<32000xf32, #tpu.memory_space<hbm>>
    %dma_wait3A_380 = arith.constant 0 : i32
    %dma_wait3A_381 = tpu.memref_slice %arg2[%add3A_278, %dma_wait3A_380] : memref<256x32000xf32, #tpu.memory_space<hbm>> -> memref<1x32000xf32, #tpu.memory_space<hbm>>
    %dma_wait3A_382 = tpu.memref_squeeze %dma_wait3A_381 : memref<1x32000xf32, #tpu.memory_space<hbm>> -> memref<32000xf32, #tpu.memory_space<hbm>>
    tpu.wait_dma2 semaphore(%arg13 : memref<!tpu.dma_semaphore, #tpu.memory_space<semaphore_mem>>) src(%dma_wait3A_382 : memref<32000xf32, #tpu.memory_space<hbm>>) dst(%arg7 : memref<32000xf32, #tpu.memory_space<vmem>>)
    %get3A_383 = arith.constant 384 : index
    %get3A_384 = tpu.vector_load %arg11[%get3A_383] {strides = array<i32>} : memref<512xf32, #tpu.memory_space<vmem>>, vector<16xf32>,
    %scan3A_385 = arith.constant 0 : i32
    %scan3A_386 = arith.constant 0 : i32
    %scan3A_387 = arith.constant 250 : i32
    %scan3A_388 = arith.addi %scan3A_386, %scan3A_387 : i32
    %scan3A_389 = arith.constant 1 : i32
    scf.for %scan3A_463 = %scan3A_386 to %scan3A_388 step %scan3A_389  : i32 {
      %mul3A_464 = arith.constant 128 : i32
      %mul3A_465 = arith.muli %scan3A_463, %mul3A_464 : i32
      %add3A_466 = arith.constant 0 : i32
      %add3A_467 = arith.addi %mul3A_465, %add3A_466 : i32
      %get3A_468 = arith.index_cast %add3A_467 : i32 to index
      %get3A_469 = tpu.vector_load %arg7[%get3A_468] {strides = array<i32>} : memref<32000xf32, #tpu.memory_space<vmem>>, vector<16xf32>,
      %mul3A_470 = arith.mulf %get3A_469, %get3A_384 : vector<16xf32>
      %swap3A = arith.index_cast %add3A_467 : i32 to index
      %swap3A_471 = tpu.vector_load %arg7[%swap3A] {strides = array<i32>} : memref<32000xf32, #tpu.memory_space<vmem>>, vector<16xf32>,
      tpu.vector_store %arg7[%swap3A], %mul3A_470 {strides = array<i32>} : memref<32000xf32, #tpu.memory_space<vmem>>, vector<16xf32>,
      %add3A_472 = arith.constant 16 : i32
      %add3A_473 = arith.addi %mul3A_465, %add3A_472 : i32
      %get3A_474 = arith.index_cast %add3A_473 : i32 to index
      %get3A_475 = tpu.vector_load %arg7[%get3A_474] {strides = array<i32>} : memref<32000xf32, #tpu.memory_space<vmem>>, vector<16xf32>,
      %mul3A_476 = arith.mulf %get3A_475, %get3A_384 : vector<16xf32>
      %swap3A_477 = arith.index_cast %add3A_473 : i32 to index
      %swap3A_478 = tpu.vector_load %arg7[%swap3A_477] {strides = array<i32>} : memref<32000xf32, #tpu.memory_space<vmem>>, vector<16xf32>,
      tpu.vector_store %arg7[%swap3A_477], %mul3A_476 {strides = array<i32>} : memref<32000xf32, #tpu.memory_space<vmem>>, vector<16xf32>,
      %add3A_479 = arith.constant 32 : i32
      %add3A_480 = arith.addi %mul3A_465, %add3A_479 : i32
      %get3A_481 = arith.index_cast %add3A_480 : i32 to index
      %get3A_482 = tpu.vector_load %arg7[%get3A_481] {strides = array<i32>} : memref<32000xf32, #tpu.memory_space<vmem>>, vector<16xf32>,
      %mul3A_483 = arith.mulf %get3A_482, %get3A_384 : vector<16xf32>
      %swap3A_484 = arith.index_cast %add3A_480 : i32 to index
      %swap3A_485 = tpu.vector_load %arg7[%swap3A_484] {strides = array<i32>} : memref<32000xf32, #tpu.memory_space<vmem>>, vector<16xf32>,
      tpu.vector_store %arg7[%swap3A_484], %mul3A_483 {strides = array<i32>} : memref<32000xf32, #tpu.memory_space<vmem>>, vector<16xf32>,
      %add3A_486 = arith.constant 48 : i32
      %add3A_487 = arith.addi %mul3A_465, %add3A_486 : i32
      %get3A_488 = arith.index_cast %add3A_487 : i32 to index
      %get3A_489 = tpu.vector_load %arg7[%get3A_488] {strides = array<i32>} : memref<32000xf32, #tpu.memory_space<vmem>>, vector<16xf32>,
      %mul3A_490 = arith.mulf %get3A_489, %get3A_384 : vector<16xf32>
      %swap3A_491 = arith.index_cast %add3A_487 : i32 to index
      %swap3A_492 = tpu.vector_load %arg7[%swap3A_491] {strides = array<i32>} : memref<32000xf32, #tpu.memory_space<vmem>>, vector<16xf32>,
      tpu.vector_store %arg7[%swap3A_491], %mul3A_490 {strides = array<i32>} : memref<32000xf32, #tpu.memory_space<vmem>>, vector<16xf32>,
      %add3A_493 = arith.constant 64 : i32
      %add3A_494 = arith.addi %mul3A_465, %add3A_493 : i32
      %get3A_495 = arith.index_cast %add3A_494 : i32 to index
      %get3A_496 = tpu.vector_load %arg7[%get3A_495] {strides = array<i32>} : memref<32000xf32, #tpu.memory_space<vmem>>, vector<16xf32>,
      %mul3A_497 = arith.mulf %get3A_496, %get3A_384 : vector<16xf32>
      %swap3A_498 = arith.index_cast %add3A_494 : i32 to index
      %swap3A_499 = tpu.vector_load %arg7[%swap3A_498] {strides = array<i32>} : memref<32000xf32, #tpu.memory_space<vmem>>, vector<16xf32>,
      tpu.vector_store %arg7[%swap3A_498], %mul3A_497 {strides = array<i32>} : memref<32000xf32, #tpu.memory_space<vmem>>, vector<16xf32>,
      %add3A_500 = arith.constant 80 : i32
      %add3A_501 = arith.addi %mul3A_465, %add3A_500 : i32
      %get3A_502 = arith.index_cast %add3A_501 : i32 to index
      %get3A_503 = tpu.vector_load %arg7[%get3A_502] {strides = array<i32>} : memref<32000xf32, #tpu.memory_space<vmem>>, vector<16xf32>,
      %mul3A_504 = arith.mulf %get3A_503, %get3A_384 : vector<16xf32>
      %swap3A_505 = arith.index_cast %add3A_501 : i32 to index
      %swap3A_506 = tpu.vector_load %arg7[%swap3A_505] {strides = array<i32>} : memref<32000xf32, #tpu.memory_space<vmem>>, vector<16xf32>,
      tpu.vector_store %arg7[%swap3A_505], %mul3A_504 {strides = array<i32>} : memref<32000xf32, #tpu.memory_space<vmem>>, vector<16xf32>,
      %add3A_507 = arith.constant 96 : i32
      %add3A_508 = arith.addi %mul3A_465, %add3A_507 : i32
      %get3A_509 = arith.index_cast %add3A_508 : i32 to index
      %get3A_510 = tpu.vector_load %arg7[%get3A_509] {strides = array<i32>} : memref<32000xf32, #tpu.memory_space<vmem>>, vector<16xf32>,
      %mul3A_511 = arith.mulf %get3A_510, %get3A_384 : vector<16xf32>
      %swap3A_512 = arith.index_cast %add3A_508 : i32 to index
      %swap3A_513 = tpu.vector_load %arg7[%swap3A_512] {strides = array<i32>} : memref<32000xf32, #tpu.memory_space<vmem>>, vector<16xf32>,
      tpu.vector_store %arg7[%swap3A_512], %mul3A_511 {strides = array<i32>} : memref<32000xf32, #tpu.memory_space<vmem>>, vector<16xf32>,
      %add3A_514 = arith.constant 112 : i32
      %add3A_515 = arith.addi %mul3A_465, %add3A_514 : i32
      %get3A_516 = arith.index_cast %add3A_515 : i32 to index
      %get3A_517 = tpu.vector_load %arg7[%get3A_516] {strides = array<i32>} : memref<32000xf32, #tpu.memory_space<vmem>>, vector<16xf32>,
      %mul3A_518 = arith.mulf %get3A_517, %get3A_384 : vector<16xf32>
      %swap3A_519 = arith.index_cast %add3A_515 : i32 to index
      %swap3A_520 = tpu.vector_load %arg7[%swap3A_519] {strides = array<i32>} : memref<32000xf32, #tpu.memory_space<vmem>>, vector<16xf32>,
      tpu.vector_store %arg7[%swap3A_519], %mul3A_518 {strides = array<i32>} : memref<32000xf32, #tpu.memory_space<vmem>>, vector<16xf32>,
    }
    %scan3A_390 = arith.constant 250 : i32
    %add3A_391 = arith.constant 0 : i32
    %add3A_392 = arith.addi %add3A_391, %mul3A_2 : i32
    %add3A_393 = arith.constant 2 : i32
    %add3A_394 = arith.addi %add3A_392, %add3A_393 : i32
    %dma_start3A_395 = arith.constant 0 : i32
    %dma_start3A_396 = tpu.memref_slice %arg6[%add3A_394, %dma_start3A_395] : memref<256x32000xf32, #tpu.memory_space<hbm>> -> memref<1x32000xf32, #tpu.memory_space<hbm>>
    %dma_start3A_397 = tpu.memref_squeeze %dma_start3A_396 : memref<1x32000xf32, #tpu.memory_space<hbm>> -> memref<32000xf32, #tpu.memory_space<hbm>>
    %dma_start3A_398 = arith.constant 0 : i32
    %dma_start3A_399 = tpu.memref_slice %arg6[%add3A_394, %dma_start3A_398] : memref<256x32000xf32, #tpu.memory_space<hbm>> -> memref<1x32000xf32, #tpu.memory_space<hbm>>
    %dma_start3A_400 = tpu.memref_squeeze %dma_start3A_399 : memref<1x32000xf32, #tpu.memory_space<hbm>> -> memref<32000xf32, #tpu.memory_space<hbm>>
    tpu.enqueue_dma source(%arg9 : memref<32000xf32, #tpu.memory_space<vmem>>) target(%dma_start3A_400 : memref<32000xf32, #tpu.memory_space<hbm>>) target_semaphore(%arg18 : memref<!tpu.dma_semaphore, #tpu.memory_space<semaphore_mem>>)
    %add3A_401 = arith.constant 0 : i32
    %add3A_402 = arith.addi %add3A_401, %mul3A_2 : i32
    %add3A_403 = arith.constant 3 : i32
    %add3A_404 = arith.addi %add3A_402, %add3A_403 : i32
    %jit3A_405 = arith.constant 64 : i32
    %div3A_406 = arith.divsi %add3A_404, %jit3A_405 : i32
    %sign3A_407 = arith.constant 0 : i32
    %sign3A_408 = arith.cmpi sgt, %add3A_404, %sign3A_407 : i32
    %sign3A_409 = arith.extui %sign3A_408 : i1 to i32
    %sign3A_410 = arith.constant 0 : i32
    %sign3A_411 = arith.cmpi slt, %add3A_404, %sign3A_410 : i32
    %sign3A_412 = arith.extui %sign3A_411 : i1 to i32
    %sign3A_413 = arith.subi %sign3A_409, %sign3A_412 : i32
    %sign3A_414 = arith.constant 0 : i32
    %sign3A_415 = arith.cmpi sgt, %jit3A_405, %sign3A_414 : i32
    %sign3A_416 = arith.extui %sign3A_415 : i1 to i32
    %sign3A_417 = arith.constant 0 : i32
    %sign3A_418 = arith.cmpi slt, %jit3A_405, %sign3A_417 : i32
    %sign3A_419 = arith.extui %sign3A_418 : i1 to i32
    %sign3A_420 = arith.subi %sign3A_416, %sign3A_419 : i32
    %ne3A_421 = arith.cmpi ne, %sign3A_413, %sign3A_420 : i32
    %rem3A_422 = arith.remsi %add3A_404, %jit3A_405 : i32
    %ne3A_423 = arith.constant 0 : i32
    %ne3A_424 = arith.cmpi ne, %rem3A_422, %ne3A_423 : i32
    %and3A_425 = arith.andi %ne3A_421, %ne3A_424 : i1
    %sub3A_426 = arith.constant 1 : i32
    %sub3A_427 = arith.subi %div3A_406, %sub3A_426 : i32
    %select_n3A_428 = arith.select %and3A_425, %sub3A_427, %div3A_406 : i32
    %scan3A_429 = arith.constant 0 : i32
    %scan3A_430 = arith.constant 0 : i32
    %scan3A_431 = arith.constant 32 : i32
    %scan3A_432 = arith.addi %scan3A_430, %scan3A_431 : i32
    %scan3A_433 = arith.constant 1 : i32
    scf.for %scan3A_463 = %scan3A_430 to %scan3A_432 step %scan3A_433  : i32 {
      %mul3A_464 = arith.constant 16 : i32
      %mul3A_465 = arith.muli %scan3A_463, %mul3A_464 : i32
      %mul3A_466 = arith.constant 512 : i32
      %mul3A_467 = arith.muli %select_n3A_428, %mul3A_466 : i32
      %add3A_468 = arith.addi %mul3A_467, %mul3A_465 : i32
      %get3A_469 = arith.index_cast %add3A_468 : i32 to index
      %get3A_470 = tpu.vector_load %arg12[%get3A_469] {strides = array<i32>} : memref<2048xi32, #tpu.memory_space<vmem>>, vector<16xi32>,
      %add3A_471 = arith.constant 1536 : i32
      %add3A_472 = arith.addi %add3A_471, %mul3A_465 : i32
      %get3A_473 = arith.index_cast %add3A_472 : i32 to index
      %get3A_474 = tpu.vector_load %arg10[%get3A_473] {strides = array<i32>} : memref<2048xf32, #tpu.memory_space<vmem>>, vector<16xf32>,
      tpu.vector_store_idx %arg7[%get3A_470], %get3A_474 {add = true} : memref<32000xf32, #tpu.memory_space<vmem>>[vector<16xi32>], vector<16xf32>,
    }
    %scan3A_434 = arith.constant 32 : i32
    %delay3A = arith.constant 32 : i32
    tpu.delay %delay3A
    %add3A_435 = arith.constant 0 : i32
    %add3A_436 = arith.addi %add3A_435, %mul3A_2 : i32
    %add3A_437 = arith.constant 3 : i32
    %add3A_438 = arith.addi %add3A_436, %add3A_437 : i32
    %dma_start3A_439 = arith.constant 0 : i32
    %dma_start3A_440 = tpu.memref_slice %arg6[%add3A_438, %dma_start3A_439] : memref<256x32000xf32, #tpu.memory_space<hbm>> -> memref<1x32000xf32, #tpu.memory_space<hbm>>
    %dma_start3A_441 = tpu.memref_squeeze %dma_start3A_440 : memref<1x32000xf32, #tpu.memory_space<hbm>> -> memref<32000xf32, #tpu.memory_space<hbm>>
    %dma_start3A_442 = arith.constant 0 : i32
    %dma_start3A_443 = tpu.memref_slice %arg6[%add3A_438, %dma_start3A_442] : memref<256x32000xf32, #tpu.memory_space<hbm>> -> memref<1x32000xf32, #tpu.memory_space<hbm>>
    %dma_start3A_444 = tpu.memref_squeeze %dma_start3A_443 : memref<1x32000xf32, #tpu.memory_space<hbm>> -> memref<32000xf32, #tpu.memory_space<hbm>>
    tpu.enqueue_dma source(%arg7 : memref<32000xf32, #tpu.memory_space<vmem>>) target(%dma_start3A_444 : memref<32000xf32, #tpu.memory_space<hbm>>) target_semaphore(%arg16 : memref<!tpu.dma_semaphore, #tpu.memory_space<semaphore_mem>>)
    %dma_wait3A_445 = arith.constant 0 : i32
    %dma_wait3A_446 = tpu.memref_slice %arg6[%add3A_336, %dma_wait3A_445] : memref<256x32000xf32, #tpu.memory_space<hbm>> -> memref<1x32000xf32, #tpu.memory_space<hbm>>
    %dma_wait3A_447 = tpu.memref_squeeze %dma_wait3A_446 : memref<1x32000xf32, #tpu.memory_space<hbm>> -> memref<32000xf32, #tpu.memory_space<hbm>>
    %dma_wait3A_448 = arith.constant 0 : i32
    %dma_wait3A_449 = tpu.memref_slice %arg6[%add3A_336, %dma_wait3A_448] : memref<256x32000xf32, #tpu.memory_space<hbm>> -> memref<1x32000xf32, #tpu.memory_space<hbm>>
    %dma_wait3A_450 = tpu.memref_squeeze %dma_wait3A_449 : memref<1x32000xf32, #tpu.memory_space<hbm>> -> memref<32000xf32, #tpu.memory_space<hbm>>
    tpu.wait_dma2 semaphore(%arg17 : memref<!tpu.dma_semaphore, #tpu.memory_space<semaphore_mem>>) src(%arg8 : memref<32000xf32, #tpu.memory_space<vmem>>) dst(%dma_wait3A_450 : memref<32000xf32, #tpu.memory_space<hbm>>)
    %dma_wait3A_451 = arith.constant 0 : i32
    %dma_wait3A_452 = tpu.memref_slice %arg6[%add3A_394, %dma_wait3A_451] : memref<256x32000xf32, #tpu.memory_space<hbm>> -> memref<1x32000xf32, #tpu.memory_space<hbm>>
    %dma_wait3A_453 = tpu.memref_squeeze %dma_wait3A_452 : memref<1x32000xf32, #tpu.memory_space<hbm>> -> memref<32000xf32, #tpu.memory_space<hbm>>
    %dma_wait3A_454 = arith.constant 0 : i32
    %dma_wait3A_455 = tpu.memref_slice %arg6[%add3A_394, %dma_wait3A_454] : memref<256x32000xf32, #tpu.memory_space<hbm>> -> memref<1x32000xf32, #tpu.memory_space<hbm>>
    %dma_wait3A_456 = tpu.memref_squeeze %dma_wait3A_455 : memref<1x32000xf32, #tpu.memory_space<hbm>> -> memref<32000xf32, #tpu.memory_space<hbm>>
    tpu.wait_dma2 semaphore(%arg18 : memref<!tpu.dma_semaphore, #tpu.memory_space<semaphore_mem>>) src(%arg9 : memref<32000xf32, #tpu.memory_space<vmem>>) dst(%dma_wait3A_456 : memref<32000xf32, #tpu.memory_space<hbm>>)
    %dma_wait3A_457 = arith.constant 0 : i32
    %dma_wait3A_458 = tpu.memref_slice %arg6[%add3A_438, %dma_wait3A_457] : memref<256x32000xf32, #tpu.memory_space<hbm>> -> memref<1x32000xf32, #tpu.memory_space<hbm>>
    %dma_wait3A_459 = tpu.memref_squeeze %dma_wait3A_458 : memref<1x32000xf32, #tpu.memory_space<hbm>> -> memref<32000xf32, #tpu.memory_space<hbm>>
    %dma_wait3A_460 = arith.constant 0 : i32
    %dma_wait3A_461 = tpu.memref_slice %arg6[%add3A_438, %dma_wait3A_460] : memref<256x32000xf32, #tpu.memory_space<hbm>> -> memref<1x32000xf32, #tpu.memory_space<hbm>>
    %dma_wait3A_462 = tpu.memref_squeeze %dma_wait3A_461 : memref<1x32000xf32, #tpu.memory_space<hbm>> -> memref<32000xf32, #tpu.memory_space<hbm>>
    tpu.wait_dma2 semaphore(%arg16 : memref<!tpu.dma_semaphore, #tpu.memory_space<semaphore_mem>>) src(%arg7 : memref<32000xf32, #tpu.memory_space<vmem>>) dst(%dma_wait3A_462 : memref<32000xf32, #tpu.memory_space<hbm>>)
    return
  }
}

module attributes {stable_mosaic.version = 14 : i64} {
  func.func @dense_rows0(%arg0: i32, %arg1: memref<8x192x512xf32, #tpu.memory_space<vmem>>, %arg2: memref<8x1024xf32, #tpu.memory_space<vmem>>, %arg3: memref<192x1xf32, #tpu.memory_space<vmem>>, %arg4: memref<1x1xf32, #tpu.memory_space<vmem>>, %arg5: memref<1024x1xf32, #tpu.memory_space<vmem>>, %arg6: memref<1x1xf32, #tpu.memory_space<vmem>>, %arg7: memref<8x512xf32, #tpu.memory_space<vmem>>, %arg8: memref<8x128xf32, #tpu.memory_space<vmem>>) attributes {dimension_semantics = [#tpu.dimension_semantics<arbitrary>], iteration_bounds = array<i64: 16>, scalar_prefetch = 0 : i64, scratch_operands = 0 : i64, tpu.core_type = #tpu.core_type<tc>, window_params = [{transform_indices = @transform_0, window_bounds = array<i64: 8, 192, 512>}, {transform_indices = @transform_1, window_bounds = array<i64: 8, 1024>}, {pipeline_mode = #tpu.pipeline_mode<synchronous>, transform_indices = @transform_2, window_bounds = array<i64: 192, 1>}, {pipeline_mode = #tpu.pipeline_mode<synchronous>, transform_indices = @transform_3, window_bounds = array<i64: 1, 1>}, {pipeline_mode = #tpu.pipeline_mode<synchronous>, transform_indices = @transform_4, window_bounds = array<i64: 1024, 1>}, {pipeline_mode = #tpu.pipeline_mode<synchronous>, transform_indices = @transform_5, window_bounds = array<i64: 1, 1>}, {transform_indices = @transform_6, window_bounds = array<i64: 8, 512>}, {transform_indices = @transform_7, window_bounds = array<i64: 8, 128>}]} {
    %get3A = arith.constant 0 : index
    %get3A_0 = arith.constant 0 : index
    %get3A_1 = arith.constant 0 : index
    %get3A_2 = vector.load %arg1[%get3A, %get3A_0, %get3A_1] : memref<8x192x512xf32, #tpu.memory_space<vmem>>, vector<8x192x512xf32>
    %get3A_3 = arith.constant 0 : index
    %get3A_4 = arith.constant 0 : index
    %get3A_5 = vector.load %arg3[%get3A_3, %get3A_4] : memref<192x1xf32, #tpu.memory_space<vmem>>, vector<192x1xf32>
    %broadcast_in_dim3A = vector.shape_cast %get3A_5 : vector<192x1xf32> to vector<1x192x1xf32>
    %mul3A = vector.broadcast %broadcast_in_dim3A : vector<1x192x1xf32> to vector<8x192x512xf32>
    %mul3A_6 = arith.mulf %get3A_2, %mul3A : vector<8x192x512xf32>
    %reduce_sum3A = arith.constant dense<0.000000e+00> : vector<8x512xf32>
    %reduce_sum3A_7 = vector.multi_reduction <add>, %mul3A_6, %reduce_sum3A [1] : vector<8x192x512xf32> to vector<8x512xf32>
    %get3A_8 = arith.constant 0 : index
    %get3A_9 = arith.constant 0 : index
    %get3A_10 = vector.load %arg4[%get3A_8, %get3A_9] : memref<1x1xf32, #tpu.memory_space<vmem>>, vector<1x1xf32>
    %get3A_11 = vector.extract %get3A_10[0, 0] : f32 from vector<1x1xf32>
    %add3A = vector.broadcast %get3A_11 : f32 to vector<8x512xf32>
    %add3A_12 = arith.addf %reduce_sum3A_7, %add3A : vector<8x512xf32>
    %neg3A = arith.constant 0.000000e+00 : f32
    %neg3A_13 = vector.broadcast %neg3A : f32 to vector<8x512xf32>
    %neg3A_14 = arith.subf %neg3A_13, %add3A_12 : vector<8x512xf32>
    %exp3A = math.exp %neg3A_14 : vector<8x512xf32>
    %add3A_15 = arith.constant 1.000000e+00 : f32
    %add3A_16 = vector.broadcast %add3A_15 : f32 to vector<8x512xf32>
    %add3A_17 = arith.addf %add3A_16, %exp3A : vector<8x512xf32>
    %div3A = arith.constant 1.000000e+00 : f32
    %div3A_18 = vector.broadcast %div3A : f32 to vector<8x512xf32>
    %div3A_19 = arith.divf %div3A_18, %add3A_17 : vector<8x512xf32>
    %get3A_20 = arith.constant 0 : index
    %get3A_21 = arith.constant 0 : index
    %get3A_22 = vector.load %arg2[%get3A_20, %get3A_21] : memref<8x1024xf32, #tpu.memory_space<vmem>>, vector<8x1024xf32>
    %get3A_23 = arith.constant 0 : index
    %get3A_24 = arith.constant 0 : index
    %get3A_25 = vector.load %arg5[%get3A_23, %get3A_24] : memref<1024x1xf32, #tpu.memory_space<vmem>>, vector<1024x1xf32>
    %dot_general3A = arith.constant dense<0.000000e+00> : vector<8x1xf32>
    %dot_general3A_26 = tpu.matmul %get3A_22, %get3A_25, %dot_general3A {dimension_numbers = #tpu.dot_dimension_numbers<[1], [0], [0], [1], [0, 0, 1, 1], [], []>, transpose_lhs_hint = false} : vector<8x1024xf32>, vector<1024x1xf32>, vector<8x1xf32> -> vector<8x1xf32>
    %get3A_27 = arith.constant 0 : index
    %get3A_28 = arith.constant 0 : index
    %get3A_29 = vector.load %arg6[%get3A_27, %get3A_28] : memref<1x1xf32, #tpu.memory_space<vmem>>, vector<1x1xf32>
    %get3A_30 = vector.extract %get3A_29[0, 0] : f32 from vector<1x1xf32>
    %add3A_31 = vector.broadcast %get3A_30 : f32 to vector<8x1xf32>
    %add3A_32 = arith.addf %dot_general3A_26, %add3A_31 : vector<8x1xf32>
    %neg3A_33 = arith.constant 0.000000e+00 : f32
    %neg3A_34 = vector.broadcast %neg3A_33 : f32 to vector<8x1xf32>
    %neg3A_35 = arith.subf %neg3A_34, %add3A_32 : vector<8x1xf32>
    %exp3A_36 = math.exp %neg3A_35 : vector<8x1xf32>
    %add3A_37 = arith.constant 1.000000e+00 : f32
    %add3A_38 = vector.broadcast %add3A_37 : f32 to vector<8x1xf32>
    %add3A_39 = arith.addf %add3A_38, %exp3A_36 : vector<8x1xf32>
    %div3A_40 = arith.constant 1.000000e+00 : f32
    %div3A_41 = vector.broadcast %div3A_40 : f32 to vector<8x1xf32>
    %div3A_42 = arith.divf %div3A_41, %add3A_39 : vector<8x1xf32>
    %sub3A = arith.constant 1.000000e+00 : f32
    %sub3A_43 = vector.broadcast %sub3A : f32 to vector<8x1xf32>
    %sub3A_44 = arith.subf %sub3A_43, %div3A_42 : vector<8x1xf32>
    %mul3A_45 = vector.broadcast %sub3A_44 : vector<8x1xf32> to vector<8x512xf32>
    %mul3A_46 = arith.mulf %mul3A_45, %div3A_19 : vector<8x512xf32>
    %swap3A = arith.constant 0 : index
    %swap3A_47 = arith.constant 0 : index
    %swap3A_48 = vector.load %arg7[%swap3A, %swap3A_47] : memref<8x512xf32, #tpu.memory_space<vmem>>, vector<8x512xf32>
    tpu.vector_store %arg7[%swap3A, %swap3A_47], %mul3A_46 {strides = array<i32>} : memref<8x512xf32, #tpu.memory_space<vmem>>, vector<8x512xf32>,
    %broadcast_in_dim3A_49 = vector.shape_cast %div3A_42 : vector<8x1xf32> to vector<8x1xf32>
    %broadcast_in_dim3A_50 = vector.broadcast %broadcast_in_dim3A_49 : vector<8x1xf32> to vector<8x128xf32>
    %swap3A_51 = arith.constant 0 : index
    %swap3A_52 = arith.constant 0 : index
    %swap3A_53 = vector.load %arg8[%swap3A_51, %swap3A_52] : memref<8x128xf32, #tpu.memory_space<vmem>>, vector<8x128xf32>
    tpu.vector_store %arg8[%swap3A_51, %swap3A_52], %broadcast_in_dim3A_50 {strides = array<i32>} : memref<8x128xf32, #tpu.memory_space<vmem>>, vector<8x128xf32>,
    return
  }
  func.func @transform_0(%arg0: i32) -> (i32, i32, i32) {
    %add3A = arith.constant 0 : i32
    %add3A_0 = arith.addi %arg0, %add3A : i32
    %c0_i32 = arith.constant 0 : i32
    %c0_i32_1 = arith.constant 0 : i32
    %c0_i32_2 = arith.constant 0 : i32
    return %add3A_0, %c0_i32, %c0_i32_1 : i32, i32, i32
  }
  func.func @transform_1(%arg0: i32) -> (i32, i32) {
    %add3A = arith.constant 0 : i32
    %add3A_0 = arith.addi %arg0, %add3A : i32
    %c0_i32 = arith.constant 0 : i32
    %c0_i32_1 = arith.constant 0 : i32
    return %add3A_0, %c0_i32 : i32, i32
  }
  func.func @transform_2(%arg0: i32) -> (i32, i32) {
    %c0_i32 = arith.constant 0 : i32
    %c0_i32_0 = arith.constant 0 : i32
    %c0_i32_1 = arith.constant 0 : i32
    return %c0_i32, %c0_i32_0 : i32, i32
  }
  func.func @transform_3(%arg0: i32) -> (i32, i32) {
    %c0_i32 = arith.constant 0 : i32
    %c0_i32_0 = arith.constant 0 : i32
    %c0_i32_1 = arith.constant 0 : i32
    return %c0_i32, %c0_i32_0 : i32, i32
  }
  func.func @transform_4(%arg0: i32) -> (i32, i32) {
    %c0_i32 = arith.constant 0 : i32
    %c0_i32_0 = arith.constant 0 : i32
    %c0_i32_1 = arith.constant 0 : i32
    return %c0_i32, %c0_i32_0 : i32, i32
  }
  func.func @transform_5(%arg0: i32) -> (i32, i32) {
    %c0_i32 = arith.constant 0 : i32
    %c0_i32_0 = arith.constant 0 : i32
    %c0_i32_1 = arith.constant 0 : i32
    return %c0_i32, %c0_i32_0 : i32, i32
  }
  func.func @transform_6(%arg0: i32) -> (i32, i32) {
    %c0_i32 = arith.constant 0 : i32
    %c0_i32_0 = arith.constant 0 : i32
    return %arg0, %c0_i32 : i32, i32
  }
  func.func @transform_7(%arg0: i32) -> (i32, i32) {
    %c0_i32 = arith.constant 0 : i32
    %c0_i32_0 = arith.constant 0 : i32
    return %arg0, %c0_i32 : i32, i32
  }
}

module attributes {stable_mosaic.version = 14 : i64} {
  func.func @dense_rows128(%arg0: i32, %arg1: memref<8x192x512xf32, #tpu.memory_space<vmem>>, %arg2: memref<8x1024xf32, #tpu.memory_space<vmem>>, %arg3: memref<192x1xf32, #tpu.memory_space<vmem>>, %arg4: memref<1x1xf32, #tpu.memory_space<vmem>>, %arg5: memref<1024x1xf32, #tpu.memory_space<vmem>>, %arg6: memref<1x1xf32, #tpu.memory_space<vmem>>, %arg7: memref<8x512xf32, #tpu.memory_space<vmem>>, %arg8: memref<8x128xf32, #tpu.memory_space<vmem>>) attributes {dimension_semantics = [#tpu.dimension_semantics<arbitrary>], iteration_bounds = array<i64: 16>, scalar_prefetch = 0 : i64, scratch_operands = 0 : i64, tpu.core_type = #tpu.core_type<tc>, window_params = [{transform_indices = @transform_0, window_bounds = array<i64: 8, 192, 512>}, {transform_indices = @transform_1, window_bounds = array<i64: 8, 1024>}, {pipeline_mode = #tpu.pipeline_mode<synchronous>, transform_indices = @transform_2, window_bounds = array<i64: 192, 1>}, {pipeline_mode = #tpu.pipeline_mode<synchronous>, transform_indices = @transform_3, window_bounds = array<i64: 1, 1>}, {pipeline_mode = #tpu.pipeline_mode<synchronous>, transform_indices = @transform_4, window_bounds = array<i64: 1024, 1>}, {pipeline_mode = #tpu.pipeline_mode<synchronous>, transform_indices = @transform_5, window_bounds = array<i64: 1, 1>}, {transform_indices = @transform_6, window_bounds = array<i64: 8, 512>}, {transform_indices = @transform_7, window_bounds = array<i64: 8, 128>}]} {
    %get3A = arith.constant 0 : index
    %get3A_0 = arith.constant 0 : index
    %get3A_1 = arith.constant 0 : index
    %get3A_2 = vector.load %arg1[%get3A, %get3A_0, %get3A_1] : memref<8x192x512xf32, #tpu.memory_space<vmem>>, vector<8x192x512xf32>
    %get3A_3 = arith.constant 0 : index
    %get3A_4 = arith.constant 0 : index
    %get3A_5 = vector.load %arg3[%get3A_3, %get3A_4] : memref<192x1xf32, #tpu.memory_space<vmem>>, vector<192x1xf32>
    %broadcast_in_dim3A = vector.shape_cast %get3A_5 : vector<192x1xf32> to vector<1x192x1xf32>
    %mul3A = vector.broadcast %broadcast_in_dim3A : vector<1x192x1xf32> to vector<8x192x512xf32>
    %mul3A_6 = arith.mulf %get3A_2, %mul3A : vector<8x192x512xf32>
    %reduce_sum3A = arith.constant dense<0.000000e+00> : vector<8x512xf32>
    %reduce_sum3A_7 = vector.multi_reduction <add>, %mul3A_6, %reduce_sum3A [1] : vector<8x192x512xf32> to vector<8x512xf32>
    %get3A_8 = arith.constant 0 : index
    %get3A_9 = arith.constant 0 : index
    %get3A_10 = vector.load %arg4[%get3A_8, %get3A_9] : memref<1x1xf32, #tpu.memory_space<vmem>>, vector<1x1xf32>
    %get3A_11 = vector.extract %get3A_10[0, 0] : f32 from vector<1x1xf32>
    %add3A = vector.broadcast %get3A_11 : f32 to vector<8x512xf32>
    %add3A_12 = arith.addf %reduce_sum3A_7, %add3A : vector<8x512xf32>
    %neg3A = arith.constant 0.000000e+00 : f32
    %neg3A_13 = vector.broadcast %neg3A : f32 to vector<8x512xf32>
    %neg3A_14 = arith.subf %neg3A_13, %add3A_12 : vector<8x512xf32>
    %exp3A = math.exp %neg3A_14 : vector<8x512xf32>
    %add3A_15 = arith.constant 1.000000e+00 : f32
    %add3A_16 = vector.broadcast %add3A_15 : f32 to vector<8x512xf32>
    %add3A_17 = arith.addf %add3A_16, %exp3A : vector<8x512xf32>
    %div3A = arith.constant 1.000000e+00 : f32
    %div3A_18 = vector.broadcast %div3A : f32 to vector<8x512xf32>
    %div3A_19 = arith.divf %div3A_18, %add3A_17 : vector<8x512xf32>
    %get3A_20 = arith.constant 0 : index
    %get3A_21 = arith.constant 0 : index
    %get3A_22 = vector.load %arg2[%get3A_20, %get3A_21] : memref<8x1024xf32, #tpu.memory_space<vmem>>, vector<8x1024xf32>
    %get3A_23 = arith.constant 0 : index
    %get3A_24 = arith.constant 0 : index
    %get3A_25 = vector.load %arg5[%get3A_23, %get3A_24] : memref<1024x1xf32, #tpu.memory_space<vmem>>, vector<1024x1xf32>
    %dot_general3A = arith.constant dense<0.000000e+00> : vector<8x1xf32>
    %dot_general3A_26 = tpu.matmul %get3A_22, %get3A_25, %dot_general3A {dimension_numbers = #tpu.dot_dimension_numbers<[1], [0], [0], [1], [0, 0, 1, 1], [], []>, transpose_lhs_hint = false} : vector<8x1024xf32>, vector<1024x1xf32>, vector<8x1xf32> -> vector<8x1xf32>
    %get3A_27 = arith.constant 0 : index
    %get3A_28 = arith.constant 0 : index
    %get3A_29 = vector.load %arg6[%get3A_27, %get3A_28] : memref<1x1xf32, #tpu.memory_space<vmem>>, vector<1x1xf32>
    %get3A_30 = vector.extract %get3A_29[0, 0] : f32 from vector<1x1xf32>
    %add3A_31 = vector.broadcast %get3A_30 : f32 to vector<8x1xf32>
    %add3A_32 = arith.addf %dot_general3A_26, %add3A_31 : vector<8x1xf32>
    %neg3A_33 = arith.constant 0.000000e+00 : f32
    %neg3A_34 = vector.broadcast %neg3A_33 : f32 to vector<8x1xf32>
    %neg3A_35 = arith.subf %neg3A_34, %add3A_32 : vector<8x1xf32>
    %exp3A_36 = math.exp %neg3A_35 : vector<8x1xf32>
    %add3A_37 = arith.constant 1.000000e+00 : f32
    %add3A_38 = vector.broadcast %add3A_37 : f32 to vector<8x1xf32>
    %add3A_39 = arith.addf %add3A_38, %exp3A_36 : vector<8x1xf32>
    %div3A_40 = arith.constant 1.000000e+00 : f32
    %div3A_41 = vector.broadcast %div3A_40 : f32 to vector<8x1xf32>
    %div3A_42 = arith.divf %div3A_41, %add3A_39 : vector<8x1xf32>
    %sub3A = arith.constant 1.000000e+00 : f32
    %sub3A_43 = vector.broadcast %sub3A : f32 to vector<8x1xf32>
    %sub3A_44 = arith.subf %sub3A_43, %div3A_42 : vector<8x1xf32>
    %mul3A_45 = vector.broadcast %sub3A_44 : vector<8x1xf32> to vector<8x512xf32>
    %mul3A_46 = arith.mulf %mul3A_45, %div3A_19 : vector<8x512xf32>
    %swap3A = arith.constant 0 : index
    %swap3A_47 = arith.constant 0 : index
    %swap3A_48 = vector.load %arg7[%swap3A, %swap3A_47] : memref<8x512xf32, #tpu.memory_space<vmem>>, vector<8x512xf32>
    tpu.vector_store %arg7[%swap3A, %swap3A_47], %mul3A_46 {strides = array<i32>} : memref<8x512xf32, #tpu.memory_space<vmem>>, vector<8x512xf32>,
    %broadcast_in_dim3A_49 = vector.shape_cast %div3A_42 : vector<8x1xf32> to vector<8x1xf32>
    %broadcast_in_dim3A_50 = vector.broadcast %broadcast_in_dim3A_49 : vector<8x1xf32> to vector<8x128xf32>
    %swap3A_51 = arith.constant 0 : index
    %swap3A_52 = arith.constant 0 : index
    %swap3A_53 = vector.load %arg8[%swap3A_51, %swap3A_52] : memref<8x128xf32, #tpu.memory_space<vmem>>, vector<8x128xf32>
    tpu.vector_store %arg8[%swap3A_51, %swap3A_52], %broadcast_in_dim3A_50 {strides = array<i32>} : memref<8x128xf32, #tpu.memory_space<vmem>>, vector<8x128xf32>,
    return
  }
  func.func @transform_0(%arg0: i32) -> (i32, i32, i32) {
    %add3A = arith.constant 16 : i32
    %add3A_0 = arith.addi %arg0, %add3A : i32
    %c0_i32 = arith.constant 0 : i32
    %c0_i32_1 = arith.constant 0 : i32
    %c0_i32_2 = arith.constant 0 : i32
    return %add3A_0, %c0_i32, %c0_i32_1 : i32, i32, i32
  }
  func.func @transform_1(%arg0: i32) -> (i32, i32) {
    %add3A = arith.constant 16 : i32
    %add3A_0 = arith.addi %arg0, %add3A : i32
    %c0_i32 = arith.constant 0 : i32
    %c0_i32_1 = arith.constant 0 : i32
    return %add3A_0, %c0_i32 : i32, i32
  }
  func.func @transform_2(%arg0: i32) -> (i32, i32) {
    %c0_i32 = arith.constant 0 : i32
    %c0_i32_0 = arith.constant 0 : i32
    %c0_i32_1 = arith.constant 0 : i32
    return %c0_i32, %c0_i32_0 : i32, i32
  }
  func.func @transform_3(%arg0: i32) -> (i32, i32) {
    %c0_i32 = arith.constant 0 : i32
    %c0_i32_0 = arith.constant 0 : i32
    %c0_i32_1 = arith.constant 0 : i32
    return %c0_i32, %c0_i32_0 : i32, i32
  }
  func.func @transform_4(%arg0: i32) -> (i32, i32) {
    %c0_i32 = arith.constant 0 : i32
    %c0_i32_0 = arith.constant 0 : i32
    %c0_i32_1 = arith.constant 0 : i32
    return %c0_i32, %c0_i32_0 : i32, i32
  }
  func.func @transform_5(%arg0: i32) -> (i32, i32) {
    %c0_i32 = arith.constant 0 : i32
    %c0_i32_0 = arith.constant 0 : i32
    %c0_i32_1 = arith.constant 0 : i32
    return %c0_i32, %c0_i32_0 : i32, i32
  }
  func.func @transform_6(%arg0: i32) -> (i32, i32) {
    %c0_i32 = arith.constant 0 : i32
    %c0_i32_0 = arith.constant 0 : i32
    return %arg0, %c0_i32 : i32, i32
  }
  func.func @transform_7(%arg0: i32) -> (i32, i32) {
    %c0_i32 = arith.constant 0 : i32
    %c0_i32_0 = arith.constant 0 : i32
    return %arg0, %c0_i32 : i32, i32
  }
}

</mosaic_0001>

<sc_bundles>
// kernel: sc_scatter_rows0.3.cloned.1.call-start
scs
__scs_entry_jumppad:
0x0: {  	(pc) =	sbr.rel $0x88, $3  }
0x1: {  	(tag) =	ssettag $0x0;
	lr =	simm.s32 $0x1  }
0x2: {  	[smem:$0x3F99] =	sst lr;
	_ =	strace $0xD0000000  }
0x3: {  	_ = 	snop  }
0x4: {  	_ = 	snop  }
0x5: {  	_ = 	snop  }
0x6: {  	_ = 	snop  }
0x7: {  	_ = 	snop  }
__scs_overlays_trampoline_lowered:
0x8: {  	[smem:$0x3FA8] =	sst s0  }
0x9: {  	[smem:$0x3FA9] =	sst s1  }
0xa: {  	[smem:$0x3FAA] =	sst s2  }
0xb: {  	[smem:$0x3FAB] =	sst s3  }
0xc: {  	[smem:$0x3FAC] =	sst s4  }
0xd: {  	[smem:$0x3FAD] =	sst s5  }
0xe: {  	[smem:$0x3FAE] =	sst s6  }
0xf: {  	[smem:$0x3FAF] =	sst s7  }
0x10: {  	[smem:$0x3FB0] =	sst s8  }
0x11: {  	[smem:$0x3FB1] =	sst s9;
	s0 =	simm.s32 @!p0 $0x0  }
0x12: {  	s1 =	sld [smem:$0x3F97];
	s0 =	simm.s32 @p0 $0x1  }
0x13: {  	[smem:$0x3FB2] =	sst s0;
	s0 =	simm.s32 @!p1 $0x0  }
0x14: {  	s2 =	sld [smem:$0x3F96];
	s0 =	simm.s32 @p1 $0x1  }
0x15: {  	[smem:$0x3FB3] =	sst s0;
	s0 =	simm.s32 @!p2 $0x0  }
0x16: {  	s3 =	sld [smem:$0x3FDB];
	s0 =	simm.s32 @p2 $0x1  }
0x17: {  	s4 =	simm.s32 $0x1BF5;
	[smem:$0x3FB5] =	sst s0  }
0x18: {  	s0 =	sld [smem:$0x3F98];
	_ =	swait.ge [sflag:s4], $0x0  }
0x19: {  	s7 =	sld [smem:$0x3F99]  }
0x1a: {  	s8 =	sadd.s32 $0xFFFFE003, lr  }
0x1b: {  	s9 =	sadd.s32 $0xFFFFFEF7, lr;
	s5 =	simm.s32 $0xFFFFFFFF;
	p2 =	slt.u32 s8, $0xFFFFF086  }
0x1c: {  	p1 =	slt.u32 s9, $0xF7A;
	s5 =	simm.s32 @!p2 $0x0  }
0x1d: {  	s5 =	simm.s32 @p1 $0x1;
	p0 =	seq.s32 s7, s2  }
0x1e: {  	s7 =	smul.u32 @!p0 $0xF7A, s2;
	p2 =	seq.s32 @!p0 s5, $0x0  }
0x1f: {  	s9 =	smul.u32 $0xF7A, s1;
	s8 =	simm.s32 @!p0 $0x1BF5;
	p2 =	por !p2, p0  }
0x20: {  	[sflag:s8] =	ssyncset.s32 @!p0 $0xFFFFF086;
	s6 =	sadd.s32 @!p0 s3, s7;
	s7 =	simm.s32 @!p0 $0x108  }
0x21: {  	s3 =	sadd.s32 s3, s9;
	s6 =	sadd.s32 @!p0 $0x88, s6;
	s7 =	simm.s32 @p2 $0x1082  }
0x22: {  	[simem:s7], [sflag:s8] =	dma.local @!p0 [hbm:s6], $0xF7A  }
0x23: {  	s9 =	sor.u32 $0xD0000000, s2;
	s6 =	simm.s32 $0x108;
	_ =	swait.ge @!p0 [sflag:s8], $0x0  }
0x24: {  	s3 =	sadd.s32 $0x88, s3;
	s6 =	simm.s32 @!p1 $0x1082;
	[sflag:s4] =	ssyncset.s32 $0xFFFFF086  }
0x25: {  	[simem:s6], [sflag:s4] =	dma.local [hbm:s3], $0xF7A  }
0x26: {  	[smem:$0x3F99] =	sst s1;
	(tag) =	ssettag s2;
	_ =	strace s9  }
0x27: {  	s1 =	sld [smem:$0x3FA9]  }
0x28: {  	s2 =	sld [smem:$0x3FAA]  }
0x29: {  	s4 =	sld [smem:$0x3FAC]  }
0x2a: {  	p0 =	seq.s32 s5, $0x0;
	s5 =	sld [smem:$0x3FAD]  }
0x2b: {  	s6 =	sld [smem:$0x3FAE]  }
0x2c: {  	s7 =	sld [smem:$0x3FAF]  }
0x2d: {  	s3 =	simm.s32 $0x108;
	s8 =	sld [smem:$0x3FB0]  }
0x2e: {  	s3 =	simm.s32 @!p0 $0x1082;
	s9 =	sld [smem:$0x3FB1]  }
0x2f: {  	lr =	sadd.s32 s0, s3;
	s0 =	sld [smem:$0x3FA8]  }
0x30: {  	s3 =	sld [smem:$0x3FAB]  }
0x31: {  	[smem:$0x3FB4] =	sst s10  }
0x32: {  	s10 =	sld [smem:$0x3FB2];
	_ =	sdelay $0x3  }
0x33: {  	p0 =	seq.s32 s10, $0x1;
	s10 =	sld [smem:$0x3FB4];
	_ =	sdelay $0x3  }
0x34: {  	[smem:$0x3FB4] =	sst s10  }
0x35: {  	s10 =	sld [smem:$0x3FB3];
	_ =	sdelay $0x3  }
0x36: {  	p1 =	seq.s32 s10, $0x1;
	s10 =	sld [smem:$0x3FB4];
	_ =	sdelay $0x3  }
0x37: {  	[smem:$0x3FB4] =	sst s10  }
0x38: {  	s10 =	sld [smem:$0x3FB5]  }
0x39: {  	_ = 	snop;
	(pc) =	sbr.ind lr, $3  }
0x3a: {  	_ = 	snop  }
0x3b: {  	_ = 	snop  }
0x3c: {  	p2 =	seq.s32 s10, $0x1;
	s10 =	sld [smem:$0x3FB4]  }
0x3d: {  	_ =	shalt  }
0x3e: {  	_ =	shalt  }
0x3f: {  	_ =	shalt  }
0x40: {  	_ =	shalt  }
0x41: {  	_ =	shalt  }
0x42: {  	_ =	shalt  }
0x43: {  	_ =	shalt  }
0x44: {  	_ =	shalt  }
0x45: {  	_ =	shalt  }
0x46: {  	_ =	shalt  }
0x47: {  	_ =	shalt  }
0x48: {  	_ =	shalt  }
0x49: {  	_ =	shalt  }
0x4a: {  	_ =	shalt  }
0x4b: {  	_ =	shalt  }
0x4c: {  	_ =	shalt  }
0x4d: {  	_ =	shalt  }
0x4e: {  	_ =	shalt  }
0x4f: {  	_ =	shalt  }
0x50: {  	_ =	shalt  }
0x51: {  	_ =	shalt  }
0x52: {  	_ =	shalt  }
0x53: {  	_ =	shalt  }
0x54: {  	_ =	shalt  }
0x55: {  	_ =	shalt  }
0x56: {  	_ =	shalt  }
0x57: {  	_ =	shalt  }
0x58: {  	_ =	shalt  }
0x59: {  	_ =	shalt  }
0x5a: {  	_ =	shalt  }
0x5b: {  	_ =	shalt  }
0x5c: {  	_ =	shalt  }
0x5d: {  	_ =	shalt  }
0x5e: {  	_ =	shalt  }
0x5f: {  	_ =	shalt  }
0x60: {  	_ =	shalt  }
0x61: {  	_ =	shalt  }
0x62: {  	_ =	shalt  }
0x63: {  	_ =	shalt  }
0x64: {  	_ =	shalt  }
0x65: {  	_ =	shalt  }
0x66: {  	_ =	shalt  }
0x67: {  	_ =	shalt  }
0x68: {  	_ =	shalt  }
0x69: {  	_ =	shalt  }
0x6a: {  	_ =	shalt  }
0x6b: {  	_ =	shalt  }
0x6c: {  	_ =	shalt  }
0x6d: {  	_ =	shalt  }
0x6e: {  	_ =	shalt  }
0x6f: {  	_ =	shalt  }
0x70: {  	_ =	shalt  }
0x71: {  	_ =	shalt  }
0x72: {  	_ =	shalt  }
0x73: {  	_ =	shalt  }
0x74: {  	_ =	shalt  }
0x75: {  	_ =	shalt  }
0x76: {  	_ =	shalt  }
0x77: {  	_ =	shalt  }
0x78: {  	_ =	shalt  }
0x79: {  	_ =	shalt  }
0x7a: {  	_ =	shalt  }
0x7b: {  	_ =	shalt  }
0x7c: {  	_ =	shalt  }
0x7d: {  	_ =	shalt  }
0x7e: {  	_ =	shalt  }
0x7f: {  	_ =	shalt  }
0x80: {  	_ =	shalt  }
0x81: {  	_ =	shalt  }
0x82: {  	_ =	shalt  }
0x83: {  	_ =	shalt  }
0x84: {  	_ =	shalt  }
0x85: {  	_ =	shalt  }
0x86: {  	_ =	shalt  }
0x87: {  	_ =	shalt  }
.Lfunc_end0:
.L_simem_size_0:
called_computation_lowered:
.L_overlay_start_0:
0x88: {  	s2 =	sld [smem:$0x3FD9]  }
0x89: {  	s3 =	sld [smem:$0x3FFE];
	_ =	sdelay $0x1  }
0x8a: {  	s1 =	srdreg.scid  }
0x8b: {  	s0 =	sand.u32 $0x1, s1  }
0x8c: {  	s17 =	sshll.u32 s0, $0xA;
	s2 =	sadd.s32 s3, s2  }
0x8d: {  	s2 =	sadd.s32 s2, s17  }
0x8e: {  	[smem:$0x3FC0] =	sst s2  }
0x8f: {  	_ = 	snop  }
0x90: {  	s2 =	sld [smem:$0x3FC6]  }
0x91: {  	s18 =	sld [smem:$0x3FD0];
	(tm) =	ssettm $0x1  }
0x92: {  	s4 =	sld [smem:$0x3FFB];
	_ =	sdelay $0x3  }
0x93: {  	_ =	strace s4  }
0x94: {  	s4 =	sld [smem:$0x3FFC];
	_ =	sdelay $0x3  }
0x95: {  	_ =	strace s4  }
0x96: {  	s4 =	sld [smem:$0x3FFD];
	_ =	sdelay $0x3  }
0x97: {  	_ =	strace s4  }
0x98: {  	_ =	strace $0x8FFFFFFF  }
0x99: {  	s19 =	sld [smem:$0x3FDB];
	_ =	sdelay $0x1  }
0x9a: {  	s5 =	simm.s32 $_scs_section_size  }
0x9b: {  	s6 =	simm.s32 $_size__tile_overlayer_lowered;
	s7 =	simm.s32 $_tile_overlayer_lowered  }
0x9c: {  	s22 =	simm.s32 $0x1BFF;
	s21 =	sshll.u32 s7, $0x1;
	s4 =	sadd.s32 s5, s19  }
0x9d: {  	s8 =	simm.s32 $0x0;
	s20 =	sshll.u32 s6, $0x1;
	s6 =	sadd.s32 s21, s4  }
0x9e: {  	[timem:s8], [sflag:s22] =	dma.local [hbm:s6], s20  }
0x9f: {  	_ =	swait.ge [sflag:s22], s20  }
0xa0: {  	s5 =	ssub.s32 $0x0, s20;
	[sflag:s22] =	ssyncset.done $0x0  }
0xa1: {  	[sflag:s22] =	ssyncadd.s32 s5;
	_ =	sdelay $0x1  }
0xa2: {  	s23 =	simm.s32 $0x1B8B  }
0xa3: {  	_ =	swait.ge [sflag:s23], $0x1  }
0xa4: {  	[sflag:s23] =	ssyncset.done $0x0  }
0xa5: {  	s25 =	simm.s32 $0x1B8E;
	s24 =	sld [smem:$0x3FFE];
	[sflag:s23] =	ssyncadd.s32 $0xFFFFFFFF  }
0xa6: {  	s26 =	simm.s32 $execute0_lowered;
	[smem:$0x3FD2] =	sst s25  }
0xa7: {  	s6 =	sshll.u32 s26, $0x1;
	_ =	strace $0x80000046;
	[dreg:$0x1] =	wrdreg $0xFFFFFFFF  }
0xa8: {  	s28 =	simm.s32 $_size_execute0_lowered;
	s4 =	sadd.s32 s4, s6;
	[dreg:$0x0] =	wrdreg $0x0  }
0xa9: {  	s6 =	sshll.u32 s28, $0x1;
	[dreg:$0x2] =	wrdreg s4  }
0xaa: {  	[dreg:$0x3] =	wrdreg s6  }
0xab: {  	[dreg:$0x4] =	wrdreg $0xC0  }
0xac: {  	_ =	task [dreg:s8], $0x5FFFF  }
0xad: {  	[dreg:$0x1] =	wrdreg $0xFFFFFFFF  }
0xae: {  	[dreg:$0x0] =	wrdreg $0x60  }
0xaf: {  	[dreg:$0x2] =	wrdreg s2  }
0xb0: {  	[dreg:$0x3] =	wrdreg s24  }
0xb1: {  	[dreg:$0x4] =	wrdreg s18  }
0xb2: {  	[dreg:$0x5] =	wrdreg $0x9  }
0xb3: {  	_ =	task.clear_ibuf [dreg:s8], $0x6FFFF;
	_ =	strace $0x90000046  }
0xb4: {  	s29 =	simm.s32 $0x9;
	_ =	strace $0x80000048  }
0xb5: {  	_ =	swait.ge [sflag:s29], $0x1  }
0xb6: {  	[sflag:s29] =	ssyncadd.s32 $0xFFFFFFFF  }
0xb7: {  	_ =	strace $0x90000048  }
0xb8: {  	_ =	sfence  }
0xb9: {  	s30 =	sld [smem:$0x0];
	_ =	sdelay $0x2  }
0xba: {  	s31 =	sshll.u32 s1, $0xD;
	s1 =	sshrl.u32 s1, $0x2  }
0xbb: {  	s3 =	sand.u32 $0x4000, s31;
	s1 =	sadd.s32 s1, s30  }
0xbc: {  	s0 =	sor.u32 s3, s0;
	s1 =	sshll.u32 s1, $0x11  }
0xbd: {  	s0 =	sor.u32 s1, s0  }
0xbe: {  	s0 =	sadd.s32 $0x8F2B, s0  }
0xbf: {  	[sflag:s0] =	ssyncadd.remote.s32 $0x1  }
0xc0: {  	_ =	sfence.sel $0xFFFF  }
0xc1: {  	[dreg:$0x0] =	wrdreg $0xFFFFFFFF;
	(pc) =	sbr.abs _section_cstart, $3  }
0xc2: {  	[dreg:$0x1] =	wrdreg $0xFFFFFFFF  }
0xc3: {  	_ =	task.clear_ibuf [dreg:s8], $0x2FFFF;
	_ =	strace $0x9FFFFFFF  }
0xc4: {  	(tm) =	ssettm $0x7FFFFFFF  }
0xc5: {  	_ =	shalt  }
tec
execute0_lowered:
.L_overlay_start_1:
0x0: {  	(tag) =	ssettag $0x1  }
0x1: {  	s2 =	rddreg [dreg:$0x0]  }
0x2: {  	s3 =	rddreg [dreg:$0x1]  }
0x3: {  	s0 =	rddreg [dreg:$0x2]  }
0x4: {  	s1 =	simm.s32 $0x0;
	s4 =	srdreg.scid;
	s10 =	stileid.u32  }
0x5: {  	s28 =	simm.s32 $0x1;
	s29 =	simm.s32 $0x2;
	s30 =	simm.s32 $0x4  }
0x6: {  	s31 =	simm.s32 $0x3;
	[smem:$0x7FF] =	sst s1;
	s4 =	sand.u32 $0x1, s4  }
0x7: {  	s6 =	sadd.s32 $0x3C00, s3;
	s7 =	sadd.s32 $0x1C00, s3;
	s3 =	sadd.s32 $0x1A00, s3  }
0x8: {  	s26 =	sshll.u32 s10, $0xC;
	s11 =	sshll.u32 s10, $0xA;
	s14 =	sshll.u32 s10, $0x6  }
0x9: {  	_ =	strace $0x80000047;
	s5 =	ssub.s32 $0x2, s4;
	s4 =	sshll.u32 s4, $0x9  }
0xa: {  	[dreg:$0x4] =	wrdreg s3;
	s8 =	sshrl.u32 s5, $0x1;
	s12 =	sor.u32 s4, s26  }
0xb: {  	s9 =	sor.u32 s4, s11;
	s3 =	ssub.s32 s5, s8;
	s8 =	sshrl.u32 s12, $0x3  }
0xc: {  	s25 =	sand.u32 $0x200, s14;
	s9 =	sshrl.u32 s9, $0x3;
	s8 =	sadd.s32 s7, s8  }
0xd: {  	s12 =	sor.u32 $0x80, s4;
	s13 =	sadd.s32 s6, s9;
	[dreg:$0x5] =	wrdreg s8  }
0xe: {  	s15 =	sor.u32 s26, s12;
	s16 =	sor.u32 s11, s12;
	[dreg:$0x6] =	wrdreg s13  }
0xf: {  	s8 =	sshrl.u32 s15, $0x3;
	s15 =	sor.u32 $0x100, s4;
	s17 =	sshrl.u32 s16, $0x3  }
0x10: {  	s16 =	sor.u32 $0x180, s4;
	s8 =	sadd.s32 s7, s8;
	s18 =	sor.u32 s26, s15  }
0x11: {  	s20 =	sor.u32 s11, s15;
	s5 =	sor.u32 s26, s16;
	s21 =	sor.u32 s11, s16  }
0x12: {  	[dreg:$0x7] =	wrdreg s8;
	s8 =	sadd.s32 s6, s17;
	s19 =	sshrl.u32 s18, $0x3  }
0x13: {  	s9 =	sshrl.u32 s20, $0x3;
	s5 =	sshrl.u32 s5, $0x3;
	s17 =	smul.u32 $0x3E800, s10  }
0x14: {  	[dreg:$0x8] =	wrdreg s8;
	s8 =	sadd.s32 s7, s19;
	s9 =	sadd.s32 s6, s9  }
0x15: {  	s10 =	sadd.s32 s7, s5;
	s5 =	sshrl.u32 s21, $0x3;
	s21 =	smax.u32 s3, $0x1  }
0x16: {  	s3 =	simm.s32 $0x0;
	[dreg:$0x9] =	wrdreg s8;
	s4 =	sor.u32 s4, s17  }
0x17: {  	s22 =	sor.u32 s17, s12;
	s11 =	sadd.s32 s6, s5;
	s24 =	sor.u32 s17, s15  }
0x18: {  	s16 =	sor.u32 s17, s16;
	s15 =	sor.u32 $0x18100, s25;
	s25 =	simm.s32 $0xFA00  }
0x19: {  	s4 =	sshrl.u32 s4, $0x3;
	s23 =	sshrl.u32 s22, $0x3;
	s6 =	sshrl.u32 s24, $0x3  }
0x1a: {  	s26 =	sshrl.u32 s16, $0x3;
	s22 =	simm.s32 $0x80;
	s24 =	simm.s32 $0x7D00  }
0x1b: {  	s12 =	sadd.s32 s2, s4;
	s13 =	sadd.s32 s2, s23;
	s14 =	sadd.s32 s2, s6  }
0x1c: {  	s16 =	sadd.s32 s0, s4;
	s17 =	sadd.s32 s2, s26;
	s18 =	sadd.s32 s0, s23  }
0x1d: {  	s19 =	sadd.s32 s0, s6;
	s20 =	sadd.s32 s0, s26;
	s23 =	simm.s32 $0x400  }
0x1e: {  	s26 =	simm.s32 $0x7;
	s0 =	simm.s32 $0x5;
	s2 =	simm.s32 $0x6  }
.LBB2_1:
0x1f: {  	s4 =	rddreg [dreg:$0x5];
	s5 =	simm.s32 $0x17700  }
0x20: {  	[tilespmem:s5], [sflag:$0x7] =	stream.strided.gather [hbm4b:s4+s22], $0x200, s23, s22, $0x38;
	[tilespmem:$0x18900] =	vst v63  }
0x21: {  	s7 =	rddreg [dreg:$0x6];
	s8 =	simm.s32 $0x17F00  }
0x22: {  	[tilespmem:s8], [sflag:$0x7] =	stream.linear.gather [hbm4b:s7+s1], $0x80, $0x38;
	[tilespmem:$0x18900] =	vst v63  }
0x23: {  	s6 =	simm.s32 $0x17900;
	s5 =	rddreg [dreg:$0x7]  }
0x24: {  	[tilespmem:s6], [sflag:$0x7] =	stream.strided.gather [hbm4b:s5+s22], $0x200, s23, s22, $0x38;
	[tilespmem:$0x18900] =	vst v63  }
0x25: {  	s7 =	rddreg [dreg:$0x8];
	s8 =	simm.s32 $0x17F80  }
0x26: {  	[tilespmem:s8], [sflag:$0x7] =	stream.linear.gather [hbm4b:s7+s1], $0x80, $0x38;
	[tilespmem:$0x18900] =	vst v63  }
0x27: {  	s6 =	rddreg [dreg:$0x9];
	s7 =	simm.s32 $0x17B00  }
0x28: {  	[tilespmem:s7], [sflag:$0x7] =	stream.strided.gather [hbm4b:s6+s22], $0x200, s23, s22, $0x38;
	[tilespmem:$0x18900] =	vst v63  }
0x29: {  	s8 =	simm.s32 $0x18000  }
0x2a: {  	[tilespmem:s8], [sflag:$0x7] =	stream.linear.gather [hbm4b:s9+s1], $0x80, $0x38;
	[tilespmem:$0x18900] =	vst v63  }
0x2b: {  	s5 =	simm.s32 $0x17D00  }
0x2c: {  	[tilespmem:s5], [sflag:$0x7] =	stream.strided.gather [hbm4b:s10+s22], $0x200, s23, s22, $0x38;
	[tilespmem:$0x18900] =	vst v63  }
0x2d: {  	s6 =	simm.s32 $0x18080  }
0x2e: {  	[tilespmem:s6], [sflag:$0x7] =	stream.linear.gather [hbm4b:s11+s1], $0x80, $0x38;
	[tilespmem:$0x18900] =	vst v63  }
0x2f: {  	s7 =	rddreg [dreg:$0x4];
	s8 =	simm.s32 $0x18100  }
0x30: {  	[tilespmem:s8], [sflag:$0x7] =	stream.linear.gather [hbm4b:s7+s1], $0x800, $0x38;
	[tilespmem:$0x18900] =	vst v63  }
0x31: {  	_ = 	snop  }
0x32: {  	[tilespmem:s1], [sflag:$0x1] =	stream.strided.gather [hbm4b:s12+s22], $0x7D00, s23, s22, $0x38;
	[tilespmem:$0x18900] =	vst v63  }
0x33: {  	_ = 	snop  }
0x34: {  	[tilespmem:s24], [sflag:$0x2] =	stream.strided.gather [hbm4b:s13+s22], $0x7D00, s23, s22, $0x38;
	[tilespmem:$0x18900] =	vst v63  }
0x35: {  	_ = 	snop  }
0x36: {  	[tilespmem:s25], [sflag:$0x3] =	stream.strided.gather [hbm4b:s14+s22], $0x7D00, s23, s22, $0x38;
	[tilespmem:$0x18900] =	vst v63  }
0x37: {  	_ =	swait.ge [sflag:s26], $0x200  }
0x38: {  	[sflag:s26] =	ssyncset.done $0x0  }
0x39: {  	[sflag:s26] =	ssyncadd.s32 $0xFFFFFE00  }
0x3a: {  	_ =	swait.ge [sflag:s26], $0x80  }
0x3b: {  	[sflag:s26] =	ssyncset.done $0x0  }
0x3c: {  	[sflag:s26] =	ssyncadd.s32 $0xFFFFFF80  }
0x3d: {  	_ =	swait.ge [sflag:s26], $0x200  }
0x3e: {  	[sflag:s26] =	ssyncset.done $0x0  }
0x3f: {  	[sflag:s26] =	ssyncadd.s32 $0xFFFFFE00  }
0x40: {  	_ =	swait.ge [sflag:s26], $0x80  }
0x41: {  	[sflag:s26] =	ssyncset.done $0x0  }
0x42: {  	[sflag:s26] =	ssyncadd.s32 $0xFFFFFF80  }
0x43: {  	_ =	swait.ge [sflag:s26], $0x200  }
0x44: {  	[sflag:s26] =	ssyncset.done $0x0  }
0x45: {  	[sflag:s26] =	ssyncadd.s32 $0xFFFFFE00  }
0x46: {  	_ =	swait.ge [sflag:s26], $0x80  }
0x47: {  	[sflag:s26] =	ssyncset.done $0x0  }
0x48: {  	[sflag:s26] =	ssyncadd.s32 $0xFFFFFF80  }
0x49: {  	_ =	swait.ge [sflag:s26], $0x200  }
0x4a: {  	[sflag:s26] =	ssyncset.done $0x0  }
0x4b: {  	[sflag:s26] =	ssyncadd.s32 $0xFFFFFE00  }
0x4c: {  	_ =	swait.ge [sflag:s26], $0x80  }
0x4d: {  	[sflag:s26] =	ssyncset.done $0x0  }
0x4e: {  	[sflag:s26] =	ssyncadd.s32 $0xFFFFFF80  }
0x4f: {  	_ =	swait.ge [sflag:s26], $0x800  }
0x50: {  	[sflag:s26] =	ssyncset.done $0x0  }
0x51: {  	[sflag:s26] =	ssyncadd.s32 $0xFFFFF800  }
0x52: {  	_ =	swait.ge [sflag:s28], $0x7D00  }
0x53: {  	[sflag:s28] =	ssyncset.done $0x0  }
0x54: {  	[sflag:s28] =	ssyncadd.s32 $0xFFFF8300  }
0x55: {  	s4 =	simm.s32 $0x0;
	v0 =	vld [tilespmem:$0x17F00]  }
0x56: {  	v4 =	vld [tilespmem:s4+$0x0]  }
0x57: {  	v6 =	vld [tilespmem:s4+$0x10]  }
0x58: {  	v5 =	vld [tilespmem:s4+$0x20]  }
0x59: {  	v3 =	vld [tilespmem:s4+$0x30]  }
0x5a: {  	v1 =	vld [tilespmem:s4+$0x40]  }
0x5b: {  	v2 =	vld [tilespmem:s4+$0x50];
	v7 =	vmul.f32 v4, v0  }
0x5c: {  	s5 =	simm.s32 $0x200;
	v6 =	vmul.f32 v6, v0;
	v4 =	vld [tilespmem:s4+$0x60]  }
.LBB2_2:
0x5d: {  	s6 =	sshra.s32 s5, $0x2;
	p0 =	sne.s32 s5, $0x1F200;
	[tilespmem:s4+$0x0] =	vst v7;
	v5 =	vmul.f32 v5, v0;
	v7 =	vld [tilespmem:s4+$0x70]  }
0x5e: {  	v8 =	vld [tilespmem:s6+$0x0];
	[tilespmem:s4+$0x10] =	vst v6;
	v3 =	vmul.f32 v3, v0  }
0x5f: {  	v6 =	vld [tilespmem:s6+$0x10];
	[tilespmem:s4+$0x20] =	vst v5;
	v1 =	vmul.f32 v1, v0  }
.Ltmp0:
0x60: {  	v5 =	vld [tilespmem:s6+$0x20];
	[tilespmem:s4+$0x30] =	vst v3;
	v2 =	vmul.f32 v2, v0;
	(pc) =	sbr.rel @p0 .LBB2_2-.Ltmp0, $4  }
0x61: {  	v3 =	vld [tilespmem:s6+$0x30];
	[tilespmem:s4+$0x40] =	vst v1;
	v4 =	vmul.f32 v4, v0  }
0x62: {  	v1 =	vld [tilespmem:s6+$0x40];
	[tilespmem:s4+$0x50] =	vst v2;
	v9 =	vmul.f32 v7, v0  }
0x63: {  	v7 =	vmul.f32 v8, v0;
	v2 =	vld [tilespmem:s6+$0x50];
	[tilespmem:s4+$0x60] =	vst v4  }
0x64: {  	s5 =	sadd.s32 $0x200, s5;
	v6 =	vmul.f32 v6, v0;
	v4 =	vld [tilespmem:s6+$0x60];
	[tilespmem:s4+$0x70] =	vst v9;
	s4 =	smov.u32 s6  }
0x65: {  	[tilespmem:s4+$0x0] =	vst v7;
	v5 =	vmul.f32 v5, v0;
	v63 =	vld [tilespmem:s4+$0x70]  }
0x66: {  	[tilespmem:s4+$0x10] =	vst v6;
	v3 =	vmul.f32 v3, v0  }
0x67: {  	[tilespmem:s4+$0x20] =	vst v5;
	v1 =	vmul.f32 v1, v0  }
0x68: {  	[tilespmem:s4+$0x30] =	vst v3;
	v2 =	vmul.f32 v2, v0  }
0x69: {  	s5 =	simm.s32 $0x0;
	[tilespmem:s4+$0x40] =	vst v1;
	v1 =	vmul.f32 v4, v0  }
0x6a: {  	s6 =	sand.u32 $0x180, s5;
	[tilespmem:s4+$0x50] =	vst v2;
	v0 =	vmul.f32 v63, v0  }
0x6b: {  	s5 =	sand.u32 $0x70, s5;
	s6 =	sadd.s32 s6, s15;
	[tilespmem:s4+$0x60] =	vst v1  }
0x6c: {  	s6 =	sadd.s32 s5, s6;
	[tilespmem:s4+$0x70] =	vst v0  }
0x6d: {  	v0 =	vld [tilespmem:s6+$0x0];
	_ =	sdelay $0x1  }
0x6e: {  	s4 =	simm.s32 $0x17700  }
0x6f: {  	v1 =	vld [tilespmem:s4+$0x0];
	_ =	sdelay $0x1  }
0x70: {  	s5 =	simm.s32 $0x10  }
0x71: {  	s7 =	sand.u32 $0x180, s5;
	s6 =	simm.s32 $0x20  }
.LBB2_4:
0x72: {  	p0 =	sne.s32 s6, $0x1F0;
	s5 =	sand.u32 $0x70, s5;
	s7 =	sadd.s32 s7, s15  }
0x73: {  	s7 =	sadd.s32 s5, s7;
	[tilespmem:v0+s1+$0x0] =	vst.idx.add.f32.msk $0xffff, v1;
	s5 =	smov.u32 s6  }
0x74: {  	v0 =	vld [tilespmem:s7+$0x0];
	_ =	sdelay $0x1  }
.Ltmp1:
0x75: {  	s4 =	sadd.s32 $0x10, s4;
	(pc) =	sbr.rel @p0 .LBB2_4-.Ltmp1, $2  }
0x76: {  	v1 =	vld [tilespmem:s4+$0x0];
	_ =	sdelay $0x2  }
0x77: {  	s6 =	sadd.s32 $0x10, s6;
	s7 =	sand.u32 $0x180, s5  }
0x78: {  	_ =	sdelay $0x2  }
0x79: {  	s5 =	sand.u32 $0x70, s5;
	s6 =	sadd.s32 s7, s15  }
0x7a: {  	s5 =	sadd.s32 s5, s6;
	[tilespmem:v0+s1+$0x0] =	vst.idx.add.f32.msk $0xffff, v1  }
0x7b: {  	v0 =	vld [tilespmem:s5+$0x0];
	_ =	sdelay $0x1  }
0x7c: {  	s4 =	sadd.s32 $0x10, s4  }
0x7d: {  	v1 =	vld [tilespmem:s4+$0x0];
	_ =	sdelay $0x4  }
0x7e: {  	[tilespmem:v0+s1+$0x0] =	vst.idx.add.f32.msk $0xffff, v1  }
0x7f: {  	_ =	swait.ge [sflag:s29], $0x7D00  }
0x80: {  	[sflag:s29] =	ssyncset.done $0x0  }
0x81: {  	[sflag:s29] =	ssyncadd.s32 $0xFFFF8300  }
0x82: {  	s4 =	simm.s32 $0x0;
	v0 =	vld [tilespmem:$0x17F80]  }
0x83: {  	v4 =	vld [tilespmem:s4+$0x7D00]  }
0x84: {  	v6 =	vld [tilespmem:s4+$0x7D10]  }
0x85: {  	v5 =	vld [tilespmem:s4+$0x7D20]  }
0x86: {  	v3 =	vld [tilespmem:s4+$0x7D30]  }
0x87: {  	v1 =	vld [tilespmem:s4+$0x7D40]  }
0x88: {  	v2 =	vld [tilespmem:s4+$0x7D50];
	v7 =	vmul.f32 v4, v0  }
0x89: {  	s5 =	simm.s32 $0x200;
	v6 =	vmul.f32 v6, v0;
	v4 =	vld [tilespmem:s4+$0x7D60]  }
.LBB2_6:
0x8a: {  	s6 =	sshra.s32 s5, $0x2;
	p0 =	sne.s32 s5, $0x1F200;
	[tilespmem:s4+$0x7D00] =	vst v7;
	v5 =	vmul.f32 v5, v0;
	v7 =	vld [tilespmem:s4+$0x7D70]  }
0x8b: {  	v8 =	vld [tilespmem:s6+$0x7D00];
	[tilespmem:s4+$0x7D10] =	vst v6;
	v3 =	vmul.f32 v3, v0  }
0x8c: {  	v6 =	vld [tilespmem:s6+$0x7D10];
	[tilespmem:s4+$0x7D20] =	vst v5;
	v1 =	vmul.f32 v1, v0  }
.Ltmp2:
0x8d: {  	v5 =	vld [tilespmem:s6+$0x7D20];
	[tilespmem:s4+$0x7D30] =	vst v3;
	v2 =	vmul.f32 v2, v0;
	(pc) =	sbr.rel @p0 .LBB2_6-.Ltmp2, $4  }
0x8e: {  	v3 =	vld [tilespmem:s6+$0x7D30];
	[tilespmem:s4+$0x7D40] =	vst v1;
	v4 =	vmul.f32 v4, v0  }
0x8f: {  	v1 =	vld [tilespmem:s6+$0x7D40];
	[tilespmem:s4+$0x7D50] =	vst v2;
	v9 =	vmul.f32 v7, v0  }
0x90: {  	v7 =	vmul.f32 v8, v0;
	v2 =	vld [tilespmem:s6+$0x7D50];
	[tilespmem:s4+$0x7D60] =	vst v4  }
0x91: {  	s5 =	sadd.s32 $0x200, s5;
	v6 =	vmul.f32 v6, v0;
	v4 =	vld [tilespmem:s6+$0x7D60];
	[tilespmem:s4+$0x7D70] =	vst v9;
	s4 =	smov.u32 s6  }
0x92: {  	[tilespmem:s4+$0x7D00] =	vst v7;
	v5 =	vmul.f32 v5, v0;
	v63 =	vld [tilespmem:s4+$0x7D70]  }
0x93: {  	[tilespmem:s4+$0x7D10] =	vst v6;
	v3 =	vmul.f32 v3, v0  }
0x94: {  	[tilespmem:s4+$0x7D20] =	vst v5;
	v1 =	vmul.f32 v1, v0  }
0x95: {  	[tilespmem:s4+$0x7D30] =	vst v3;
	v2 =	vmul.f32 v2, v0  }
0x96: {  	[tilespmem:s4+$0x7D40] =	vst v1;
	v1 =	vmul.f32 v4, v0  }
0x97: {  	[tilespmem:s4+$0x7D50] =	vst v2;
	v0 =	vmul.f32 v63, v0  }
0x98: {  	[tilespmem:s4+$0x7D60] =	vst v1  }
0x99: {  	s7 =	simm.s32 $0x0;
	[tilespmem:s4+$0x7D70] =	vst v0  }
0x9a: {  	[hbm4b:s16+s22] =	stream.strided.scatter [tilespmem:s7], [sflag:$0x4], $0x7D00, s23, s22, $0x38;
	[tilespmem:$0x18900] =	vst v63  }
0x9b: {  	_ =	swait.ge [sflag:s30], $0x7D00  }
0x9c: {  	s5 =	sand.u32 $0x180, s7;
	[sflag:s30] =	ssyncset.done $0x0  }
0x9d: {  	s6 =	sand.u32 $0x70, s7;
	s8 =	sadd.s32 s5, s15;
	[sflag:s30] =	ssyncadd.s32 $0xFFFF8300  }
0x9e: {  	[tilespmem:s7], [sflag:$0x1] =	stream.strided.gather [hbm4b:s17+s22], $0x7D00, s23, s22, $0x38;
	[tilespmem:$0x18900] =	vst v63  }
0x9f: {  	s7 =	sadd.s32 s6, s8  }
0xa0: {  	v0 =	vld [tilespmem:s7+$0x0];
	_ =	sdelay $0x1  }
0xa1: {  	s5 =	sor.u32 s6, s5  }
0xa2: {  	v1 =	vld [tilespmem:s5+$0x17900];
	_ =	sdelay $0x1  }
0xa3: {  	s4 =	simm.s32 $0x10  }
0xa4: {  	s6 =	simm.s32 $0x20;
	s5 =	sand.u32 $0x180, s4  }
.LBB2_8:
0xa5: {  	p0 =	sne.s32 s6, $0x1F0;
	s7 =	sand.u32 $0x70, s4;
	s4 =	sadd.s32 s5, s15  }
0xa6: {  	s8 =	sadd.s32 s7, s4;
	[tilespmem:v0+s24+$0x0] =	vst.idx.add.f32.msk $0xffff, v1;
	s4 =	smov.u32 s6  }
0xa7: {  	v0 =	vld [tilespmem:s8+$0x0];
	_ =	sdelay $0x1  }
.Ltmp3:
0xa8: {  	s5 =	sor.u32 s7, s5;
	(pc) =	sbr.rel @p0 .LBB2_8-.Ltmp3, $2  }
0xa9: {  	v1 =	vld [tilespmem:s5+$0x17900];
	_ =	sdelay $0x2  }
0xaa: {  	s6 =	sadd.s32 $0x10, s6;
	s5 =	sand.u32 $0x180, s4  }
0xab: {  	_ =	sdelay $0x2  }
0xac: {  	s4 =	sand.u32 $0x70, s4;
	s6 =	sadd.s32 s5, s15  }
0xad: {  	s6 =	sadd.s32 s4, s6;
	[tilespmem:v0+s24+$0x0] =	vst.idx.add.f32.msk $0xffff, v1  }
0xae: {  	v0 =	vld [tilespmem:s6+$0x0];
	_ =	sdelay $0x1  }
0xaf: {  	s4 =	sor.u32 s4, s5  }
0xb0: {  	v1 =	vld [tilespmem:s4+$0x17900];
	_ =	sdelay $0x4  }
0xb1: {  	[tilespmem:v0+s24+$0x0] =	vst.idx.add.f32.msk $0xffff, v1  }
0xb2: {  	_ =	swait.ge [sflag:s31], $0x7D00  }
0xb3: {  	[sflag:s31] =	ssyncset.done $0x0  }
0xb4: {  	[sflag:s31] =	ssyncadd.s32 $0xFFFF8300  }
0xb5: {  	s4 =	simm.s32 $0x0;
	v0 =	vld [tilespmem:$0x18000]  }
0xb6: {  	v4 =	vld [tilespmem:s4+$0xFA00]  }
0xb7: {  	v6 =	vld [tilespmem:s4+$0xFA10]  }
0xb8: {  	v5 =	vld [tilespmem:s4+$0xFA20]  }
0xb9: {  	v3 =	vld [tilespmem:s4+$0xFA30]  }
0xba: {  	v1 =	vld [tilespmem:s4+$0xFA40]  }
0xbb: {  	v2 =	vld [tilespmem:s4+$0xFA50];
	v7 =	vmul.f32 v4, v0  }
0xbc: {  	s5 =	simm.s32 $0x200;
	v6 =	vmul.f32 v6, v0;
	v4 =	vld [tilespmem:s4+$0xFA60]  }
.LBB2_10:
0xbd: {  	s6 =	sshra.s32 s5, $0x2;
	p0 =	sne.s32 s5, $0x1F200;
	[tilespmem:s4+$0xFA00] =	vst v7;
	v5 =	vmul.f32 v5, v0;
	v7 =	vld [tilespmem:s4+$0xFA70]  }
0xbe: {  	v8 =	vld [tilespmem:s6+$0xFA00];
	[tilespmem:s4+$0xFA10] =	vst v6;
	v3 =	vmul.f32 v3, v0  }
0xbf: {  	v6 =	vld [tilespmem:s6+$0xFA10];
	[tilespmem:s4+$0xFA20] =	vst v5;
	v1 =	vmul.f32 v1, v0  }
.Ltmp4:
0xc0: {  	v5 =	vld [tilespmem:s6+$0xFA20];
	[tilespmem:s4+$0xFA30] =	vst v3;
	v2 =	vmul.f32 v2, v0;
	(pc) =	sbr.rel @p0 .LBB2_10-.Ltmp4, $4  }
0xc1: {  	v3 =	vld [tilespmem:s6+$0xFA30];
	[tilespmem:s4+$0xFA40] =	vst v1;
	v4 =	vmul.f32 v4, v0  }
0xc2: {  	v1 =	vld [tilespmem:s6+$0xFA40];
	[tilespmem:s4+$0xFA50] =	vst v2;
	v9 =	vmul.f32 v7, v0  }
0xc3: {  	v7 =	vmul.f32 v8, v0;
	v2 =	vld [tilespmem:s6+$0xFA50];
	[tilespmem:s4+$0xFA60] =	vst v4  }
0xc4: {  	s5 =	sadd.s32 $0x200, s5;
	v6 =	vmul.f32 v6, v0;
	v4 =	vld [tilespmem:s6+$0xFA60];
	[tilespmem:s4+$0xFA70] =	vst v9;
	s4 =	smov.u32 s6  }
0xc5: {  	[tilespmem:s4+$0xFA00] =	vst v7;
	v5 =	vmul.f32 v5, v0;
	v63 =	vld [tilespmem:s4+$0xFA70]  }
0xc6: {  	[tilespmem:s4+$0xFA10] =	vst v6;
	v3 =	vmul.f32 v3, v0  }
0xc7: {  	[tilespmem:s4+$0xFA20] =	vst v5;
	v1 =	vmul.f32 v1, v0  }
0xc8: {  	[tilespmem:s4+$0xFA30] =	vst v3;
	v2 =	vmul.f32 v2, v0  }
0xc9: {  	s7 =	simm.s32 $0x0;
	[tilespmem:s4+$0xFA40] =	vst v1;
	v1 =	vmul.f32 v4, v0  }
0xca: {  	s5 =	sand.u32 $0x180, s7;
	[tilespmem:s4+$0xFA50] =	vst v2;
	v0 =	vmul.f32 v63, v0  }
0xcb: {  	s6 =	sand.u32 $0x70, s7;
	s8 =	sadd.s32 s5, s15;
	[tilespmem:s4+$0xFA60] =	vst v1  }
0xcc: {  	s7 =	sadd.s32 s6, s8;
	[tilespmem:s4+$0xFA70] =	vst v0  }
0xcd: {  	[hbm4b:s18+s22] =	stream.strided.scatter [tilespmem:s24], [sflag:$0x5], $0x7D00, s23, s22, $0x38;
	[tilespmem:$0x18900] =	vst v63  }
0xce: {  	v0 =	vld [tilespmem:s7+$0x0];
	_ =	sdelay $0x1  }
0xcf: {  	s5 =	sor.u32 s6, s5  }
0xd0: {  	v1 =	vld [tilespmem:s5+$0x17B00];
	_ =	sdelay $0x1  }
0xd1: {  	s4 =	simm.s32 $0x10  }
0xd2: {  	s6 =	simm.s32 $0x20;
	s5 =	sand.u32 $0x180, s4  }
.LBB2_12:
0xd3: {  	p0 =	sne.s32 s6, $0x1F0;
	s7 =	sand.u32 $0x70, s4;
	s4 =	sadd.s32 s5, s15  }
0xd4: {  	s8 =	sadd.s32 s7, s4;
	[tilespmem:v0+s25+$0x0] =	vst.idx.add.f32.msk $0xffff, v1;
	s4 =	smov.u32 s6  }
0xd5: {  	v0 =	vld [tilespmem:s8+$0x0];
	_ =	sdelay $0x1  }
.Ltmp5:
0xd6: {  	s5 =	sor.u32 s7, s5;
	(pc) =	sbr.rel @p0 .LBB2_12-.Ltmp5, $2  }
0xd7: {  	v1 =	vld [tilespmem:s5+$0x17B00];
	_ =	sdelay $0x2  }
0xd8: {  	s6 =	sadd.s32 $0x10, s6;
	s5 =	sand.u32 $0x180, s4  }
0xd9: {  	_ =	sdelay $0x2  }
0xda: {  	s4 =	sand.u32 $0x70, s4;
	s6 =	sadd.s32 s5, s15  }
0xdb: {  	s6 =	sadd.s32 s4, s6;
	[tilespmem:v0+s25+$0x0] =	vst.idx.add.f32.msk $0xffff, v1  }
0xdc: {  	v0 =	vld [tilespmem:s6+$0x0];
	_ =	sdelay $0x1  }
0xdd: {  	s4 =	sor.u32 s4, s5  }
0xde: {  	v1 =	vld [tilespmem:s4+$0x17B00];
	_ =	sdelay $0x4  }
0xdf: {  	[tilespmem:v0+s25+$0x0] =	vst.idx.add.f32.msk $0xffff, v1  }
0xe0: {  	_ =	swait.ge [sflag:s28], $0x7D00  }
0xe1: {  	[sflag:s28] =	ssyncset.done $0x0  }
0xe2: {  	[sflag:s28] =	ssyncadd.s32 $0xFFFF8300  }
0xe3: {  	s4 =	simm.s32 $0x0;
	v0 =	vld [tilespmem:$0x18080]  }
0xe4: {  	v4 =	vld [tilespmem:s4+$0x0]  }
0xe5: {  	v6 =	vld [tilespmem:s4+$0x10]  }
0xe6: {  	v5 =	vld [tilespmem:s4+$0x20]  }
0xe7: {  	v3 =	vld [tilespmem:s4+$0x30]  }
0xe8: {  	v1 =	vld [tilespmem:s4+$0x40]  }
0xe9: {  	v2 =	vld [tilespmem:s4+$0x50];
	v7 =	vmul.f32 v4, v0  }
0xea: {  	s5 =	simm.s32 $0x200;
	v6 =	vmul.f32 v6, v0;
	v4 =	vld [tilespmem:s4+$0x60]  }
.LBB2_14:
0xeb: {  	s6 =	sshra.s32 s5, $0x2;
	p0 =	sne.s32 s5, $0x1F200;
	[tilespmem:s4+$0x0] =	vst v7;
	v5 =	vmul.f32 v5, v0;
	v7 =	vld [tilespmem:s4+$0x70]  }
0xec: {  	v8 =	vld [tilespmem:s6+$0x0];
	[tilespmem:s4+$0x10] =	vst v6;
	v3 =	vmul.f32 v3, v0  }
0xed: {  	v6 =	vld [tilespmem:s6+$0x10];
	[tilespmem:s4+$0x20] =	vst v5;
	v1 =	vmul.f32 v1, v0  }
.Ltmp6:
0xee: {  	v5 =	vld [tilespmem:s6+$0x20];
	[tilespmem:s4+$0x30] =	vst v3;
	v2 =	vmul.f32 v2, v0;
	(pc) =	sbr.rel @p0 .LBB2_14-.Ltmp6, $4  }
0xef: {  	v3 =	vld [tilespmem:s6+$0x30];
	[tilespmem:s4+$0x40] =	vst v1;
	v4 =	vmul.f32 v4, v0  }
0xf0: {  	v1 =	vld [tilespmem:s6+$0x40];
	[tilespmem:s4+$0x50] =	vst v2;
	v9 =	vmul.f32 v7, v0  }
0xf1: {  	v7 =	vmul.f32 v8, v0;
	v2 =	vld [tilespmem:s6+$0x50];
	[tilespmem:s4+$0x60] =	vst v4  }
0xf2: {  	s5 =	sadd.s32 $0x200, s5;
	v6 =	vmul.f32 v6, v0;
	v4 =	vld [tilespmem:s6+$0x60];
	[tilespmem:s4+$0x70] =	vst v9;
	s4 =	smov.u32 s6  }
0xf3: {  	[tilespmem:s4+$0x0] =	vst v7;
	v5 =	vmul.f32 v5, v0;
	v63 =	vld [tilespmem:s4+$0x70]  }
0xf4: {  	[tilespmem:s4+$0x10] =	vst v6;
	v3 =	vmul.f32 v3, v0  }
0xf5: {  	[tilespmem:s4+$0x20] =	vst v5;
	v1 =	vmul.f32 v1, v0  }
0xf6: {  	[tilespmem:s4+$0x30] =	vst v3;
	v2 =	vmul.f32 v2, v0  }
0xf7: {  	s7 =	simm.s32 $0x0;
	[tilespmem:s4+$0x40] =	vst v1;
	v1 =	vmul.f32 v4, v0  }
0xf8: {  	s5 =	sand.u32 $0x180, s7;
	[tilespmem:s4+$0x50] =	vst v2;
	v0 =	vmul.f32 v63, v0  }
0xf9: {  	s6 =	sand.u32 $0x70, s7;
	s8 =	sadd.s32 s5, s15;
	[tilespmem:s4+$0x60] =	vst v1  }
0xfa: {  	s7 =	sadd.s32 s6, s8;
	[tilespmem:s4+$0x70] =	vst v0  }
0xfb: {  	[hbm4b:s19+s22] =	stream.strided.scatter [tilespmem:s25], [sflag:$0x6], $0x7D00, s23, s22, $0x38;
	[tilespmem:$0x18900] =	vst v63  }
0xfc: {  	v0 =	vld [tilespmem:s7+$0x0];
	_ =	sdelay $0x1  }
0xfd: {  	s5 =	sor.u32 s6, s5  }
0xfe: {  	v1 =	vld [tilespmem:s5+$0x17D00];
	_ =	sdelay $0x1  }
0xff: {  	s4 =	simm.s32 $0x10  }
0x100: {  	s6 =	simm.s32 $0x20;
	s5 =	sand.u32 $0x180, s4  }
.LBB2_16:
0x101: {  	p0 =	sne.s32 s6, $0x1F0;
	s7 =	sand.u32 $0x70, s4;
	s4 =	sadd.s32 s5, s15  }
0x102: {  	s8 =	sadd.s32 s7, s4;
	[tilespmem:v0+s1+$0x0] =	vst.idx.add.f32.msk $0xffff, v1;
	s4 =	smov.u32 s6  }
0x103: {  	v0 =	vld [tilespmem:s8+$0x0];
	_ =	sdelay $0x1  }
.Ltmp7:
0x104: {  	s5 =	sor.u32 s7, s5;
	(pc) =	sbr.rel @p0 .LBB2_16-.Ltmp7, $2  }
0x105: {  	v1 =	vld [tilespmem:s5+$0x17D00];
	_ =	sdelay $0x2  }
0x106: {  	s6 =	sadd.s32 $0x10, s6;
	s5 =	sand.u32 $0x180, s4  }
0x107: {  	_ =	sdelay $0x2  }
0x108: {  	s4 =	sand.u32 $0x70, s4;
	s6 =	sadd.s32 s5, s15  }
0x109: {  	s6 =	sadd.s32 s4, s6;
	[tilespmem:v0+s1+$0x0] =	vst.idx.add.f32.msk $0xffff, v1  }
0x10a: {  	v0 =	vld [tilespmem:s6+$0x0];
	_ =	sdelay $0x1  }
0x10b: {  	s4 =	sor.u32 s4, s5  }
0x10c: {  	v1 =	vld [tilespmem:s4+$0x17D00];
	_ =	sdelay $0x4  }
0x10d: {  	[tilespmem:v0+s1+$0x0] =	vst.idx.add.f32.msk $0xffff, v1  }
0x10e: {  	_ =	sdelay $0x7ff  }
0x10f: {  	_ =	sdelay $0x38  }
0x110: {  	[hbm4b:s20+s22] =	stream.strided.scatter [tilespmem:s1], [sflag:$0x4], $0x7D00, s23, s22, $0x38;
	[tilespmem:$0x18900] =	vst v63  }
0x111: {  	_ =	swait.ge [sflag:s0], $0x7D00  }
0x112: {  	[sflag:s0] =	ssyncset.done $0x0  }
0x113: {  	s3 =	sadd.s32 $0x1, s3;
	[sflag:s0] =	ssyncadd.s32 $0xFFFF8300  }
0x114: {  	p0 =	sne.s32 s3, s21;
	_ =	swait.ge [sflag:s2], $0x7D00  }
.Ltmp8:
0x115: {  	[sflag:s2] =	ssyncset.done $0x0;
	(pc) =	sbr.rel @p0 .LBB2_1-.Ltmp8, $4  }
0x116: {  	[sflag:s2] =	ssyncadd.s32 $0xFFFF8300  }
0x117: {  	_ =	swait.ge [sflag:s30], $0x7D00  }
0x118: {  	[sflag:s30] =	ssyncset.done $0x0  }
0x119: {  	[sflag:s30] =	ssyncadd.s32 $0xFFFF8300  }
0x11a: {  	_ =	sfence.sel $0x180000  }
0x11b: {  	[bflag:$0x0] =	sbarrier.arrive $0xFFFF  }
0x11c: {  	_ =	strace $0x90000047  }
0x11d: {  	s0 =	stileid.u32;
	[bflag:$0x2] =	sbarrier.arrive $0xFFFF  }
0x11e: {  	p0 =	sne.s32 s0, $0x0;
	s0 =	rddreg [dreg:$0x3]  }
0x11f: {  	s0 =	sadd.s32 @!p0 $0x100000, s0  }
0x120: {  	[sflag:s0] =	ssyncadd.tile.s32 @!p0 $0x1;
	_ =	shalt  }
.Lfunc_end2:
_tile_overlayer_lowered:
.L_overlay_start_2:
0x121: {  	(tag) =	ssettag $0x2  }
0x122: {  	s0 =	rddreg [dreg:$0x0];
	s2 =	stileid.u32  }
0x123: {  	s1 =	rddreg [dreg:$0x1];
	p0 =	sne.s32 s2, $0x0  }
0x124: {  	s3 =	rddreg [dreg:$0x2];
	[bflag:$0x3] =	sbarrier.arrive $0xFFFF;
	s2 =	simm.s32 @!p0 $0x1C08  }
0x125: {  	[timem:s3], [sflag:s2] =	dma.local @!p0 [hbm:s0], s1  }
0x126: {  	s0 =	simm.s32 @!p0 $0x8  }
0x127: {  	_ =	swait.ge @!p0 [sflag:s0], s1  }
0x128: {  	s1 =	ssub.s32 @!p0 $0x0, s1;
	[sflag:s0] =	ssyncset.done @!p0 $0x0  }
0x129: {  	[sflag:s0] =	ssyncadd.s32 @!p0 s1  }
0x12a: {  	[bflag:$0x3] =	sbarrier.arrive $0xFFFF  }
0x12b: {  	_ =	shalt  }

// kernel: sc_scatter_rows128.3.cloned.1.call-start
scs
__scs_entry_jumppad:
0x0: {  	(pc) =	sbr.rel $0x88, $3  }
0x1: {  	(tag) =	ssettag $0x0;
	lr =	simm.s32 $0x1  }
0x2: {  	[smem:$0x3F99] =	sst lr;
	_ =	strace $0xD0000000  }
0x3: {  	_ = 	snop  }
0x4: {  	_ = 	snop  }
0x5: {  	_ = 	snop  }
0x6: {  	_ = 	snop  }
0x7: {  	_ = 	snop  }
__scs_overlays_trampoline_lowered:
0x8: {  	[smem:$0x3FA8] =	sst s0  }
0x9: {  	[smem:$0x3FA9] =	sst s1  }
0xa: {  	[smem:$0x3FAA] =	sst s2  }
0xb: {  	[smem:$0x3FAB] =	sst s3  }
0xc: {  	[smem:$0x3FAC] =	sst s4  }
0xd: {  	[smem:$0x3FAD] =	sst s5  }
0xe: {  	[smem:$0x3FAE] =	sst s6  }
0xf: {  	[smem:$0x3FAF] =	sst s7  }
0x10: {  	[smem:$0x3FB0] =	sst s8  }
0x11: {  	[smem:$0x3FB1] =	sst s9;
	s0 =	simm.s32 @!p0 $0x0  }
0x12: {  	s1 =	sld [smem:$0x3F97];
	s0 =	simm.s32 @p0 $0x1  }
0x13: {  	[smem:$0x3FB2] =	sst s0;
	s0 =	simm.s32 @!p1 $0x0  }
0x14: {  	s2 =	sld [smem:$0x3F96];
	s0 =	simm.s32 @p1 $0x1  }
0x15: {  	[smem:$0x3FB3] =	sst s0;
	s0 =	simm.s32 @!p2 $0x0  }
0x16: {  	s3 =	sld [smem:$0x3FDB];
	s0 =	simm.s32 @p2 $0x1  }
0x17: {  	s4 =	simm.s32 $0x1BF5;
	[smem:$0x3FB5] =	sst s0  }
0x18: {  	s0 =	sld [smem:$0x3F98];
	_ =	swait.ge [sflag:s4], $0x0  }
0x19: {  	s7 =	sld [smem:$0x3F99]  }
0x1a: {  	s8 =	sadd.s32 $0xFFFFE003, lr  }
0x1b: {  	s9 =	sadd.s32 $0xFFFFFEF7, lr;
	s5 =	simm.s32 $0xFFFFFFFF;
	p2 =	slt.u32 s8, $0xFFFFF086  }
0x1c: {  	p1 =	slt.u32 s9, $0xF7A;
	s5 =	simm.s32 @!p2 $0x0  }
0x1d: {  	s5 =	simm.s32 @p1 $0x1;
	p0 =	seq.s32 s7, s2  }
0x1e: {  	s7 =	smul.u32 @!p0 $0xF7A, s2;
	p2 =	seq.s32 @!p0 s5, $0x0  }
0x1f: {  	s9 =	smul.u32 $0xF7A, s1;
	s8 =	simm.s32 @!p0 $0x1BF5;
	p2 =	por !p2, p0  }
0x20: {  	[sflag:s8] =	ssyncset.s32 @!p0 $0xFFFFF086;
	s6 =	sadd.s32 @!p0 s3, s7;
	s7 =	simm.s32 @!p0 $0x108  }
0x21: {  	s3 =	sadd.s32 s3, s9;
	s6 =	sadd.s32 @!p0 $0x88, s6;
	s7 =	simm.s32 @p2 $0x1082  }
0x22: {  	[simem:s7], [sflag:s8] =	dma.local @!p0 [hbm:s6], $0xF7A  }
0x23: {  	s9 =	sor.u32 $0xD0000000, s2;
	s6 =	simm.s32 $0x108;
	_ =	swait.ge @!p0 [sflag:s8], $0x0  }
0x24: {  	s3 =	sadd.s32 $0x88, s3;
	s6 =	simm.s32 @!p1 $0x1082;
	[sflag:s4] =	ssyncset.s32 $0xFFFFF086  }
0x25: {  	[simem:s6], [sflag:s4] =	dma.local [hbm:s3], $0xF7A  }
0x26: {  	[smem:$0x3F99] =	sst s1;
	(tag) =	ssettag s2;
	_ =	strace s9  }
0x27: {  	s1 =	sld [smem:$0x3FA9]  }
0x28: {  	s2 =	sld [smem:$0x3FAA]  }
0x29: {  	s4 =	sld [smem:$0x3FAC]  }
0x2a: {  	p0 =	seq.s32 s5, $0x0;
	s5 =	sld [smem:$0x3FAD]  }
0x2b: {  	s6 =	sld [smem:$0x3FAE]  }
0x2c: {  	s7 =	sld [smem:$0x3FAF]  }
0x2d: {  	s3 =	simm.s32 $0x108;
	s8 =	sld [smem:$0x3FB0]  }
0x2e: {  	s3 =	simm.s32 @!p0 $0x1082;
	s9 =	sld [smem:$0x3FB1]  }
0x2f: {  	lr =	sadd.s32 s0, s3;
	s0 =	sld [smem:$0x3FA8]  }
0x30: {  	s3 =	sld [smem:$0x3FAB]  }
0x31: {  	[smem:$0x3FB4] =	sst s10  }
0x32: {  	s10 =	sld [smem:$0x3FB2];
	_ =	sdelay $0x3  }
0x33: {  	p0 =	seq.s32 s10, $0x1;
	s10 =	sld [smem:$0x3FB4];
	_ =	sdelay $0x3  }
0x34: {  	[smem:$0x3FB4] =	sst s10  }
0x35: {  	s10 =	sld [smem:$0x3FB3];
	_ =	sdelay $0x3  }
0x36: {  	p1 =	seq.s32 s10, $0x1;
	s10 =	sld [smem:$0x3FB4];
	_ =	sdelay $0x3  }
0x37: {  	[smem:$0x3FB4] =	sst s10  }
0x38: {  	s10 =	sld [smem:$0x3FB5]  }
0x39: {  	_ = 	snop;
	(pc) =	sbr.ind lr, $3  }
0x3a: {  	_ = 	snop  }
0x3b: {  	_ = 	snop  }
0x3c: {  	p2 =	seq.s32 s10, $0x1;
	s10 =	sld [smem:$0x3FB4]  }
0x3d: {  	_ =	shalt  }
0x3e: {  	_ =	shalt  }
0x3f: {  	_ =	shalt  }
0x40: {  	_ =	shalt  }
0x41: {  	_ =	shalt  }
0x42: {  	_ =	shalt  }
0x43: {  	_ =	shalt  }
0x44: {  	_ =	shalt  }
0x45: {  	_ =	shalt  }
0x46: {  	_ =	shalt  }
0x47: {  	_ =	shalt  }
0x48: {  	_ =	shalt  }
0x49: {  	_ =	shalt  }
0x4a: {  	_ =	shalt  }
0x4b: {  	_ =	shalt  }
0x4c: {  	_ =	shalt  }
0x4d: {  	_ =	shalt  }
0x4e: {  	_ =	shalt  }
0x4f: {  	_ =	shalt  }
0x50: {  	_ =	shalt  }
0x51: {  	_ =	shalt  }
0x52: {  	_ =	shalt  }
0x53: {  	_ =	shalt  }
0x54: {  	_ =	shalt  }
0x55: {  	_ =	shalt  }
0x56: {  	_ =	shalt  }
0x57: {  	_ =	shalt  }
0x58: {  	_ =	shalt  }
0x59: {  	_ =	shalt  }
0x5a: {  	_ =	shalt  }
0x5b: {  	_ =	shalt  }
0x5c: {  	_ =	shalt  }
0x5d: {  	_ =	shalt  }
0x5e: {  	_ =	shalt  }
0x5f: {  	_ =	shalt  }
0x60: {  	_ =	shalt  }
0x61: {  	_ =	shalt  }
0x62: {  	_ =	shalt  }
0x63: {  	_ =	shalt  }
0x64: {  	_ =	shalt  }
0x65: {  	_ =	shalt  }
0x66: {  	_ =	shalt  }
0x67: {  	_ =	shalt  }
0x68: {  	_ =	shalt  }
0x69: {  	_ =	shalt  }
0x6a: {  	_ =	shalt  }
0x6b: {  	_ =	shalt  }
0x6c: {  	_ =	shalt  }
0x6d: {  	_ =	shalt  }
0x6e: {  	_ =	shalt  }
0x6f: {  	_ =	shalt  }
0x70: {  	_ =	shalt  }
0x71: {  	_ =	shalt  }
0x72: {  	_ =	shalt  }
0x73: {  	_ =	shalt  }
0x74: {  	_ =	shalt  }
0x75: {  	_ =	shalt  }
0x76: {  	_ =	shalt  }
0x77: {  	_ =	shalt  }
0x78: {  	_ =	shalt  }
0x79: {  	_ =	shalt  }
0x7a: {  	_ =	shalt  }
0x7b: {  	_ =	shalt  }
0x7c: {  	_ =	shalt  }
0x7d: {  	_ =	shalt  }
0x7e: {  	_ =	shalt  }
0x7f: {  	_ =	shalt  }
0x80: {  	_ =	shalt  }
0x81: {  	_ =	shalt  }
0x82: {  	_ =	shalt  }
0x83: {  	_ =	shalt  }
0x84: {  	_ =	shalt  }
0x85: {  	_ =	shalt  }
0x86: {  	_ =	shalt  }
0x87: {  	_ =	shalt  }
.Lfunc_end0:
.L_simem_size_0:
called_computation.1_lowered:
.L_overlay_start_0:
0x88: {  	s2 =	sld [smem:$0x3FD9]  }
0x89: {  	s3 =	sld [smem:$0x3FFE];
	_ =	sdelay $0x1  }
0x8a: {  	s1 =	srdreg.scid  }
0x8b: {  	s0 =	sand.u32 $0x1, s1  }
0x8c: {  	s17 =	sshll.u32 s0, $0xA;
	s2 =	sadd.s32 s3, s2  }
0x8d: {  	s2 =	sadd.s32 s2, s17  }
0x8e: {  	[smem:$0x3FC0] =	sst s2  }
0x8f: {  	_ = 	snop  }
0x90: {  	s2 =	sld [smem:$0x3FC6]  }
0x91: {  	s18 =	sld [smem:$0x3FD0];
	(tm) =	ssettm $0x1  }
0x92: {  	s4 =	sld [smem:$0x3FFB];
	_ =	sdelay $0x3  }
0x93: {  	_ =	strace s4  }
0x94: {  	s4 =	sld [smem:$0x3FFC];
	_ =	sdelay $0x3  }
0x95: {  	_ =	strace s4  }
0x96: {  	s4 =	sld [smem:$0x3FFD];
	_ =	sdelay $0x3  }
0x97: {  	_ =	strace s4  }
0x98: {  	_ =	strace $0x8FFFFFFF  }
0x99: {  	s19 =	sld [smem:$0x3FDB];
	_ =	sdelay $0x1  }
0x9a: {  	s5 =	simm.s32 $_scs_section_size  }
0x9b: {  	s6 =	simm.s32 $_size__tile_overlayer_lowered;
	s7 =	simm.s32 $_tile_overlayer_lowered  }
0x9c: {  	s22 =	simm.s32 $0x1BFF;
	s21 =	sshll.u32 s7, $0x1;
	s4 =	sadd.s32 s5, s19  }
0x9d: {  	s8 =	simm.s32 $0x0;
	s20 =	sshll.u32 s6, $0x1;
	s6 =	sadd.s32 s21, s4  }
0x9e: {  	[timem:s8], [sflag:s22] =	dma.local [hbm:s6], s20  }
0x9f: {  	_ =	swait.ge [sflag:s22], s20  }
0xa0: {  	s5 =	ssub.s32 $0x0, s20;
	[sflag:s22] =	ssyncset.done $0x0  }
0xa1: {  	[sflag:s22] =	ssyncadd.s32 s5;
	_ =	sdelay $0x1  }
0xa2: {  	s23 =	simm.s32 $0x1B8B  }
0xa3: {  	_ =	swait.ge [sflag:s23], $0x1  }
0xa4: {  	[sflag:s23] =	ssyncset.done $0x0  }
0xa5: {  	s25 =	simm.s32 $0x1B8E;
	s24 =	sld [smem:$0x3FFE];
	[sflag:s23] =	ssyncadd.s32 $0xFFFFFFFF  }
0xa6: {  	s26 =	simm.s32 $execute0_lowered;
	[smem:$0x3FD2] =	sst s25  }
0xa7: {  	s6 =	sshll.u32 s26, $0x1;
	_ =	strace $0x80000049;
	[dreg:$0x1] =	wrdreg $0xFFFFFFFF  }
0xa8: {  	s28 =	simm.s32 $_size_execute0_lowered;
	s4 =	sadd.s32 s4, s6;
	[dreg:$0x0] =	wrdreg $0x0  }
0xa9: {  	s6 =	sshll.u32 s28, $0x1;
	[dreg:$0x2] =	wrdreg s4  }
0xaa: {  	[dreg:$0x3] =	wrdreg s6  }
0xab: {  	[dreg:$0x4] =	wrdreg $0xC0  }
0xac: {  	_ =	task [dreg:s8], $0x5FFFF  }
0xad: {  	[dreg:$0x1] =	wrdreg $0xFFFFFFFF  }
0xae: {  	[dreg:$0x0] =	wrdreg $0x60  }
0xaf: {  	[dreg:$0x2] =	wrdreg s2  }
0xb0: {  	[dreg:$0x3] =	wrdreg s24  }
0xb1: {  	[dreg:$0x4] =	wrdreg s18  }
0xb2: {  	[dreg:$0x5] =	wrdreg $0x9  }
0xb3: {  	_ =	task.clear_ibuf [dreg:s8], $0x6FFFF;
	_ =	strace $0x90000049  }
0xb4: {  	s29 =	simm.s32 $0x9;
	_ =	strace $0x8000004B  }
0xb5: {  	_ =	swait.ge [sflag:s29], $0x1  }
0xb6: {  	[sflag:s29] =	ssyncadd.s32 $0xFFFFFFFF  }
0xb7: {  	_ =	strace $0x9000004B  }
0xb8: {  	_ =	sfence  }
0xb9: {  	s30 =	sld [smem:$0x0];
	_ =	sdelay $0x2  }
0xba: {  	s31 =	sshll.u32 s1, $0xD;
	s1 =	sshrl.u32 s1, $0x2  }
0xbb: {  	s3 =	sand.u32 $0x4000, s31;
	s1 =	sadd.s32 s1, s30  }
0xbc: {  	s0 =	sor.u32 s3, s0;
	s1 =	sshll.u32 s1, $0x11  }
0xbd: {  	s0 =	sor.u32 s1, s0  }
0xbe: {  	s0 =	sadd.s32 $0x8F2B, s0  }
0xbf: {  	[sflag:s0] =	ssyncadd.remote.s32 $0x1  }
0xc0: {  	_ =	sfence.sel $0xFFFF  }
0xc1: {  	[dreg:$0x0] =	wrdreg $0xFFFFFFFF;
	(pc) =	sbr.abs _section_cstart, $3  }
0xc2: {  	[dreg:$0x1] =	wrdreg $0xFFFFFFFF  }
0xc3: {  	_ =	task.clear_ibuf [dreg:s8], $0x2FFFF;
	_ =	strace $0x9FFFFFFF  }
0xc4: {  	(tm) =	ssettm $0x7FFFFFFF  }
0xc5: {  	_ =	shalt  }
tec
execute0_lowered:
.L_overlay_start_1:
0x0: {  	(tag) =	ssettag $0x1  }
0x1: {  	s2 =	rddreg [dreg:$0x0]  }
0x2: {  	s3 =	rddreg [dreg:$0x1]  }
0x3: {  	s0 =	rddreg [dreg:$0x2];
	s1 =	simm.s32 $0x0;
	s4 =	srdreg.scid  }
0x4: {  	s10 =	stileid.u32;
	s31 =	simm.s32 $0x7D00;
	s28 =	simm.s32 $0x1  }
0x5: {  	s29 =	simm.s32 $0x2;
	s30 =	simm.s32 $0x4;
	[smem:$0x7FF] =	sst s1  }
0x6: {  	s4 =	sand.u32 $0x1, s4;
	s5 =	sadd.s32 $0x6400, s3;
	s6 =	sadd.s32 $0x4400, s3  }
0x7: {  	s3 =	sadd.s32 $0x1A00, s3;
	s11 =	sshll.u32 s10, $0x3;
	_ =	strace $0x8000004A  }
0x8: {  	s7 =	ssub.s32 $0x2, s4;
	s8 =	sshll.u32 s4, $0x2;
	s4 =	sshll.u32 s4, $0x9  }
0x9: {  	[dreg:$0x4] =	wrdreg s3;
	s9 =	sshrl.u32 s7, $0x1;
	s16 =	sor.u32 $0x100, s4  }
0xa: {  	s22 =	sor.u32 $0x180, s4;
	s3 =	ssub.s32 s7, s9;
	s9 =	sshll.u32 s10, $0xC  }
0xb: {  	s10 =	sshll.u32 s10, $0xA;
	s7 =	sor.u32 s8, s11;
	s12 =	sor.u32 s4, s9  }
0xc: {  	s11 =	sor.u32 s4, s10;
	s18 =	sor.u32 s9, s16;
	s20 =	sor.u32 s10, s16  }
0xd: {  	s23 =	sor.u32 s9, s22;
	s24 =	sor.u32 $0x80, s7;
	s16 =	sor.u32 $0x81, s7  }
0xe: {  	s8 =	sshrl.u32 s12, $0x3;
	s11 =	sshrl.u32 s11, $0x3;
	s12 =	sor.u32 $0x80, s4  }
0xf: {  	s19 =	sshrl.u32 s18, $0x3;
	s21 =	sshrl.u32 s20, $0x3;
	s25 =	sshrl.u32 s24, $0x3  }
0x10: {  	s8 =	sadd.s32 s6, s8;
	s13 =	sadd.s32 s5, s11;
	s14 =	sor.u32 s9, s12  }
0x11: {  	s15 =	sor.u32 s10, s12;
	s10 =	sor.u32 s10, s22;
	s26 =	smul.u32 $0x3E800, s25  }
0x12: {  	s11 =	sor.u32 $0x82, s7;
	s7 =	sor.u32 $0x83, s7;
	[dreg:$0x5] =	wrdreg s8  }
0x13: {  	s9 =	sshll.u32 s24, $0x3;
	s22 =	sshll.u32 s16, $0x3;
	[dreg:$0x6] =	wrdreg s13  }
0x14: {  	s8 =	sshrl.u32 s14, $0x3;
	s17 =	sshrl.u32 s15, $0x3;
	s10 =	sshrl.u32 s10, $0x3  }
0x15: {  	s20 =	sshll.u32 s11, $0x7;
	s13 =	sshrl.u32 s7, $0x3;
	s14 =	sshll.u32 s7, $0x7  }
0x16: {  	s9 =	sand.u32 $0x600, s9;
	s24 =	sshll.u32 s11, $0x3;
	s25 =	sshll.u32 s7, $0x3  }
0x17: {  	s8 =	sadd.s32 s6, s8;
	s4 =	sor.u32 s4, s26;
	s14 =	sand.u32 $0x380, s14  }
0x18: {  	s15 =	sor.u32 $0x18100, s9;
	s9 =	sand.u32 $0x600, s22;
	s26 =	sand.u32 $0x600, s25  }
0x19: {  	s25 =	simm.s32 $0x80;
	[dreg:$0x7] =	wrdreg s8;
	s8 =	sadd.s32 s5, s17  }
0x1a: {  	s4 =	sshrl.u32 s4, $0x3;
	s18 =	sor.u32 $0x18100, s9;
	s22 =	sor.u32 $0x18100, s26  }
0x1b: {  	s26 =	simm.s32 $0x400;
	[dreg:$0x8] =	wrdreg s8;
	s8 =	sadd.s32 s6, s19  }
0x1c: {  	s12 =	sadd.s32 s2, s4;
	[dreg:$0x9] =	wrdreg s8;
	s8 =	sadd.s32 s5, s21  }
0x1d: {  	s19 =	sshrl.u32 s11, $0x3;
	[dreg:$0xa] =	wrdreg s8;
	s8 =	sshrl.u32 s23, $0x3  }
0x1e: {  	s5 =	sadd.s32 s5, s10;
	s6 =	sadd.s32 s6, s8;
	s8 =	sshrl.u32 s16, $0x3  }
0x1f: {  	s10 =	sshll.u32 s16, $0x7;
	[dreg:$0xc] =	wrdreg s5;
	s5 =	smul.u32 $0x3E800, s8  }
0x20: {  	s21 =	smul.u32 $0x3E800, s13;
	[dreg:$0xb] =	wrdreg s6;
	s6 =	sand.u32 $0x280, s10  }
0x21: {  	s16 =	sadd.s32 s0, s4;
	s5 =	sor.u32 s6, s5;
	s6 =	smul.u32 $0x3E800, s19  }
0x22: {  	s4 =	simm.s32 $0x5;
	s10 =	sand.u32 $0x300, s20;
	s5 =	sshrl.u32 s5, $0x3  }
0x23: {  	s6 =	sor.u32 s10, s6;
	s13 =	sadd.s32 s2, s5;
	s10 =	sor.u32 s14, s21  }
0x24: {  	s19 =	sadd.s32 s0, s5;
	s6 =	sshrl.u32 s6, $0x3;
	s23 =	sshrl.u32 s10, $0x3  }
0x25: {  	s5 =	simm.s32 $0x6;
	s14 =	sadd.s32 s2, s6;
	s17 =	sadd.s32 s2, s23  }
0x26: {  	s2 =	sand.u32 $0x600, s24;
	s21 =	sadd.s32 s0, s6;
	s23 =	sadd.s32 s0, s23  }
0x27: {  	s24 =	smax.u32 s3, $0x1;
	s0 =	simm.s32 $0xFA00;
	s3 =	simm.s32 $0x3  }
0x28: {  	s6 =	simm.s32 $0x0;
	s20 =	sor.u32 $0x18100, s2;
	s2 =	simm.s32 $0x7  }
.LBB2_1:
0x29: {  	s7 =	rddreg [dreg:$0x5];
	s8 =	simm.s32 $0x17700  }
0x2a: {  	[tilespmem:s8], [sflag:$0x7] =	stream.strided.gather [hbm4b:s7+s25], $0x200, s26, s25, $0x38;
	[tilespmem:$0x18900] =	vst v63  }
0x2b: {  	s9 =	simm.s32 $0x17F00;
	s8 =	rddreg [dreg:$0x6]  }
0x2c: {  	[tilespmem:s9], [sflag:$0x7] =	stream.linear.gather [hbm4b:s8+s1], $0x80, $0x38;
	[tilespmem:$0x18900] =	vst v63  }
0x2d: {  	s10 =	rddreg [dreg:$0x7];
	s11 =	simm.s32 $0x17900  }
0x2e: {  	[tilespmem:s11], [sflag:$0x7] =	stream.strided.gather [hbm4b:s10+s25], $0x200, s26, s25, $0x38;
	[tilespmem:$0x18900] =	vst v63  }
0x2f: {  	s8 =	rddreg [dreg:$0x8];
	s9 =	simm.s32 $0x17F80  }
0x30: {  	[tilespmem:s9], [sflag:$0x7] =	stream.linear.gather [hbm4b:s8+s1], $0x80, $0x38;
	[tilespmem:$0x18900] =	vst v63  }
0x31: {  	s10 =	rddreg [dreg:$0x9];
	s11 =	simm.s32 $0x17B00  }
0x32: {  	[tilespmem:s11], [sflag:$0x7] =	stream.strided.gather [hbm4b:s10+s25], $0x200, s26, s25, $0x38;
	[tilespmem:$0x18900] =	vst v63  }
0x33: {  	s8 =	rddreg [dreg:$0xa];
	s9 =	simm.s32 $0x18000  }
0x34: {  	[tilespmem:s9], [sflag:$0x7] =	stream.linear.gather [hbm4b:s8+s1], $0x80, $0x38;
	[tilespmem:$0x18900] =	vst v63  }
0x35: {  	s10 =	rddreg [dreg:$0xb];
	s11 =	simm.s32 $0x17D00  }
0x36: {  	[tilespmem:s11], [sflag:$0x7] =	stream.strided.gather [hbm4b:s10+s25], $0x200, s26, s25, $0x38;
	[tilespmem:$0x18900] =	vst v63  }
0x37: {  	s8 =	rddreg [dreg:$0xc];
	s9 =	simm.s32 $0x18080  }
0x38: {  	[tilespmem:s9], [sflag:$0x7] =	stream.linear.gather [hbm4b:s8+s1], $0x80, $0x38;
	[tilespmem:$0x18900] =	vst v63  }
0x39: {  	s10 =	rddreg [dreg:$0x4];
	s11 =	simm.s32 $0x18100  }
0x3a: {  	[tilespmem:s11], [sflag:$0x7] =	stream.linear.gather [hbm4b:s10+s1], $0x800, $0x38;
	[tilespmem:$0x18900] =	vst v63  }
0x3b: {  	_ = 	snop  }
0x3c: {  	[tilespmem:s1], [sflag:$0x1] =	stream.strided.gather [hbm4b:s12+s25], $0x7D00, s26, s25, $0x38;
	[tilespmem:$0x18900] =	vst v63  }
0x3d: {  	_ = 	snop  }
0x3e: {  	[tilespmem:s31], [sflag:$0x2] =	stream.strided.gather [hbm4b:s13+s25], $0x7D00, s26, s25, $0x38;
	[tilespmem:$0x18900] =	vst v63  }
0x3f: {  	_ = 	snop  }
0x40: {  	[tilespmem:s0], [sflag:$0x3] =	stream.strided.gather [hbm4b:s14+s25], $0x7D00, s26, s25, $0x38;
	[tilespmem:$0x18900] =	vst v63  }
0x41: {  	_ =	swait.ge [sflag:s2], $0x200  }
0x42: {  	[sflag:s2] =	ssyncset.done $0x0  }
0x43: {  	[sflag:s2] =	ssyncadd.s32 $0xFFFFFE00  }
0x44: {  	_ =	swait.ge [sflag:s2], $0x80  }
0x45: {  	[sflag:s2] =	ssyncset.done $0x0  }
0x46: {  	[sflag:s2] =	ssyncadd.s32 $0xFFFFFF80  }
0x47: {  	_ =	swait.ge [sflag:s2], $0x200  }
0x48: {  	[sflag:s2] =	ssyncset.done $0x0  }
0x49: {  	[sflag:s2] =	ssyncadd.s32 $0xFFFFFE00  }
0x4a: {  	_ =	swait.ge [sflag:s2], $0x80  }
0x4b: {  	[sflag:s2] =	ssyncset.done $0x0  }
0x4c: {  	[sflag:s2] =	ssyncadd.s32 $0xFFFFFF80  }
0x4d: {  	_ =	swait.ge [sflag:s2], $0x200  }
0x4e: {  	[sflag:s2] =	ssyncset.done $0x0  }
0x4f: {  	[sflag:s2] =	ssyncadd.s32 $0xFFFFFE00  }
0x50: {  	_ =	swait.ge [sflag:s2], $0x80  }
0x51: {  	[sflag:s2] =	ssyncset.done $0x0  }
0x52: {  	[sflag:s2] =	ssyncadd.s32 $0xFFFFFF80  }
0x53: {  	_ =	swait.ge [sflag:s2], $0x200  }
0x54: {  	[sflag:s2] =	ssyncset.done $0x0  }
0x55: {  	[sflag:s2] =	ssyncadd.s32 $0xFFFFFE00  }
0x56: {  	_ =	swait.ge [sflag:s2], $0x80  }
0x57: {  	[sflag:s2] =	ssyncset.done $0x0  }
0x58: {  	[sflag:s2] =	ssyncadd.s32 $0xFFFFFF80  }
0x59: {  	_ =	swait.ge [sflag:s2], $0x800  }
0x5a: {  	[sflag:s2] =	ssyncset.done $0x0  }
0x5b: {  	[sflag:s2] =	ssyncadd.s32 $0xFFFFF800  }
0x5c: {  	_ =	swait.ge [sflag:s28], $0x7D00  }
0x5d: {  	[sflag:s28] =	ssyncset.done $0x0  }
0x5e: {  	[sflag:s28] =	ssyncadd.s32 $0xFFFF8300  }
0x5f: {  	s7 =	simm.s32 $0x0;
	v0 =	vld [tilespmem:$0x17F00]  }
0x60: {  	v4 =	vld [tilespmem:s7+$0x0]  }
0x61: {  	v6 =	vld [tilespmem:s7+$0x10]  }
0x62: {  	v5 =	vld [tilespmem:s7+$0x20]  }
0x63: {  	v3 =	vld [tilespmem:s7+$0x30]  }
0x64: {  	v1 =	vld [tilespmem:s7+$0x40]  }
0x65: {  	v2 =	vld [tilespmem:s7+$0x50];
	v7 =	vmul.f32 v4, v0  }
0x66: {  	s8 =	simm.s32 $0x200;
	v6 =	vmul.f32 v6, v0;
	v4 =	vld [tilespmem:s7+$0x60]  }
.LBB2_2:
0x67: {  	s9 =	sshra.s32 s8, $0x2;
	p0 =	sne.s32 s8, $0x1F200;
	[tilespmem:s7+$0x0] =	vst v7;
	v5 =	vmul.f32 v5, v0;
	v7 =	vld [tilespmem:s7+$0x70]  }
0x68: {  	v8 =	vld [tilespmem:s9+$0x0];
	[tilespmem:s7+$0x10] =	vst v6;
	v3 =	vmul.f32 v3, v0  }
0x69: {  	v6 =	vld [tilespmem:s9+$0x10];
	[tilespmem:s7+$0x20] =	vst v5;
	v1 =	vmul.f32 v1, v0  }
.Ltmp0:
0x6a: {  	v5 =	vld [tilespmem:s9+$0x20];
	[tilespmem:s7+$0x30] =	vst v3;
	v2 =	vmul.f32 v2, v0;
	(pc) =	sbr.rel @p0 .LBB2_2-.Ltmp0, $4  }
0x6b: {  	v3 =	vld [tilespmem:s9+$0x30];
	[tilespmem:s7+$0x40] =	vst v1;
	v4 =	vmul.f32 v4, v0  }
0x6c: {  	v1 =	vld [tilespmem:s9+$0x40];
	[tilespmem:s7+$0x50] =	vst v2;
	v9 =	vmul.f32 v7, v0  }
0x6d: {  	v7 =	vmul.f32 v8, v0;
	v2 =	vld [tilespmem:s9+$0x50];
	[tilespmem:s7+$0x60] =	vst v4  }
0x6e: {  	s8 =	sadd.s32 $0x200, s8;
	v6 =	vmul.f32 v6, v0;
	v4 =	vld [tilespmem:s9+$0x60];
	[tilespmem:s7+$0x70] =	vst v9;
	s7 =	smov.u32 s9  }
0x6f: {  	[tilespmem:s7+$0x0] =	vst v7;
	v5 =	vmul.f32 v5, v0;
	v63 =	vld [tilespmem:s7+$0x70]  }
0x70: {  	[tilespmem:s7+$0x10] =	vst v6;
	v3 =	vmul.f32 v3, v0  }
0x71: {  	[tilespmem:s7+$0x20] =	vst v5;
	v1 =	vmul.f32 v1, v0  }
0x72: {  	[tilespmem:s7+$0x30] =	vst v3;
	v2 =	vmul.f32 v2, v0  }
0x73: {  	s8 =	simm.s32 $0x0;
	[tilespmem:s7+$0x40] =	vst v1;
	v1 =	vmul.f32 v4, v0  }
0x74: {  	s9 =	sand.u32 $0x180, s8;
	[tilespmem:s7+$0x50] =	vst v2;
	v0 =	vmul.f32 v63, v0  }
0x75: {  	s8 =	sand.u32 $0x70, s8;
	s9 =	sadd.s32 s9, s15;
	[tilespmem:s7+$0x60] =	vst v1  }
0x76: {  	s9 =	sadd.s32 s8, s9;
	[tilespmem:s7+$0x70] =	vst v0  }
0x77: {  	v0 =	vld [tilespmem:s9+$0x0];
	_ =	sdelay $0x1  }
0x78: {  	s7 =	simm.s32 $0x17700  }
0x79: {  	v1 =	vld [tilespmem:s7+$0x0];
	_ =	sdelay $0x1  }
0x7a: {  	s8 =	simm.s32 $0x10  }
0x7b: {  	s10 =	sand.u32 $0x180, s8;
	s9 =	simm.s32 $0x20  }
.LBB2_4:
0x7c: {  	p0 =	sne.s32 s9, $0x1F0;
	s8 =	sand.u32 $0x70, s8;
	s10 =	sadd.s32 s10, s15  }
0x7d: {  	s10 =	sadd.s32 s8, s10;
	[tilespmem:v0+s1+$0x0] =	vst.idx.add.f32.msk $0xffff, v1;
	s8 =	smov.u32 s9  }
0x7e: {  	v0 =	vld [tilespmem:s10+$0x0];
	_ =	sdelay $0x1  }
.Ltmp1:
0x7f: {  	s7 =	sadd.s32 $0x10, s7;
	(pc) =	sbr.rel @p0 .LBB2_4-.Ltmp1, $2  }
0x80: {  	v1 =	vld [tilespmem:s7+$0x0];
	_ =	sdelay $0x2  }
0x81: {  	s9 =	sadd.s32 $0x10, s9;
	s10 =	sand.u32 $0x180, s8  }
0x82: {  	_ =	sdelay $0x2  }
0x83: {  	s8 =	sand.u32 $0x70, s8;
	s9 =	sadd.s32 s10, s15  }
0x84: {  	s8 =	sadd.s32 s8, s9;
	[tilespmem:v0+s1+$0x0] =	vst.idx.add.f32.msk $0xffff, v1  }
0x85: {  	v0 =	vld [tilespmem:s8+$0x0];
	_ =	sdelay $0x1  }
0x86: {  	s7 =	sadd.s32 $0x10, s7  }
0x87: {  	v1 =	vld [tilespmem:s7+$0x0];
	_ =	sdelay $0x4  }
0x88: {  	[tilespmem:v0+s1+$0x0] =	vst.idx.add.f32.msk $0xffff, v1  }
0x89: {  	_ =	swait.ge [sflag:s29], $0x7D00  }
0x8a: {  	[sflag:s29] =	ssyncset.done $0x0  }
0x8b: {  	[sflag:s29] =	ssyncadd.s32 $0xFFFF8300  }
0x8c: {  	s7 =	simm.s32 $0x0;
	v0 =	vld [tilespmem:$0x17F80]  }
0x8d: {  	v4 =	vld [tilespmem:s7+$0x7D00]  }
0x8e: {  	v6 =	vld [tilespmem:s7+$0x7D10]  }
0x8f: {  	v5 =	vld [tilespmem:s7+$0x7D20]  }
0x90: {  	v3 =	vld [tilespmem:s7+$0x7D30]  }
0x91: {  	v1 =	vld [tilespmem:s7+$0x7D40]  }
0x92: {  	v2 =	vld [tilespmem:s7+$0x7D50];
	v7 =	vmul.f32 v4, v0  }
0x93: {  	s8 =	simm.s32 $0x200;
	v6 =	vmul.f32 v6, v0;
	v4 =	vld [tilespmem:s7+$0x7D60]  }
.LBB2_6:
0x94: {  	s9 =	sshra.s32 s8, $0x2;
	p0 =	sne.s32 s8, $0x1F200;
	[tilespmem:s7+$0x7D00] =	vst v7;
	v5 =	vmul.f32 v5, v0;
	v7 =	vld [tilespmem:s7+$0x7D70]  }
0x95: {  	v8 =	vld [tilespmem:s9+$0x7D00];
	[tilespmem:s7+$0x7D10] =	vst v6;
	v3 =	vmul.f32 v3, v0  }
0x96: {  	v6 =	vld [tilespmem:s9+$0x7D10];
	[tilespmem:s7+$0x7D20] =	vst v5;
	v1 =	vmul.f32 v1, v0  }
.Ltmp2:
0x97: {  	v5 =	vld [tilespmem:s9+$0x7D20];
	[tilespmem:s7+$0x7D30] =	vst v3;
	v2 =	vmul.f32 v2, v0;
	(pc) =	sbr.rel @p0 .LBB2_6-.Ltmp2, $4  }
0x98: {  	v3 =	vld [tilespmem:s9+$0x7D30];
	[tilespmem:s7+$0x7D40] =	vst v1;
	v4 =	vmul.f32 v4, v0  }
0x99: {  	v1 =	vld [tilespmem:s9+$0x7D40];
	[tilespmem:s7+$0x7D50] =	vst v2;
	v9 =	vmul.f32 v7, v0  }
0x9a: {  	v7 =	vmul.f32 v8, v0;
	v2 =	vld [tilespmem:s9+$0x7D50];
	[tilespmem:s7+$0x7D60] =	vst v4  }
0x9b: {  	s8 =	sadd.s32 $0x200, s8;
	v6 =	vmul.f32 v6, v0;
	v4 =	vld [tilespmem:s9+$0x7D60];
	[tilespmem:s7+$0x7D70] =	vst v9;
	s7 =	smov.u32 s9  }
0x9c: {  	[tilespmem:s7+$0x7D00] =	vst v7;
	v5 =	vmul.f32 v5, v0;
	v63 =	vld [tilespmem:s7+$0x7D70]  }
0x9d: {  	[tilespmem:s7+$0x7D10] =	vst v6;
	v3 =	vmul.f32 v3, v0  }
0x9e: {  	[tilespmem:s7+$0x7D20] =	vst v5;
	v1 =	vmul.f32 v1, v0  }
0x9f: {  	[tilespmem:s7+$0x7D30] =	vst v3;
	v2 =	vmul.f32 v2, v0  }
0xa0: {  	[tilespmem:s7+$0x7D40] =	vst v1;
	v1 =	vmul.f32 v4, v0  }
0xa1: {  	[tilespmem:s7+$0x7D50] =	vst v2;
	v0 =	vmul.f32 v63, v0  }
0xa2: {  	[tilespmem:s7+$0x7D60] =	vst v1  }
0xa3: {  	s10 =	simm.s32 $0x0;
	[tilespmem:s7+$0x7D70] =	vst v0  }
0xa4: {  	[hbm4b:s16+s25] =	stream.strided.scatter [tilespmem:s10], [sflag:$0x4], $0x7D00, s26, s25, $0x38;
	[tilespmem:$0x18900] =	vst v63  }
0xa5: {  	_ =	swait.ge [sflag:s30], $0x7D00  }
0xa6: {  	s8 =	sand.u32 $0x180, s10;
	[sflag:s30] =	ssyncset.done $0x0  }
0xa7: {  	s9 =	sand.u32 $0x70, s10;
	s11 =	sadd.s32 s8, s18;
	[sflag:s30] =	ssyncadd.s32 $0xFFFF8300  }
0xa8: {  	[tilespmem:s10], [sflag:$0x1] =	stream.strided.gather [hbm4b:s17+s25], $0x7D00, s26, s25, $0x38;
	[tilespmem:$0x18900] =	vst v63  }
0xa9: {  	s10 =	sadd.s32 s9, s11  }
0xaa: {  	v0 =	vld [tilespmem:s10+$0x0];
	_ =	sdelay $0x1  }
0xab: {  	s8 =	sor.u32 s9, s8  }
0xac: {  	v1 =	vld [tilespmem:s8+$0x17900];
	_ =	sdelay $0x1  }
0xad: {  	s7 =	simm.s32 $0x10  }
0xae: {  	s9 =	simm.s32 $0x20;
	s8 =	sand.u32 $0x180, s7  }
.LBB2_8:
0xaf: {  	p0 =	sne.s32 s9, $0x1F0;
	s10 =	sand.u32 $0x70, s7;
	s7 =	sadd.s32 s8, s18  }
0xb0: {  	s11 =	sadd.s32 s10, s7;
	[tilespmem:v0+s31+$0x0] =	vst.idx.add.f32.msk $0xffff, v1;
	s7 =	smov.u32 s9  }
0xb1: {  	v0 =	vld [tilespmem:s11+$0x0];
	_ =	sdelay $0x1  }
.Ltmp3:
0xb2: {  	s8 =	sor.u32 s10, s8;
	(pc) =	sbr.rel @p0 .LBB2_8-.Ltmp3, $2  }
0xb3: {  	v1 =	vld [tilespmem:s8+$0x17900];
	_ =	sdelay $0x2  }
0xb4: {  	s9 =	sadd.s32 $0x10, s9;
	s8 =	sand.u32 $0x180, s7  }
0xb5: {  	_ =	sdelay $0x2  }
0xb6: {  	s7 =	sand.u32 $0x70, s7;
	s9 =	sadd.s32 s8, s18  }
0xb7: {  	s9 =	sadd.s32 s7, s9;
	[tilespmem:v0+s31+$0x0] =	vst.idx.add.f32.msk $0xffff, v1  }
0xb8: {  	v0 =	vld [tilespmem:s9+$0x0];
	_ =	sdelay $0x1  }
0xb9: {  	s7 =	sor.u32 s7, s8  }
0xba: {  	v1 =	vld [tilespmem:s7+$0x17900];
	_ =	sdelay $0x4  }
0xbb: {  	[tilespmem:v0+s31+$0x0] =	vst.idx.add.f32.msk $0xffff, v1  }
0xbc: {  	_ =	swait.ge [sflag:s3], $0x7D00  }
0xbd: {  	[sflag:s3] =	ssyncset.done $0x0  }
0xbe: {  	[sflag:s3] =	ssyncadd.s32 $0xFFFF8300  }
0xbf: {  	s7 =	simm.s32 $0x0;
	v0 =	vld [tilespmem:$0x18000]  }
0xc0: {  	v4 =	vld [tilespmem:s7+$0xFA00]  }
0xc1: {  	v6 =	vld [tilespmem:s7+$0xFA10]  }
0xc2: {  	v5 =	vld [tilespmem:s7+$0xFA20]  }
0xc3: {  	v3 =	vld [tilespmem:s7+$0xFA30]  }
0xc4: {  	v1 =	vld [tilespmem:s7+$0xFA40]  }
0xc5: {  	v2 =	vld [tilespmem:s7+$0xFA50];
	v7 =	vmul.f32 v4, v0  }
0xc6: {  	s8 =	simm.s32 $0x200;
	v6 =	vmul.f32 v6, v0;
	v4 =	vld [tilespmem:s7+$0xFA60]  }
.LBB2_10:
0xc7: {  	s9 =	sshra.s32 s8, $0x2;
	p0 =	sne.s32 s8, $0x1F200;
	[tilespmem:s7+$0xFA00] =	vst v7;
	v5 =	vmul.f32 v5, v0;
	v7 =	vld [tilespmem:s7+$0xFA70]  }
0xc8: {  	v8 =	vld [tilespmem:s9+$0xFA00];
	[tilespmem:s7+$0xFA10] =	vst v6;
	v3 =	vmul.f32 v3, v0  }
0xc9: {  	v6 =	vld [tilespmem:s9+$0xFA10];
	[tilespmem:s7+$0xFA20] =	vst v5;
	v1 =	vmul.f32 v1, v0  }
.Ltmp4:
0xca: {  	v5 =	vld [tilespmem:s9+$0xFA20];
	[tilespmem:s7+$0xFA30] =	vst v3;
	v2 =	vmul.f32 v2, v0;
	(pc) =	sbr.rel @p0 .LBB2_10-.Ltmp4, $4  }
0xcb: {  	v3 =	vld [tilespmem:s9+$0xFA30];
	[tilespmem:s7+$0xFA40] =	vst v1;
	v4 =	vmul.f32 v4, v0  }
0xcc: {  	v1 =	vld [tilespmem:s9+$0xFA40];
	[tilespmem:s7+$0xFA50] =	vst v2;
	v9 =	vmul.f32 v7, v0  }
0xcd: {  	v7 =	vmul.f32 v8, v0;
	v2 =	vld [tilespmem:s9+$0xFA50];
	[tilespmem:s7+$0xFA60] =	vst v4  }
0xce: {  	s8 =	sadd.s32 $0x200, s8;
	v6 =	vmul.f32 v6, v0;
	v4 =	vld [tilespmem:s9+$0xFA60];
	[tilespmem:s7+$0xFA70] =	vst v9;
	s7 =	smov.u32 s9  }
0xcf: {  	[tilespmem:s7+$0xFA00] =	vst v7;
	v5 =	vmul.f32 v5, v0;
	v63 =	vld [tilespmem:s7+$0xFA70]  }
0xd0: {  	[tilespmem:s7+$0xFA10] =	vst v6;
	v3 =	vmul.f32 v3, v0  }
0xd1: {  	[tilespmem:s7+$0xFA20] =	vst v5;
	v1 =	vmul.f32 v1, v0  }
0xd2: {  	[tilespmem:s7+$0xFA30] =	vst v3;
	v2 =	vmul.f32 v2, v0  }
0xd3: {  	s10 =	simm.s32 $0x0;
	[tilespmem:s7+$0xFA40] =	vst v1;
	v1 =	vmul.f32 v4, v0  }
0xd4: {  	s8 =	sand.u32 $0x180, s10;
	[tilespmem:s7+$0xFA50] =	vst v2;
	v0 =	vmul.f32 v63, v0  }
0xd5: {  	s9 =	sand.u32 $0x70, s10;
	s11 =	sadd.s32 s8, s20;
	[tilespmem:s7+$0xFA60] =	vst v1  }
0xd6: {  	s10 =	sadd.s32 s9, s11;
	[tilespmem:s7+$0xFA70] =	vst v0  }
0xd7: {  	[hbm4b:s19+s25] =	stream.strided.scatter [tilespmem:s31], [sflag:$0x5], $0x7D00, s26, s25, $0x38;
	[tilespmem:$0x18900] =	vst v63  }
0xd8: {  	v0 =	vld [tilespmem:s10+$0x0];
	_ =	sdelay $0x1  }
0xd9: {  	s8 =	sor.u32 s9, s8  }
0xda: {  	v1 =	vld [tilespmem:s8+$0x17B00];
	_ =	sdelay $0x1  }
0xdb: {  	s7 =	simm.s32 $0x10  }
0xdc: {  	s9 =	simm.s32 $0x20;
	s8 =	sand.u32 $0x180, s7  }
.LBB2_12:
0xdd: {  	p0 =	sne.s32 s9, $0x1F0;
	s10 =	sand.u32 $0x70, s7;
	s7 =	sadd.s32 s8, s20  }
0xde: {  	s11 =	sadd.s32 s10, s7;
	[tilespmem:v0+s0+$0x0] =	vst.idx.add.f32.msk $0xffff, v1;
	s7 =	smov.u32 s9  }
0xdf: {  	v0 =	vld [tilespmem:s11+$0x0];
	_ =	sdelay $0x1  }
.Ltmp5:
0xe0: {  	s8 =	sor.u32 s10, s8;
	(pc) =	sbr.rel @p0 .LBB2_12-.Ltmp5, $2  }
0xe1: {  	v1 =	vld [tilespmem:s8+$0x17B00];
	_ =	sdelay $0x2  }
0xe2: {  	s9 =	sadd.s32 $0x10, s9;
	s8 =	sand.u32 $0x180, s7  }
0xe3: {  	_ =	sdelay $0x2  }
0xe4: {  	s7 =	sand.u32 $0x70, s7;
	s9 =	sadd.s32 s8, s20  }
0xe5: {  	s9 =	sadd.s32 s7, s9;
	[tilespmem:v0+s0+$0x0] =	vst.idx.add.f32.msk $0xffff, v1  }
0xe6: {  	v0 =	vld [tilespmem:s9+$0x0];
	_ =	sdelay $0x1  }
0xe7: {  	s7 =	sor.u32 s7, s8  }
0xe8: {  	v1 =	vld [tilespmem:s7+$0x17B00];
	_ =	sdelay $0x4  }
0xe9: {  	[tilespmem:v0+s0+$0x0] =	vst.idx.add.f32.msk $0xffff, v1  }
0xea: {  	_ =	swait.ge [sflag:s28], $0x7D00  }
0xeb: {  	[sflag:s28] =	ssyncset.done $0x0  }
0xec: {  	[sflag:s28] =	ssyncadd.s32 $0xFFFF8300  }
0xed: {  	s7 =	simm.s32 $0x0;
	v0 =	vld [tilespmem:$0x18080]  }
0xee: {  	v4 =	vld [tilespmem:s7+$0x0]  }
0xef: {  	v6 =	vld [tilespmem:s7+$0x10]  }
0xf0: {  	v5 =	vld [tilespmem:s7+$0x20]  }
0xf1: {  	v3 =	vld [tilespmem:s7+$0x30]  }
0xf2: {  	v1 =	vld [tilespmem:s7+$0x40]  }
0xf3: {  	v2 =	vld [tilespmem:s7+$0x50];
	v7 =	vmul.f32 v4, v0  }
0xf4: {  	s8 =	simm.s32 $0x200;
	v6 =	vmul.f32 v6, v0;
	v4 =	vld [tilespmem:s7+$0x60]  }
.LBB2_14:
0xf5: {  	s9 =	sshra.s32 s8, $0x2;
	p0 =	sne.s32 s8, $0x1F200;
	[tilespmem:s7+$0x0] =	vst v7;
	v5 =	vmul.f32 v5, v0;
	v7 =	vld [tilespmem:s7+$0x70]  }
0xf6: {  	v8 =	vld [tilespmem:s9+$0x0];
	[tilespmem:s7+$0x10] =	vst v6;
	v3 =	vmul.f32 v3, v0  }
0xf7: {  	v6 =	vld [tilespmem:s9+$0x10];
	[tilespmem:s7+$0x20] =	vst v5;
	v1 =	vmul.f32 v1, v0  }
.Ltmp6:
0xf8: {  	v5 =	vld [tilespmem:s9+$0x20];
	[tilespmem:s7+$0x30] =	vst v3;
	v2 =	vmul.f32 v2, v0;
	(pc) =	sbr.rel @p0 .LBB2_14-.Ltmp6, $4  }
0xf9: {  	v3 =	vld [tilespmem:s9+$0x30];
	[tilespmem:s7+$0x40] =	vst v1;
	v4 =	vmul.f32 v4, v0  }
0xfa: {  	v1 =	vld [tilespmem:s9+$0x40];
	[tilespmem:s7+$0x50] =	vst v2;
	v9 =	vmul.f32 v7, v0  }
0xfb: {  	v7 =	vmul.f32 v8, v0;
	v2 =	vld [tilespmem:s9+$0x50];
	[tilespmem:s7+$0x60] =	vst v4  }
0xfc: {  	s8 =	sadd.s32 $0x200, s8;
	v6 =	vmul.f32 v6, v0;
	v4 =	vld [tilespmem:s9+$0x60];
	[tilespmem:s7+$0x70] =	vst v9;
	s7 =	smov.u32 s9  }
0xfd: {  	[tilespmem:s7+$0x0] =	vst v7;
	v5 =	vmul.f32 v5, v0;
	v63 =	vld [tilespmem:s7+$0x70]  }
0xfe: {  	[tilespmem:s7+$0x10] =	vst v6;
	v3 =	vmul.f32 v3, v0  }
0xff: {  	[tilespmem:s7+$0x20] =	vst v5;
	v1 =	vmul.f32 v1, v0  }
0x100: {  	[tilespmem:s7+$0x30] =	vst v3;
	v2 =	vmul.f32 v2, v0  }
0x101: {  	s10 =	simm.s32 $0x0;
	[tilespmem:s7+$0x40] =	vst v1;
	v1 =	vmul.f32 v4, v0  }
0x102: {  	s8 =	sand.u32 $0x180, s10;
	[tilespmem:s7+$0x50] =	vst v2;
	v0 =	vmul.f32 v63, v0  }
0x103: {  	s9 =	sand.u32 $0x70, s10;
	s11 =	sadd.s32 s8, s22;
	[tilespmem:s7+$0x60] =	vst v1  }
0x104: {  	s10 =	sadd.s32 s9, s11;
	[tilespmem:s7+$0x70] =	vst v0  }
0x105: {  	[hbm4b:s21+s25] =	stream.strided.scatter [tilespmem:s0], [sflag:$0x6], $0x7D00, s26, s25, $0x38;
	[tilespmem:$0x18900] =	vst v63  }
0x106: {  	v0 =	vld [tilespmem:s10+$0x0];
	_ =	sdelay $0x1  }
0x107: {  	s8 =	sor.u32 s9, s8  }
0x108: {  	v1 =	vld [tilespmem:s8+$0x17D00];
	_ =	sdelay $0x1  }
0x109: {  	s7 =	simm.s32 $0x10  }
0x10a: {  	s9 =	simm.s32 $0x20;
	s8 =	sand.u32 $0x180, s7  }
.LBB2_16:
0x10b: {  	p0 =	sne.s32 s9, $0x1F0;
	s10 =	sand.u32 $0x70, s7;
	s7 =	sadd.s32 s8, s22  }
0x10c: {  	s11 =	sadd.s32 s10, s7;
	[tilespmem:v0+s1+$0x0] =	vst.idx.add.f32.msk $0xffff, v1;
	s7 =	smov.u32 s9  }
0x10d: {  	v0 =	vld [tilespmem:s11+$0x0];
	_ =	sdelay $0x1  }
.Ltmp7:
0x10e: {  	s8 =	sor.u32 s10, s8;
	(pc) =	sbr.rel @p0 .LBB2_16-.Ltmp7, $2  }
0x10f: {  	v1 =	vld [tilespmem:s8+$0x17D00];
	_ =	sdelay $0x2  }
0x110: {  	s9 =	sadd.s32 $0x10, s9;
	s8 =	sand.u32 $0x180, s7  }
0x111: {  	_ =	sdelay $0x2  }
0x112: {  	s7 =	sand.u32 $0x70, s7;
	s9 =	sadd.s32 s8, s22  }
0x113: {  	s9 =	sadd.s32 s7, s9;
	[tilespmem:v0+s1+$0x0] =	vst.idx.add.f32.msk $0xffff, v1  }
0x114: {  	v0 =	vld [tilespmem:s9+$0x0];
	_ =	sdelay $0x1  }
0x115: {  	s7 =	sor.u32 s7, s8  }
0x116: {  	v1 =	vld [tilespmem:s7+$0x17D00];
	_ =	sdelay $0x4  }
0x117: {  	[tilespmem:v0+s1+$0x0] =	vst.idx.add.f32.msk $0xffff, v1  }
0x118: {  	_ =	sdelay $0x7ff  }
0x119: {  	_ =	sdelay $0x38  }
0x11a: {  	[hbm4b:s23+s25] =	stream.strided.scatter [tilespmem:s1], [sflag:$0x4], $0x7D00, s26, s25, $0x38;
	[tilespmem:$0x18900] =	vst v63  }
0x11b: {  	_ =	swait.ge [sflag:s4], $0x7D00  }
0x11c: {  	[sflag:s4] =	ssyncset.done $0x0  }
0x11d: {  	s6 =	sadd.s32 $0x1, s6;
	[sflag:s4] =	ssyncadd.s32 $0xFFFF8300  }
0x11e: {  	p0 =	sne.s32 s6, s24;
	_ =	swait.ge [sflag:s5], $0x7D00  }
.Ltmp8:
0x11f: {  	[sflag:s5] =	ssyncset.done $0x0;
	(pc) =	sbr.rel @p0 .LBB2_1-.Ltmp8, $4  }
0x120: {  	[sflag:s5] =	ssyncadd.s32 $0xFFFF8300  }
0x121: {  	_ =	swait.ge [sflag:s30], $0x7D00  }
0x122: {  	[sflag:s30] =	ssyncset.done $0x0  }
0x123: {  	[sflag:s30] =	ssyncadd.s32 $0xFFFF8300  }
0x124: {  	_ =	sfence.sel $0x180000  }
0x125: {  	[bflag:$0x0] =	sbarrier.arrive $0xFFFF  }
0x126: {  	_ =	strace $0x9000004A  }
0x127: {  	s0 =	stileid.u32;
	[bflag:$0x2] =	sbarrier.arrive $0xFFFF  }
0x128: {  	p0 =	sne.s32 s0, $0x0;
	s0 =	rddreg [dreg:$0x3]  }
0x129: {  	s0 =	sadd.s32 @!p0 $0x100000, s0  }
0x12a: {  	[sflag:s0] =	ssyncadd.tile.s32 @!p0 $0x1;
	_ =	shalt  }
.Lfunc_end2:
_tile_overlayer_lowered:
.L_overlay_start_2:
0x12b: {  	(tag) =	ssettag $0x2  }
0x12c: {  	s0 =	rddreg [dreg:$0x0];
	s2 =	stileid.u32  }
0x12d: {  	s1 =	rddreg [dreg:$0x1];
	p0 =	sne.s32 s2, $0x0  }
0x12e: {  	s3 =	rddreg [dreg:$0x2];
	[bflag:$0x3] =	sbarrier.arrive $0xFFFF;
	s2 =	simm.s32 @!p0 $0x1C08  }
0x12f: {  	[timem:s3], [sflag:s2] =	dma.local @!p0 [hbm:s0], s1  }
0x130: {  	s0 =	simm.s32 @!p0 $0x8  }
0x131: {  	_ =	swait.ge @!p0 [sflag:s0], s1  }
0x132: {  	s1 =	ssub.s32 @!p0 $0x0, s1;
	[sflag:s0] =	ssyncset.done @!p0 $0x0  }
0x133: {  	[sflag:s0] =	ssyncadd.s32 @!p0 s1  }
0x134: {  	[bflag:$0x3] =	sbarrier.arrive $0xFFFF  }
0x135: {  	_ =	shalt  }

</sc_bundles>
